<compile_context>
chip_gen: v7x
topology: tpu7x:2x2x1
jax: 0.10.2.dev20260603
libtpu: 0.0.44.dev20260713+nightly
codegen_flags: <defaults>
</compile_context>

<pallas_src>
import functools

import jax
import jax.numpy as jnp
from jax import lax
from jax.experimental import pallas as pl
from jax.experimental.pallas import tpu as pltpu
from jax.experimental.pallas import tpu_sc as plsc

F32 = jnp.float32
NC = 2
NS = 16
LN_EPS = 1e-5


def _sc_mesh():
    return plsc.VectorSubcoreMesh(core_axis_name="c", subcore_axis_name="s")


def _make_counts(E, Nn):
    epw = E // (NC * NS)
    nv = Nn // 16

    def body(s_hbm, r_hbm, hs_out, hr_out, sidx, ridx, hs, hr):
        cid = lax.axis_index("c")
        sid = lax.axis_index("s")
        wid = sid * NC + cid
        base = wid * epw
        pltpu.sync_copy(s_hbm.at[pl.ds(base, epw)], sidx)
        pltpu.sync_copy(r_hbm.at[pl.ds(base, epw)], ridx)
        zeros = jnp.zeros((16,), F32)

        def zero_body(i, carry):
            hs[pl.ds(i * 16, 16)] = zeros
            hr[pl.ds(i * 16, 16)] = zeros
            return carry

        lax.fori_loop(0, nv, zero_body, 0)
        ones = jnp.ones((16,), F32)

        def acc_body(i, carry):
            si = sidx[pl.ds(i * 16, 16)]
            plsc.addupdate_scatter(hs, [si], ones)
            ri = ridx[pl.ds(i * 16, 16)]
            plsc.addupdate_scatter(hr, [ri], ones)
            return carry

        lax.fori_loop(0, epw // 16, acc_body, 0)
        pltpu.sync_copy(hs, hs_out.at[pl.ds(wid * Nn, Nn)])
        pltpu.sync_copy(hr, hr_out.at[pl.ds(wid * Nn, Nn)])

    return pl.kernel(
        body,
        out_type=[
            jax.ShapeDtypeStruct((NC * NS * Nn,), F32),
            jax.ShapeDtypeStruct((NC * NS * Nn,), F32),
        ],
        mesh=_sc_mesh(),
        scratch_types=[
            pltpu.VMEM((epw,), jnp.int32),
            pltpu.VMEM((epw,), jnp.int32),
            pltpu.VMEM((Nn,), F32),
            pltpu.VMEM((Nn,), F32),
        ],
        compiler_params=pltpu.CompilerParams(needs_layout_passes=False),
    )


def _make_gather(E, Nn, D):
    nch = E // 128
    spt = 1000

    def body(ps_hbm, pr_hbm, s_hbm, r_hbm, gs_out, gr_out,
             tbl_sh, idx0, idx1, rows0, rows1, sem0, sem1):
        cid = lax.axis_index("c")
        sid = lax.axis_index("s")

        @pl.when(sid < Nn // spt)
        def _():
            @pl.when(cid == 0)
            def _():
                pltpu.sync_copy(ps_hbm.at[pl.ds(sid * spt, spt)],
                                tbl_sh.at[pl.ds(sid * spt, spt)])

            @pl.when(cid != 0)
            def _():
                pltpu.sync_copy(pr_hbm.at[pl.ds(sid * spt, spt)],
                                tbl_sh.at[pl.ds(sid * spt, spt)])

        plsc.subcore_barrier()
        lo = (nch * sid) // NS
        hi = (nch * (sid + 1)) // NS
        n = hi - lo
        rows = (rows0, rows1)
        idxs = (idx0, idx1)
        sems = (sem0, sem1)

        def run(idx_hbm, out_hbm):
            pltpu.sync_copy(idx_hbm.at[pl.ds(lo * 128, 128)], idx0)

            @pl.when(n > 0)
            def _():
                pltpu.async_copy(tbl_sh.at[idx0], rows0, sem0)

            def pair(i, carry):
                for b in range(2):
                    c = 2 * i + b

                    @pl.when(c < n)
                    def _():
                        @pl.when(c + 1 < n)
                        def _():
                            pltpu.sync_copy(
                                idx_hbm.at[pl.ds((lo + c + 1) * 128, 128)],
                                idxs[1 - b])
                            pltpu.async_copy(tbl_sh.at[idxs[1 - b]],
                                             rows[1 - b], sems[1 - b])

                        pltpu.make_async_copy(
                            tbl_sh.at[idxs[b]], rows[b], sems[b]).wait()
                        pltpu.sync_copy(
                            rows[b], out_hbm.at[pl.ds((lo + c) * 128, 128)])
                return carry

            lax.fori_loop(0, (n + 1) // 2, pair, 0)

        @pl.when(cid == 0)
        def _():
            run(s_hbm, gs_out)

        @pl.when(cid != 0)
        def _():
            run(r_hbm, gr_out)

    return pl.kernel(
        body,
        out_type=[
            jax.ShapeDtypeStruct((E, D), F32),
            jax.ShapeDtypeStruct((E, D), F32),
        ],
        mesh=_sc_mesh(),
        scratch_types=[
            pltpu.VMEM_SHARED((Nn, D), F32),
            pltpu.VMEM((128,), jnp.int32),
            pltpu.VMEM((128,), jnp.int32),
            pltpu.VMEM((128, D), F32),
            pltpu.VMEM((128, D), F32),
            pltpu.SemaphoreType.DMA,
            pltpu.SemaphoreType.DMA,
        ],
    )


def _make_scatter(E, Nn, D):
    nch = E // 128
    spt = 1000
    CAP = 79

    def body(ne_hbm, r_hbm, z_hbm, a0_out, a1_out,
             acc_sh, idx0, idx1, rows0, rows1, sem0, sem1):
        cid = lax.axis_index("c")
        sid = lax.axis_index("s")

        @pl.when(sid < Nn // spt)
        def _():
            pltpu.sync_copy(z_hbm.at[pl.ds(sid * spt, spt)],
                            acc_sh.at[pl.ds(sid * spt, spt)])

        plsc.subcore_barrier()
        ncc = nch // 2
        lo = cid * ncc + (ncc * sid) // NS
        hi = cid * ncc + (ncc * (sid + 1)) // NS
        n = hi - lo
        rows = (rows0, rows1)
        idxs = (idx0, idx1)
        sems = (sem0, sem1)

        pltpu.sync_copy(r_hbm.at[pl.ds(lo * 128, 128)], idx0)

        @pl.when(n > 0)
        def _():
            pltpu.async_copy(ne_hbm.at[pl.ds(lo * 128, 128)], rows0, sem0)

        def pair(i, carry):
            for b in range(2):
                c = 2 * i + b

                @pl.when(c < n)
                def _():
                    @pl.when(c + 1 < n)
                    def _():
                        pltpu.sync_copy(
                            r_hbm.at[pl.ds((lo + c + 1) * 128, 128)],
                            idxs[1 - b])
                        pltpu.async_copy(
                            ne_hbm.at[pl.ds((lo + c + 1) * 128, 128)],
                            rows[1 - b], sems[1 - b])

                    pltpu.make_async_copy(
                        ne_hbm.at[pl.ds((lo + c) * 128, 128)], rows[b],
                        sems[b]).wait()
                    pltpu.sync_copy(rows[b], acc_sh.at[idxs[b]], add=True)
            return carry

        lax.fori_loop(0, (n + 1) // 2, pair, 0)
        plsc.subcore_barrier()

        @pl.when(sid < Nn // spt)
        def _():
            @pl.when(cid == 0)
            def _():
                pltpu.sync_copy(acc_sh.at[pl.ds(sid * spt, spt)],
                                a0_out.at[pl.ds(sid * spt, spt)])

            @pl.when(cid != 0)
            def _():
                pltpu.sync_copy(acc_sh.at[pl.ds(sid * spt, spt)],
                                a1_out.at[pl.ds(sid * spt, spt)])

    return pl.kernel(
        body,
        out_type=[
            jax.ShapeDtypeStruct((Nn, D), F32),
            jax.ShapeDtypeStruct((Nn, D), F32),
        ],
        mesh=_sc_mesh(),
        scratch_types=[
            pltpu.VMEM_SHARED((Nn, D), F32),
            pltpu.VMEM((128,), jnp.int32),
            pltpu.VMEM((128,), jnp.int32),
            pltpu.VMEM((128, D), F32),
            pltpu.VMEM((128, D), F32),
            pltpu.SemaphoreType.DMA,
            pltpu.SemaphoreType.DMA,
        ],
    )


def _colstats_body(x_ref, su_ref, sq_ref):
    @pl.when(pl.program_id(0) == 0)
    def _():
        su_ref[...] = jnp.zeros_like(su_ref)
        sq_ref[...] = jnp.zeros_like(sq_ref)

    xv = x_ref[...]
    su_ref[...] += jnp.sum(xv, axis=0, keepdims=True)
    sq_ref[...] += jnp.sum(xv * xv, axis=0, keepdims=True)


def _colstats(x, tile):
    E, D = x.shape
    return pl.pallas_call(
        _colstats_body,
        grid=(E // tile,),
        in_specs=[pl.BlockSpec((tile, D), lambda i: (i, 0))],
        out_specs=[
            pl.BlockSpec((1, D), lambda i: (0, 0)),
            pl.BlockSpec((1, D), lambda i: (0, 0)),
        ],
        out_shape=[
            jax.ShapeDtypeStruct((1, D), F32),
            jax.ShapeDtypeStruct((1, D), F32),
        ],
        compiler_params=pltpu.CompilerParams(
            dimension_semantics=("arbitrary",)),
    )(x)


def _fold_body(E, nf_ref, hs_ref, hr_ref, easu_ref, easq_ref,
               bge_ref, bbe_ref, bgs_ref, bbs_ref, bgr_ref, bbr_ref,
               bbg_ref, w1e_ref, w1s_ref, w1r_ref, w1g_ref, b1_ref,
               ps_ref, pr_ref, ale_ref, cvec_ref):
    e_f = jnp.float32(E)
    nfv = nf_ref[...]
    cs = jnp.sum(hs_ref[...], axis=0, keepdims=True)
    cr = jnp.sum(hr_ref[...], axis=0, keepdims=True)

    def fold_block(cnt):
        m = jnp.dot(cnt, nfv, preferred_element_type=F32) / e_f
        q = jnp.dot(cnt, nfv * nfv, preferred_element_type=F32) / e_f
        return m, q - m * m

    m_s, v_s = fold_block(cs)
    m_r, v_r = fold_block(cr)
    a_s = bgs_ref[...] * lax.rsqrt(v_s + LN_EPS)
    d_s = bbs_ref[...] - m_s * a_s
    a_r = bgr_ref[...] * lax.rsqrt(v_r + LN_EPS)
    d_r = bbr_ref[...] - m_r * a_r
    m_e = easu_ref[...] / e_f
    v_e = easq_ref[...] / e_f - m_e * m_e
    a_e = bge_ref[...] * lax.rsqrt(v_e + LN_EPS)
    d_e = bbe_ref[...] - m_e * a_e
    ps_ref[...] = jnp.dot(nfv * a_s, w1s_ref[...], preferred_element_type=F32)
    pr_ref[...] = jnp.dot(nfv * a_r, w1r_ref[...], preferred_element_type=F32)
    ale_ref[...] = a_e
    cvec_ref[...] = (
        b1_ref[...]
        + jnp.dot(d_e, w1e_ref[...], preferred_element_type=F32)
        + jnp.dot(d_s, w1s_ref[...], preferred_element_type=F32)
        + jnp.dot(d_r, w1r_ref[...], preferred_element_type=F32)
        + jnp.dot(bbg_ref[...], w1g_ref[...], preferred_element_type=F32)
    )


def _layer_norm(h, lng, lnb):
    mu = jnp.mean(h, axis=-1, keepdims=True)
    var = jnp.mean((h - mu) ** 2, axis=-1, keepdims=True)
    return (h - mu) * lax.rsqrt(var + LN_EPS) * lng + lnb


def _edge_mlp_body(gs_ref, gr_ref, ea8_ref, w1big_ref, cvec_ref,
                   w2_ref, b2_ref, lng_ref, lnb_ref, out_ref):
    te = gs_ref.shape[0]
    z_ea = jnp.dot(ea8_ref[...], w1big_ref[...],
                   preferred_element_type=F32).reshape(te, -1)
    z1 = gs_ref[...] + gr_ref[...] + cvec_ref[...] + z_ea
    h = jnp.maximum(z1, 0.0)
    h = jnp.dot(h, w2_ref[...], preferred_element_type=F32) + b2_ref[...]
    h = jnp.maximum(h, 0.0)
    out_ref[...] = _layer_norm(h, lng_ref[...], lnb_ref[...])


def _node_body(Nn, a0_ref, a1_ref, nf_ref,
               bga_ref, bba_ref, bgn_ref, bbn_ref, bbgg_ref,
               w1a_ref, w1n_ref, w1g_ref, b1_ref, w2_ref, b2_ref,
               lng_ref, lnb_ref,
               gbnb_ref, gw1_ref, gb1_ref, gw2_ref, gb2_ref,
               glng_ref, glnb_ref,
               nodes_ref, glob_ref):
    n_f = jnp.float32(Nn)
    agg = a0_ref[...] + a1_ref[...]
    nfv = nf_ref[...]

    def colstats(x):
        m = jnp.sum(x, axis=0, keepdims=True) / n_f
        q = jnp.sum(x * x, axis=0, keepdims=True) / n_f
        return m, q - m * m

    m_a, v_a = colstats(agg)
    m_n, v_n = colstats(nfv)
    a_a = bga_ref[...] * lax.rsqrt(v_a + LN_EPS)
    d_a = bba_ref[...] - m_a * a_a
    a_n = bgn_ref[...] * lax.rsqrt(v_n + LN_EPS)
    d_n = bbn_ref[...] - m_n * a_n
    cvec = (b1_ref[...]
            + jnp.dot(d_a, w1a_ref[...], preferred_element_type=F32)
            + jnp.dot(d_n, w1n_ref[...], preferred_element_type=F32)
            + jnp.dot(bbgg_ref[...], w1g_ref[...], preferred_element_type=F32))
    z = (jnp.dot(agg * a_a, w1a_ref[...], preferred_element_type=F32)
         + jnp.dot(nfv * a_n, w1n_ref[...], preferred_element_type=F32)
         + cvec)
    h = jnp.maximum(z, 0.0)
    h = jnp.dot(h, w2_ref[...], preferred_element_type=F32) + b2_ref[...]
    h = jnp.maximum(h, 0.0)
    nodes_ref[...] = _layer_norm(h, lng_ref[...], lnb_ref[...])

    hg = jnp.maximum(
        jnp.dot(gbnb_ref[...], gw1_ref[...], preferred_element_type=F32)
        + gb1_ref[...], 0.0)
    hg = jnp.maximum(
        jnp.dot(hg, gw2_ref[...], preferred_element_type=F32)
        + gb2_ref[...], 0.0)
    glob_ref[...] = _layer_norm(hg, glng_ref[...], glnb_ref[...])


def _full_spec(shape):
    return pl.BlockSpec(shape, lambda *_: tuple(0 for _ in shape))


def kernel(node_feat, edge_attr, edge_index, global_feat,
           edge_params, node_params, global_params):
    Nn, DN = node_feat.shape
    E, DE = edge_attr.shape
    DG = global_feat.shape[-1]
    D = DN

    s = edge_index[0]
    r = edge_index[1]

    ep, np_, gp = edge_params, node_params, global_params
    row = lambda a: a.reshape(1, -1)

    hist_s, hist_r = _make_counts(E, Nn)(s, r)
    hist_s = hist_s.reshape(NC * NS, Nn)
    hist_r = hist_r.reshape(NC * NS, Nn)
    grp = 128 // DE
    ea8 = edge_attr.reshape(E // grp, 128)
    easu128, easq128 = _colstats(ea8, 4000)
    easu = easu128.reshape(grp, DE).sum(axis=0).reshape(1, DE)
    easq = easq128.reshape(grp, DE).sum(axis=0).reshape(1, DE)

    w1 = ep["W1"]
    fold = pl.pallas_call(
        functools.partial(_fold_body, E),
        in_specs=[
            _full_spec((Nn, DN)), _full_spec((NC * NS, Nn)),
            _full_spec((NC * NS, Nn)),
            _full_spec((1, DE)), _full_spec((1, DE)),
            _full_spec((1, DE)), _full_spec((1, DE)),
            _full_spec((1, DN)), _full_spec((1, DN)),
            _full_spec((1, DN)), _full_spec((1, DN)),
            _full_spec((1, DG)),
            _full_spec((DE, D)), _full_spec((DN, D)),
            _full_spec((DN, D)), _full_spec((DG, D)),
            _full_spec((1, D)),
        ],
        out_specs=[
            _full_spec((Nn, D)), _full_spec((Nn, D)),
            _full_spec((1, DE)), _full_spec((1, D)),
        ],
        out_shape=[
            jax.ShapeDtypeStruct((Nn, D), F32),
            jax.ShapeDtypeStruct((Nn, D), F32),
            jax.ShapeDtypeStruct((1, DE), F32),
            jax.ShapeDtypeStruct((1, D), F32),
        ],
    )
    p_s, p_r, al_e, cvec = fold(
        node_feat, hist_s, hist_r, easu, easq,
        row(ep["bn_g"][:DE]), row(ep["bn_b"][:DE]),
        row(ep["bn_g"][DE:DE + DN]), row(ep["bn_b"][DE:DE + DN]),
        row(ep["bn_g"][DE + DN:DE + 2 * DN]),
        row(ep["bn_b"][DE + DN:DE + 2 * DN]),
        row(ep["bn_b"][DE + 2 * DN:]),
        w1[:DE], w1[DE:DE + DN], w1[DE + DN:DE + 2 * DN], w1[DE + 2 * DN:],
        row(ep["b1"]),
    )

    gs_arr, gr_arr = _make_gather(E, Nn, D)(p_s, p_r, s, r)

    scaled_w1e = al_e.reshape(DE, 1) * w1[:DE]
    w1big = jnp.einsum("ab,io->aibo", jnp.eye(grp, dtype=F32),
                       scaled_w1e).reshape(128, grp * D)
    TE = 3200
    edge_call = pl.pallas_call(
        _edge_mlp_body,
        grid=(E // TE,),
        in_specs=[
            pl.BlockSpec((TE, D), lambda i: (i, 0)),
            pl.BlockSpec((TE, D), lambda i: (i, 0)),
            pl.BlockSpec((TE // grp, 128), lambda i: (i, 0)),
            pl.BlockSpec((128, grp * D), lambda i: (0, 0)),
            pl.BlockSpec((1, D), lambda i: (0, 0)),
            pl.BlockSpec((D, D), lambda i: (0, 0)),
            pl.BlockSpec((1, D), lambda i: (0, 0)),
            pl.BlockSpec((1, D), lambda i: (0, 0)),
            pl.BlockSpec((1, D), lambda i: (0, 0)),
        ],
        out_specs=pl.BlockSpec((TE, D), lambda i: (i, 0)),
        out_shape=jax.ShapeDtypeStruct((E, D), F32),
        compiler_params=pltpu.CompilerParams(
            dimension_semantics=("arbitrary",)),
    )
    new_edges = edge_call(
        gs_arr, gr_arr, ea8, w1big, cvec,
        ep["W2"], row(ep["b2"]), row(ep["ln_g"]), row(ep["ln_b"]))

    zsrc = jnp.zeros((Nn, D), F32)
    a0, a1 = _make_scatter(E, Nn, D)(new_edges, r, zsrc)

    w1n = np_["W1"]
    NODE_IN = D + DN + DG
    GLOBAL_IN = gp["W1"].shape[0]
    node_call = pl.pallas_call(
        functools.partial(_node_body, Nn),
        in_specs=[
            _full_spec((Nn, D)), _full_spec((Nn, D)), _full_spec((Nn, DN)),
            _full_spec((1, D)), _full_spec((1, D)),
            _full_spec((1, DN)), _full_spec((1, DN)),
            _full_spec((1, DG)),
            _full_spec((D, D)), _full_spec((DN, D)), _full_spec((DG, D)),
            _full_spec((1, D)), _full_spec((D, D)), _full_spec((1, D)),
            _full_spec((1, D)), _full_spec((1, D)),
            _full_spec((1, GLOBAL_IN)), _full_spec((GLOBAL_IN, D)),
            _full_spec((1, D)), _full_spec((D, D)), _full_spec((1, D)),
            _full_spec((1, D)), _full_spec((1, D)),
        ],
        out_specs=[
            _full_spec((Nn, D)),
            _full_spec((1, D)),
        ],
        out_shape=[
            jax.ShapeDtypeStruct((Nn, D), F32),
            jax.ShapeDtypeStruct((1, D), F32),
        ],
    )
    new_nodes, new_global = node_call(
        a0, a1, node_feat,
        row(np_["bn_g"][:D]), row(np_["bn_b"][:D]),
        row(np_["bn_g"][D:D + DN]), row(np_["bn_b"][D:D + DN]),
        row(np_["bn_b"][D + DN:]),
        w1n[:D], w1n[D:D + DN], w1n[D + DN:],
        row(np_["b1"]), np_["W2"], row(np_["b2"]),
        row(np_["ln_g"]), row(np_["ln_b"]),
        row(gp["bn_b"]), gp["W1"], row(gp["b1"]), gp["W2"], row(gp["b2"]),
        row(gp["ln_g"]), row(gp["ln_b"]),
    )
    return (new_nodes, new_edges, new_global)

# --- scband reference (transcript-rebuilt; emitter-appended) ---
"""Pipeline reference for scband-graph-encoder-65249143160980 (READ-ONLY COPY).

The authoritative reference and input builder live on the scoring server;
editing this copy changes nothing except your own understanding.
"""

import jax, jax.numpy as jnp
import numpy as np

N = 10000
E = 320000
D_NODE = 128
D_EDGE = 16
D_GLOBAL = 16
EDGE_IN = D_EDGE + 2 * D_NODE + D_GLOBAL
EDGE_OUT = 128
NODE_IN = EDGE_OUT + D_NODE + D_GLOBAL
NODE_OUT = 128
GLOBAL_IN = EDGE_OUT + NODE_OUT + D_GLOBAL
GLOBAL_OUT = 128


def _mlp_params(key, din, dout):
    k1, k2 = jax.random.split(key)
    return {
        "bn_g": jnp.ones((din,), jnp.float32),
        "bn_b": jnp.zeros((din,), jnp.float32),
        "W1": jax.random.normal(k1, (din, dout), jnp.float32) / np.sqrt(din).astype(np.float32),
        "b1": jnp.zeros((dout,), jnp.float32),
        "W2": jax.random.normal(k2, (dout, dout), jnp.float32) / np.sqrt(dout).astype(np.float32),
        "b2": jnp.zeros((dout,), jnp.float32),
        "ln_g": jnp.ones((dout,), jnp.float32),
        "ln_b": jnp.zeros((dout,), jnp.float32),
    }


def _mlp(p, x):
    # BatchNorm1d (training-mode batch stats), Linear, ReLU, Linear, ReLU, LayerNorm.
    # Dropout is identity in eval mode.
    mean = jnp.mean(x, axis=0, keepdims=True)
    var = jnp.var(x, axis=0, keepdims=True)
    h = (x - mean) / jnp.sqrt(var + 1e-5) * p["bn_g"] + p["bn_b"]
    h = jax.nn.relu(h @ p["W1"] + p["b1"])
    h = jax.nn.relu(h @ p["W2"] + p["b2"])
    mu = jnp.mean(h, axis=-1, keepdims=True)
    v = jnp.var(h, axis=-1, keepdims=True)
    return (h - mu) / jnp.sqrt(v + 1e-5) * p["ln_g"] + p["ln_b"]


def setup_inputs(seed: int = 0):
    key = jax.random.key(seed)
    ks = jax.random.split(key, 7)
    node_feat = jax.random.normal(ks[0], (N, D_NODE), jnp.float32)
    edge_attr = jax.random.normal(ks[1], (E, D_EDGE), jnp.float32)
    edge_index = jax.random.randint(ks[2], (2, E), 0, N, jnp.int32)
    global_feat = jax.random.normal(ks[3], (1, D_GLOBAL), jnp.float32)
    edge_params = _mlp_params(ks[4], EDGE_IN, EDGE_OUT)
    node_params = _mlp_params(ks[5], NODE_IN, NODE_OUT)
    global_params = _mlp_params(ks[6], GLOBAL_IN, GLOBAL_OUT)
    return {
        "node_feat": node_feat,
        "edge_attr": edge_attr,
        "edge_index": edge_index,
        "global_feat": global_feat,
        "edge_params": edge_params,
        "node_params": node_params,
        "global_params": global_params,
    }


def reference(node_feat, edge_attr, edge_index, global_feat, edge_params, node_params, global_params):
    senders = edge_index[0]
    receivers = edge_index[1]
    e = edge_attr.shape[0]
    n = node_feat.shape[0]
    dg = global_feat.shape[-1]
    # Edge block: concat(edge, sender node, receiver node, broadcast global) -> edge MLP
    g_e = jnp.broadcast_to(global_feat, (e, dg))
    edge_in = jnp.concatenate(
        [edge_attr, jnp.take(node_feat, senders, axis=0), jnp.take(node_feat, receivers, axis=0), g_e], axis=-1
    )
    new_edges = _mlp(edge_params, edge_in)
    # Node block: scatter-add received edges per node, concat(agg, node, global) -> node MLP
    agg = jax.ops.segment_sum(new_edges, receivers, num_segments=n)
    g_n = jnp.broadcast_to(global_feat, (n, dg))
    node_in = jnp.concatenate([agg, node_feat, g_n], axis=-1)
    new_nodes = _mlp(node_params, node_in)
    # Global block: reduce edges and nodes, concat with global -> global MLP
    glob_in = jnp.concatenate(
        [jnp.sum(new_edges, axis=0, keepdims=True), jnp.sum(new_nodes, axis=0, keepdims=True), global_feat], axis=-1
    )
    new_global = _mlp(global_params, glob_in)
    return (new_nodes, new_edges, new_global)

if __name__ == "__main__":
    import jax
    _d = setup_inputs()
    print(jax.jit(kernel)(*tuple(_d.values())))

</pallas_src>

<mosaic_0001>
#map = affine_map<(d0, d1) -> (0, 0)>
#map1 = affine_map<(d0, d1) -> (0)>
module attributes {stable_mosaic.version = 14 : i64} {
  func.func @body(%arg0: i32, %arg1: i32, %arg2: memref<10000x128xf32, #tpu.memory_space<hbm>>, %arg3: memref<10000x128xf32, #tpu.memory_space<hbm>>, %arg4: memref<320000xi32, #tpu.memory_space<hbm>>, %arg5: memref<320000xi32, #tpu.memory_space<hbm>>, %arg6: memref<320000x128xf32, #tpu.memory_space<hbm>>, %arg7: memref<320000x128xf32, #tpu.memory_space<hbm>>, %arg8: memref<10000x128xf32, #tpu.memory_space<vmem_shared>>, %arg9: memref<128xi32, #tpu.memory_space<vmem>>, %arg10: memref<128xi32, #tpu.memory_space<vmem>>, %arg11: memref<128x128xf32, #tpu.memory_space<vmem>>, %arg12: memref<128x128xf32, #tpu.memory_space<vmem>>, %arg13: memref<!tpu.dma_semaphore, #tpu.memory_space<semaphore_mem>>, %arg14: memref<!tpu.dma_semaphore, #tpu.memory_space<semaphore_mem>>) attributes {dimension_semantics = [#tpu.dimension_semantics<core_parallel>, #tpu.dimension_semantics<subcore_parallel>], iteration_bounds = array<i64: 2, 16>, scalar_prefetch = 0 : i64, scratch_operands = 7 : i64, tpu.core_type = #tpu.core_type<sc_vector_subcore>, window_params = [{transform_indices = #map}, {transform_indices = #map}, {transform_indices = #map1}, {transform_indices = #map1}, {transform_indices = #map}, {transform_indices = #map}]} {
    %lt3A = arith.constant 10 : i32
    %lt3A_0 = arith.cmpi slt, %arg1, %lt3A : i32
    %convert_element_type3A = arith.extui %lt3A_0 : i1 to i32
    %cond3A = arith.constant 0 : i32
    %cond3A_1 = arith.cmpi ne, %convert_element_type3A, %cond3A : i32
    scf.if %cond3A_1 {
      %eq3A_56 = arith.constant 0 : i32
      %eq3A_57 = arith.cmpi eq, %arg0, %eq3A_56 : i32
      %convert_element_type3A_58 = arith.extui %eq3A_57 : i1 to i32
      %cond3A_59 = arith.constant 0 : i32
      %cond3A_60 = arith.cmpi ne, %convert_element_type3A_58, %cond3A_59 : i32
      scf.if %cond3A_60 {
        %mul3A_66 = arith.constant 1000 : i32
        %mul3A_67 = arith.muli %arg1, %mul3A_66 : i32
        %mul3A_68 = arith.constant 1000 : i32
        %mul3A_69 = arith.muli %arg1, %mul3A_68 : i32
        "tpu.region"() ({
          %run_scoped3A = tpu.sem_alloc : memref<!tpu.dma_semaphore, #tpu.memory_space<semaphore_mem>>
          %dma_start3A = arith.constant 0 : i32
          %dma_start3A_70 = tpu.memref_slice %arg8[%mul3A_69, %dma_start3A] : memref<10000x128xf32, #tpu.memory_space<vmem_shared>> -> memref<1000x128xf32, #tpu.memory_space<vmem_shared>>
          %dma_start3A_71 = arith.constant 0 : i32
          %dma_start3A_72 = tpu.memref_slice %arg2[%mul3A_67, %dma_start3A_71] : memref<10000x128xf32, #tpu.memory_space<hbm>> -> memref<1000x128xf32, #tpu.memory_space<hbm>>
          tpu.enqueue_dma source(%dma_start3A_72 : memref<1000x128xf32, #tpu.memory_space<hbm>>) target(%dma_start3A_70 : memref<1000x128xf32, #tpu.memory_space<vmem_shared>>) target_semaphore(%run_scoped3A : memref<!tpu.dma_semaphore, #tpu.memory_space<semaphore_mem>>)
          %dma_wait3A = arith.constant 0 : i32
          %dma_wait3A_73 = tpu.memref_slice %arg8[%mul3A_69, %dma_wait3A] : memref<10000x128xf32, #tpu.memory_space<vmem_shared>> -> memref<1000x128xf32, #tpu.memory_space<vmem_shared>>
          %dma_wait3A_74 = arith.constant 0 : i32
          %dma_wait3A_75 = tpu.memref_slice %arg2[%mul3A_67, %dma_wait3A_74] : memref<10000x128xf32, #tpu.memory_space<hbm>> -> memref<1000x128xf32, #tpu.memory_space<hbm>>
          tpu.wait_dma2 semaphore(%run_scoped3A : memref<!tpu.dma_semaphore, #tpu.memory_space<semaphore_mem>>) src(%dma_wait3A_75 : memref<1000x128xf32, #tpu.memory_space<hbm>>) dst(%dma_wait3A_73 : memref<1000x128xf32, #tpu.memory_space<vmem_shared>>)
          tpu.yield
        }) : () -> ()
      } else {
      }
      %ne3A_61 = arith.constant 0 : i32
      %ne3A_62 = arith.cmpi ne, %arg0, %ne3A_61 : i32
      %convert_element_type3A_63 = arith.extui %ne3A_62 : i1 to i32
      %cond3A_64 = arith.constant 0 : i32
      %cond3A_65 = arith.cmpi ne, %convert_element_type3A_63, %cond3A_64 : i32
      scf.if %cond3A_65 {
        %mul3A_66 = arith.constant 1000 : i32
        %mul3A_67 = arith.muli %arg1, %mul3A_66 : i32
        %mul3A_68 = arith.constant 1000 : i32
        %mul3A_69 = arith.muli %arg1, %mul3A_68 : i32
        "tpu.region"() ({
          %run_scoped3A = tpu.sem_alloc : memref<!tpu.dma_semaphore, #tpu.memory_space<semaphore_mem>>
          %dma_start3A = arith.constant 0 : i32
          %dma_start3A_70 = tpu.memref_slice %arg8[%mul3A_69, %dma_start3A] : memref<10000x128xf32, #tpu.memory_space<vmem_shared>> -> memref<1000x128xf32, #tpu.memory_space<vmem_shared>>
          %dma_start3A_71 = arith.constant 0 : i32
          %dma_start3A_72 = tpu.memref_slice %arg3[%mul3A_67, %dma_start3A_71] : memref<10000x128xf32, #tpu.memory_space<hbm>> -> memref<1000x128xf32, #tpu.memory_space<hbm>>
          tpu.enqueue_dma source(%dma_start3A_72 : memref<1000x128xf32, #tpu.memory_space<hbm>>) target(%dma_start3A_70 : memref<1000x128xf32, #tpu.memory_space<vmem_shared>>) target_semaphore(%run_scoped3A : memref<!tpu.dma_semaphore, #tpu.memory_space<semaphore_mem>>)
          %dma_wait3A = arith.constant 0 : i32
          %dma_wait3A_73 = tpu.memref_slice %arg8[%mul3A_69, %dma_wait3A] : memref<10000x128xf32, #tpu.memory_space<vmem_shared>> -> memref<1000x128xf32, #tpu.memory_space<vmem_shared>>
          %dma_wait3A_74 = arith.constant 0 : i32
          %dma_wait3A_75 = tpu.memref_slice %arg3[%mul3A_67, %dma_wait3A_74] : memref<10000x128xf32, #tpu.memory_space<hbm>> -> memref<1000x128xf32, #tpu.memory_space<hbm>>
          tpu.wait_dma2 semaphore(%run_scoped3A : memref<!tpu.dma_semaphore, #tpu.memory_space<semaphore_mem>>) src(%dma_wait3A_75 : memref<1000x128xf32, #tpu.memory_space<hbm>>) dst(%dma_wait3A_73 : memref<1000x128xf32, #tpu.memory_space<vmem_shared>>)
          tpu.yield
        }) : () -> ()
      } else {
      }
    } else {
    }
    %barrier3A = arith.constant 0 : index
    tpu.barrier barrier_id(%barrier3A)
    %mul3A = arith.constant 2500 : i32
    %mul3A_2 = arith.muli %mul3A, %arg1 : i32
    %jit3A = arith.constant 16 : i32
    %div3A = arith.divsi %mul3A_2, %jit3A : i32
    %sign3A = arith.constant 0 : i32
    %sign3A_3 = arith.cmpi sgt, %mul3A_2, %sign3A : i32
    %sign3A_4 = arith.extui %sign3A_3 : i1 to i32
    %sign3A_5 = arith.constant 0 : i32
    %sign3A_6 = arith.cmpi slt, %mul3A_2, %sign3A_5 : i32
    %sign3A_7 = arith.extui %sign3A_6 : i1 to i32
    %sign3A_8 = arith.subi %sign3A_4, %sign3A_7 : i32
    %sign3A_9 = arith.constant 0 : i32
    %sign3A_10 = arith.cmpi sgt, %jit3A, %sign3A_9 : i32
    %sign3A_11 = arith.extui %sign3A_10 : i1 to i32
    %sign3A_12 = arith.constant 0 : i32
    %sign3A_13 = arith.cmpi slt, %jit3A, %sign3A_12 : i32
    %sign3A_14 = arith.extui %sign3A_13 : i1 to i32
    %sign3A_15 = arith.subi %sign3A_11, %sign3A_14 : i32
    %ne3A = arith.cmpi ne, %sign3A_8, %sign3A_15 : i32
    %rem3A = arith.remsi %mul3A_2, %jit3A : i32
    %ne3A_16 = arith.constant 0 : i32
    %ne3A_17 = arith.cmpi ne, %rem3A, %ne3A_16 : i32
    %and3A = arith.andi %ne3A, %ne3A_17 : i1
    %sub3A = arith.constant 1 : i32
    %sub3A_18 = arith.subi %div3A, %sub3A : i32
    %select_n3A = arith.select %and3A, %sub3A_18, %div3A : i32
    %add3A = arith.constant 1 : i32
    %add3A_19 = arith.addi %arg1, %add3A : i32
    %mul3A_20 = arith.constant 2500 : i32
    %mul3A_21 = arith.muli %mul3A_20, %add3A_19 : i32
    %jit3A_22 = arith.constant 16 : i32
    %div3A_23 = arith.divsi %mul3A_21, %jit3A_22 : i32
    %sign3A_24 = arith.constant 0 : i32
    %sign3A_25 = arith.cmpi sgt, %mul3A_21, %sign3A_24 : i32
    %sign3A_26 = arith.extui %sign3A_25 : i1 to i32
    %sign3A_27 = arith.constant 0 : i32
    %sign3A_28 = arith.cmpi slt, %mul3A_21, %sign3A_27 : i32
    %sign3A_29 = arith.extui %sign3A_28 : i1 to i32
    %sign3A_30 = arith.subi %sign3A_26, %sign3A_29 : i32
    %sign3A_31 = arith.constant 0 : i32
    %sign3A_32 = arith.cmpi sgt, %jit3A_22, %sign3A_31 : i32
    %sign3A_33 = arith.extui %sign3A_32 : i1 to i32
    %sign3A_34 = arith.constant 0 : i32
    %sign3A_35 = arith.cmpi slt, %jit3A_22, %sign3A_34 : i32
    %sign3A_36 = arith.extui %sign3A_35 : i1 to i32
    %sign3A_37 = arith.subi %sign3A_33, %sign3A_36 : i32
    %ne3A_38 = arith.cmpi ne, %sign3A_30, %sign3A_37 : i32
    %rem3A_39 = arith.remsi %mul3A_21, %jit3A_22 : i32
    %ne3A_40 = arith.constant 0 : i32
    %ne3A_41 = arith.cmpi ne, %rem3A_39, %ne3A_40 : i32
    %and3A_42 = arith.andi %ne3A_38, %ne3A_41 : i1
    %sub3A_43 = arith.constant 1 : i32
    %sub3A_44 = arith.subi %div3A_23, %sub3A_43 : i32
    %select_n3A_45 = arith.select %and3A_42, %sub3A_44, %div3A_23 : i32
    %sub3A_46 = arith.subi %select_n3A_45, %select_n3A : i32
    %eq3A = arith.constant 0 : i32
    %eq3A_47 = arith.cmpi eq, %arg0, %eq3A : i32
    %convert_element_type3A_48 = arith.extui %eq3A_47 : i1 to i32
    %cond3A_49 = arith.constant 0 : i32
    %cond3A_50 = arith.cmpi ne, %convert_element_type3A_48, %cond3A_49 : i32
    scf.if %cond3A_50 {
      %mul3A_56 = arith.constant 128 : i32
      %mul3A_57 = arith.muli %select_n3A, %mul3A_56 : i32
      "tpu.region"() ({
        %run_scoped3A = tpu.sem_alloc : memref<!tpu.dma_semaphore, #tpu.memory_space<semaphore_mem>>
        %dma_start3A = tpu.memref_slice %arg4[%mul3A_57] : memref<320000xi32, #tpu.memory_space<hbm>> -> memref<128xi32, #tpu.memory_space<hbm>>
        %dma_start3A_97 = tpu.memref_slice %arg4[%mul3A_57] : memref<320000xi32, #tpu.memory_space<hbm>> -> memref<128xi32, #tpu.memory_space<hbm>>
        tpu.enqueue_dma source(%dma_start3A_97 : memref<128xi32, #tpu.memory_space<hbm>>) target(%arg9 : memref<128xi32, #tpu.memory_space<vmem>>) target_semaphore(%run_scoped3A : memref<!tpu.dma_semaphore, #tpu.memory_space<semaphore_mem>>)
        %dma_wait3A = tpu.memref_slice %arg4[%mul3A_57] : memref<320000xi32, #tpu.memory_space<hbm>> -> memref<128xi32, #tpu.memory_space<hbm>>
        %dma_wait3A_98 = tpu.memref_slice %arg4[%mul3A_57] : memref<320000xi32, #tpu.memory_space<hbm>> -> memref<128xi32, #tpu.memory_space<hbm>>
        tpu.wait_dma2 semaphore(%run_scoped3A : memref<!tpu.dma_semaphore, #tpu.memory_space<semaphore_mem>>) src(%dma_wait3A_98 : memref<128xi32, #tpu.memory_space<hbm>>) dst(%arg9 : memref<128xi32, #tpu.memory_space<vmem>>)
        tpu.yield
      }) : () -> ()
      %gt3A = arith.constant 0 : i32
      %gt3A_58 = arith.cmpi sgt, %sub3A_46, %gt3A : i32
      %convert_element_type3A_59 = arith.extui %gt3A_58 : i1 to i32
      %cond3A_60 = arith.constant 0 : i32
      %cond3A_61 = arith.cmpi ne, %convert_element_type3A_59, %cond3A_60 : i32
      scf.if %cond3A_61 {
        %dma_start3A = arith.constant 0 : i32
        %dma_start3A_97 = arith.constant 0 : i32
        %dma_start3A_98 = tpu.memref_slice %arg8[%dma_start3A, %dma_start3A_97] : memref<10000x128xf32, #tpu.memory_space<vmem_shared>> -> memref<10000x128xf32, #tpu.memory_space<vmem_shared>>
        tpu.enqueue_indirect_dma source(%dma_start3A_98 : memref<10000x128xf32, #tpu.memory_space<vmem_shared>>) target(%arg11 : memref<128x128xf32, #tpu.memory_space<vmem>>) offsets(%arg9 : memref<128xi32, #tpu.memory_space<vmem>>) semaphore(%arg13 : memref<!tpu.dma_semaphore, #tpu.memory_space<semaphore_mem>>)
      } else {
      }
      %add3A_62 = arith.constant 1 : i32
      %add3A_63 = arith.addi %sub3A_46, %add3A_62 : i32
      %jit3A_64 = arith.constant 2 : i32
      %div3A_65 = arith.divsi %add3A_63, %jit3A_64 : i32
      %sign3A_66 = arith.constant 0 : i32
      %sign3A_67 = arith.cmpi sgt, %add3A_63, %sign3A_66 : i32
      %sign3A_68 = arith.extui %sign3A_67 : i1 to i32
      %sign3A_69 = arith.constant 0 : i32
      %sign3A_70 = arith.cmpi slt, %add3A_63, %sign3A_69 : i32
      %sign3A_71 = arith.extui %sign3A_70 : i1 to i32
      %sign3A_72 = arith.subi %sign3A_68, %sign3A_71 : i32
      %sign3A_73 = arith.constant 0 : i32
      %sign3A_74 = arith.cmpi sgt, %jit3A_64, %sign3A_73 : i32
      %sign3A_75 = arith.extui %sign3A_74 : i1 to i32
      %sign3A_76 = arith.constant 0 : i32
      %sign3A_77 = arith.cmpi slt, %jit3A_64, %sign3A_76 : i32
      %sign3A_78 = arith.extui %sign3A_77 : i1 to i32
      %sign3A_79 = arith.subi %sign3A_75, %sign3A_78 : i32
      %ne3A_80 = arith.cmpi ne, %sign3A_72, %sign3A_79 : i32
      %rem3A_81 = arith.remsi %add3A_63, %jit3A_64 : i32
      %ne3A_82 = arith.constant 0 : i32
      %ne3A_83 = arith.cmpi ne, %rem3A_81, %ne3A_82 : i32
      %and3A_84 = arith.andi %ne3A_80, %ne3A_83 : i1
      %sub3A_85 = arith.constant 1 : i32
      %sub3A_86 = arith.subi %div3A_65, %sub3A_85 : i32
      %select_n3A_87 = arith.select %and3A_84, %sub3A_86, %div3A_65 : i32
      %while3A = arith.constant 0 : i32
      %while3A_88 = arith.constant 0 : i32
      %while3A_89 = arith.subi %select_n3A_87, %while3A_88 : i32
      %while3A_90 = arith.addi %while3A_88, %while3A_89 : i32
      %while3A_91 = arith.constant 1 : i32
      %while3A_92 = arith.divsi %while3A_89, %while3A_91 : i32
      %while3A_93 = arith.muli %while3A_92, %while3A_91 : i32
      %while3A_94 = arith.addi %while3A_88, %while3A_93 : i32
      %while3A_95 = arith.constant 1 : i32
      scf.for %while3A_97 = %while3A_88 to %while3A_94 step %while3A_95  : i32 {
        %mul3A_98 = arith.constant 2 : i32
        %mul3A_99 = arith.muli %mul3A_98, %while3A_97 : i32
        %add3A_100 = arith.constant 0 : i32
        %add3A_101 = arith.addi %mul3A_99, %add3A_100 : i32
        %lt3A_102 = arith.cmpi slt, %add3A_101, %sub3A_46 : i32
        %convert_element_type3A_103 = arith.extui %lt3A_102 : i1 to i32
        %cond3A_104 = arith.constant 0 : i32
        %cond3A_105 = arith.cmpi ne, %convert_element_type3A_103, %cond3A_104 : i32
        scf.if %cond3A_105 {
          %add3A_114 = arith.constant 1 : i32
          %add3A_115 = arith.addi %add3A_101, %add3A_114 : i32
          %lt3A_116 = arith.cmpi slt, %add3A_115, %sub3A_46 : i32
          %convert_element_type3A_117 = arith.extui %lt3A_116 : i1 to i32
          %cond3A_118 = arith.constant 0 : i32
          %cond3A_119 = arith.cmpi ne, %convert_element_type3A_117, %cond3A_118 : i32
          scf.if %cond3A_119 {
            %add3A_125 = arith.addi %select_n3A, %add3A_101 : i32
            %add3A_126 = arith.constant 1 : i32
            %add3A_127 = arith.addi %add3A_125, %add3A_126 : i32
            %mul3A_128 = arith.constant 128 : i32
            %mul3A_129 = arith.muli %add3A_127, %mul3A_128 : i32
            "tpu.region"() ({
              %run_scoped3A = tpu.sem_alloc : memref<!tpu.dma_semaphore, #tpu.memory_space<semaphore_mem>>
              %dma_start3A_132 = tpu.memref_slice %arg4[%mul3A_129] : memref<320000xi32, #tpu.memory_space<hbm>> -> memref<128xi32, #tpu.memory_space<hbm>>
              %dma_start3A_133 = tpu.memref_slice %arg4[%mul3A_129] : memref<320000xi32, #tpu.memory_space<hbm>> -> memref<128xi32, #tpu.memory_space<hbm>>
              tpu.enqueue_dma source(%dma_start3A_133 : memref<128xi32, #tpu.memory_space<hbm>>) target(%arg10 : memref<128xi32, #tpu.memory_space<vmem>>) target_semaphore(%run_scoped3A : memref<!tpu.dma_semaphore, #tpu.memory_space<semaphore_mem>>)
              %dma_wait3A_134 = tpu.memref_slice %arg4[%mul3A_129] : memref<320000xi32, #tpu.memory_space<hbm>> -> memref<128xi32, #tpu.memory_space<hbm>>
              %dma_wait3A_135 = tpu.memref_slice %arg4[%mul3A_129] : memref<320000xi32, #tpu.memory_space<hbm>> -> memref<128xi32, #tpu.memory_space<hbm>>
              tpu.wait_dma2 semaphore(%run_scoped3A : memref<!tpu.dma_semaphore, #tpu.memory_space<semaphore_mem>>) src(%dma_wait3A_135 : memref<128xi32, #tpu.memory_space<hbm>>) dst(%arg10 : memref<128xi32, #tpu.memory_space<vmem>>)
              tpu.yield
            }) : () -> ()
            %dma_start3A = arith.constant 0 : i32
            %dma_start3A_130 = arith.constant 0 : i32
            %dma_start3A_131 = tpu.memref_slice %arg8[%dma_start3A, %dma_start3A_130] : memref<10000x128xf32, #tpu.memory_space<vmem_shared>> -> memref<10000x128xf32, #tpu.memory_space<vmem_shared>>
            tpu.enqueue_indirect_dma source(%dma_start3A_131 : memref<10000x128xf32, #tpu.memory_space<vmem_shared>>) target(%arg12 : memref<128x128xf32, #tpu.memory_space<vmem>>) offsets(%arg10 : memref<128xi32, #tpu.memory_space<vmem>>) semaphore(%arg14 : memref<!tpu.dma_semaphore, #tpu.memory_space<semaphore_mem>>)
          } else {
          }
          %dma_wait3A = arith.constant 0 : i32
          %dma_wait3A_120 = arith.constant 0 : i32
          %dma_wait3A_121 = tpu.memref_slice %arg8[%dma_wait3A, %dma_wait3A_120] : memref<10000x128xf32, #tpu.memory_space<vmem_shared>> -> memref<10000x128xf32, #tpu.memory_space<vmem_shared>>
          tpu.wait_indirect_dma semaphore(%arg13 : memref<!tpu.dma_semaphore, #tpu.memory_space<semaphore_mem>>) src(%dma_wait3A_121 : memref<10000x128xf32, #tpu.memory_space<vmem_shared>>) dst(%arg11 : memref<128x128xf32, #tpu.memory_space<vmem>>)
          %add3A_122 = arith.addi %select_n3A, %add3A_101 : i32
          %mul3A_123 = arith.constant 128 : i32
          %mul3A_124 = arith.muli %add3A_122, %mul3A_123 : i32
          "tpu.region"() ({
            %run_scoped3A = tpu.sem_alloc : memref<!tpu.dma_semaphore, #tpu.memory_space<semaphore_mem>>
            %dma_start3A = arith.constant 0 : i32
            %dma_start3A_125 = tpu.memref_slice %arg6[%mul3A_124, %dma_start3A] : memref<320000x128xf32, #tpu.memory_space<hbm>> -> memref<128x128xf32, #tpu.memory_space<hbm>>
            %dma_start3A_126 = arith.constant 0 : i32
            %dma_start3A_127 = tpu.memref_slice %arg6[%mul3A_124, %dma_start3A_126] : memref<320000x128xf32, #tpu.memory_space<hbm>> -> memref<128x128xf32, #tpu.memory_space<hbm>>
            tpu.enqueue_dma source(%arg11 : memref<128x128xf32, #tpu.memory_space<vmem>>) target(%dma_start3A_127 : memref<128x128xf32, #tpu.memory_space<hbm>>) target_semaphore(%run_scoped3A : memref<!tpu.dma_semaphore, #tpu.memory_space<semaphore_mem>>)
            %dma_wait3A_128 = arith.constant 0 : i32
            %dma_wait3A_129 = tpu.memref_slice %arg6[%mul3A_124, %dma_wait3A_128] : memref<320000x128xf32, #tpu.memory_space<hbm>> -> memref<128x128xf32, #tpu.memory_space<hbm>>
            %dma_wait3A_130 = arith.constant 0 : i32
            %dma_wait3A_131 = tpu.memref_slice %arg6[%mul3A_124, %dma_wait3A_130] : memref<320000x128xf32, #tpu.memory_space<hbm>> -> memref<128x128xf32, #tpu.memory_space<hbm>>
            tpu.wait_dma2 semaphore(%run_scoped3A : memref<!tpu.dma_semaphore, #tpu.memory_space<semaphore_mem>>) src(%arg11 : memref<128x128xf32, #tpu.memory_space<vmem>>) dst(%dma_wait3A_131 : memref<128x128xf32, #tpu.memory_space<hbm>>)
            tpu.yield
          }) : () -> ()
        } else {
        }
        %mul3A_106 = arith.constant 2 : i32
        %mul3A_107 = arith.muli %mul3A_106, %while3A_97 : i32
        %add3A_108 = arith.constant 1 : i32
        %add3A_109 = arith.addi %mul3A_107, %add3A_108 : i32
        %lt3A_110 = arith.cmpi slt, %add3A_109, %sub3A_46 : i32
        %convert_element_type3A_111 = arith.extui %lt3A_110 : i1 to i32
        %cond3A_112 = arith.constant 0 : i32
        %cond3A_113 = arith.cmpi ne, %convert_element_type3A_111, %cond3A_112 : i32
        scf.if %cond3A_113 {
          %add3A_114 = arith.constant 1 : i32
          %add3A_115 = arith.addi %add3A_109, %add3A_114 : i32
          %lt3A_116 = arith.cmpi slt, %add3A_115, %sub3A_46 : i32
          %convert_element_type3A_117 = arith.extui %lt3A_116 : i1 to i32
          %cond3A_118 = arith.constant 0 : i32
          %cond3A_119 = arith.cmpi ne, %convert_element_type3A_117, %cond3A_118 : i32
          scf.if %cond3A_119 {
            %add3A_125 = arith.addi %select_n3A, %add3A_109 : i32
            %add3A_126 = arith.constant 1 : i32
            %add3A_127 = arith.addi %add3A_125, %add3A_126 : i32
            %mul3A_128 = arith.constant 128 : i32
            %mul3A_129 = arith.muli %add3A_127, %mul3A_128 : i32
            "tpu.region"() ({
              %run_scoped3A = tpu.sem_alloc : memref<!tpu.dma_semaphore, #tpu.memory_space<semaphore_mem>>
              %dma_start3A_132 = tpu.memref_slice %arg4[%mul3A_129] : memref<320000xi32, #tpu.memory_space<hbm>> -> memref<128xi32, #tpu.memory_space<hbm>>
              %dma_start3A_133 = tpu.memref_slice %arg4[%mul3A_129] : memref<320000xi32, #tpu.memory_space<hbm>> -> memref<128xi32, #tpu.memory_space<hbm>>
              tpu.enqueue_dma source(%dma_start3A_133 : memref<128xi32, #tpu.memory_space<hbm>>) target(%arg9 : memref<128xi32, #tpu.memory_space<vmem>>) target_semaphore(%run_scoped3A : memref<!tpu.dma_semaphore, #tpu.memory_space<semaphore_mem>>)
              %dma_wait3A_134 = tpu.memref_slice %arg4[%mul3A_129] : memref<320000xi32, #tpu.memory_space<hbm>> -> memref<128xi32, #tpu.memory_space<hbm>>
              %dma_wait3A_135 = tpu.memref_slice %arg4[%mul3A_129] : memref<320000xi32, #tpu.memory_space<hbm>> -> memref<128xi32, #tpu.memory_space<hbm>>
              tpu.wait_dma2 semaphore(%run_scoped3A : memref<!tpu.dma_semaphore, #tpu.memory_space<semaphore_mem>>) src(%dma_wait3A_135 : memref<128xi32, #tpu.memory_space<hbm>>) dst(%arg9 : memref<128xi32, #tpu.memory_space<vmem>>)
              tpu.yield
            }) : () -> ()
            %dma_start3A = arith.constant 0 : i32
            %dma_start3A_130 = arith.constant 0 : i32
            %dma_start3A_131 = tpu.memref_slice %arg8[%dma_start3A, %dma_start3A_130] : memref<10000x128xf32, #tpu.memory_space<vmem_shared>> -> memref<10000x128xf32, #tpu.memory_space<vmem_shared>>
            tpu.enqueue_indirect_dma source(%dma_start3A_131 : memref<10000x128xf32, #tpu.memory_space<vmem_shared>>) target(%arg11 : memref<128x128xf32, #tpu.memory_space<vmem>>) offsets(%arg9 : memref<128xi32, #tpu.memory_space<vmem>>) semaphore(%arg13 : memref<!tpu.dma_semaphore, #tpu.memory_space<semaphore_mem>>)
          } else {
          }
          %dma_wait3A = arith.constant 0 : i32
          %dma_wait3A_120 = arith.constant 0 : i32
          %dma_wait3A_121 = tpu.memref_slice %arg8[%dma_wait3A, %dma_wait3A_120] : memref<10000x128xf32, #tpu.memory_space<vmem_shared>> -> memref<10000x128xf32, #tpu.memory_space<vmem_shared>>
          tpu.wait_indirect_dma semaphore(%arg14 : memref<!tpu.dma_semaphore, #tpu.memory_space<semaphore_mem>>) src(%dma_wait3A_121 : memref<10000x128xf32, #tpu.memory_space<vmem_shared>>) dst(%arg12 : memref<128x128xf32, #tpu.memory_space<vmem>>)
          %add3A_122 = arith.addi %select_n3A, %add3A_109 : i32
          %mul3A_123 = arith.constant 128 : i32
          %mul3A_124 = arith.muli %add3A_122, %mul3A_123 : i32
          "tpu.region"() ({
            %run_scoped3A = tpu.sem_alloc : memref<!tpu.dma_semaphore, #tpu.memory_space<semaphore_mem>>
            %dma_start3A = arith.constant 0 : i32
            %dma_start3A_125 = tpu.memref_slice %arg6[%mul3A_124, %dma_start3A] : memref<320000x128xf32, #tpu.memory_space<hbm>> -> memref<128x128xf32, #tpu.memory_space<hbm>>
            %dma_start3A_126 = arith.constant 0 : i32
            %dma_start3A_127 = tpu.memref_slice %arg6[%mul3A_124, %dma_start3A_126] : memref<320000x128xf32, #tpu.memory_space<hbm>> -> memref<128x128xf32, #tpu.memory_space<hbm>>
            tpu.enqueue_dma source(%arg12 : memref<128x128xf32, #tpu.memory_space<vmem>>) target(%dma_start3A_127 : memref<128x128xf32, #tpu.memory_space<hbm>>) target_semaphore(%run_scoped3A : memref<!tpu.dma_semaphore, #tpu.memory_space<semaphore_mem>>)
            %dma_wait3A_128 = arith.constant 0 : i32
            %dma_wait3A_129 = tpu.memref_slice %arg6[%mul3A_124, %dma_wait3A_128] : memref<320000x128xf32, #tpu.memory_space<hbm>> -> memref<128x128xf32, #tpu.memory_space<hbm>>
            %dma_wait3A_130 = arith.constant 0 : i32
            %dma_wait3A_131 = tpu.memref_slice %arg6[%mul3A_124, %dma_wait3A_130] : memref<320000x128xf32, #tpu.memory_space<hbm>> -> memref<128x128xf32, #tpu.memory_space<hbm>>
            tpu.wait_dma2 semaphore(%run_scoped3A : memref<!tpu.dma_semaphore, #tpu.memory_space<semaphore_mem>>) src(%arg12 : memref<128x128xf32, #tpu.memory_space<vmem>>) dst(%dma_wait3A_131 : memref<128x128xf32, #tpu.memory_space<hbm>>)
            tpu.yield
          }) : () -> ()
        } else {
        }
      }
      %while3A_96 = arith.constant 1 : i32
      scf.for %while3A_97 = %while3A_94 to %while3A_90 step %while3A_96  : i32 {
        %mul3A_98 = arith.constant 2 : i32
        %mul3A_99 = arith.muli %mul3A_98, %while3A_97 : i32
        %add3A_100 = arith.constant 0 : i32
        %add3A_101 = arith.addi %mul3A_99, %add3A_100 : i32
        %lt3A_102 = arith.cmpi slt, %add3A_101, %sub3A_46 : i32
        %convert_element_type3A_103 = arith.extui %lt3A_102 : i1 to i32
        %cond3A_104 = arith.constant 0 : i32
        %cond3A_105 = arith.cmpi ne, %convert_element_type3A_103, %cond3A_104 : i32
        scf.if %cond3A_105 {
          %add3A_114 = arith.constant 1 : i32
          %add3A_115 = arith.addi %add3A_101, %add3A_114 : i32
          %lt3A_116 = arith.cmpi slt, %add3A_115, %sub3A_46 : i32
          %convert_element_type3A_117 = arith.extui %lt3A_116 : i1 to i32
          %cond3A_118 = arith.constant 0 : i32
          %cond3A_119 = arith.cmpi ne, %convert_element_type3A_117, %cond3A_118 : i32
          scf.if %cond3A_119 {
            %add3A_125 = arith.addi %select_n3A, %add3A_101 : i32
            %add3A_126 = arith.constant 1 : i32
            %add3A_127 = arith.addi %add3A_125, %add3A_126 : i32
            %mul3A_128 = arith.constant 128 : i32
            %mul3A_129 = arith.muli %add3A_127, %mul3A_128 : i32
            "tpu.region"() ({
              %run_scoped3A = tpu.sem_alloc : memref<!tpu.dma_semaphore, #tpu.memory_space<semaphore_mem>>
              %dma_start3A_132 = tpu.memref_slice %arg4[%mul3A_129] : memref<320000xi32, #tpu.memory_space<hbm>> -> memref<128xi32, #tpu.memory_space<hbm>>
              %dma_start3A_133 = tpu.memref_slice %arg4[%mul3A_129] : memref<320000xi32, #tpu.memory_space<hbm>> -> memref<128xi32, #tpu.memory_space<hbm>>
              tpu.enqueue_dma source(%dma_start3A_133 : memref<128xi32, #tpu.memory_space<hbm>>) target(%arg10 : memref<128xi32, #tpu.memory_space<vmem>>) target_semaphore(%run_scoped3A : memref<!tpu.dma_semaphore, #tpu.memory_space<semaphore_mem>>)
              %dma_wait3A_134 = tpu.memref_slice %arg4[%mul3A_129] : memref<320000xi32, #tpu.memory_space<hbm>> -> memref<128xi32, #tpu.memory_space<hbm>>
              %dma_wait3A_135 = tpu.memref_slice %arg4[%mul3A_129] : memref<320000xi32, #tpu.memory_space<hbm>> -> memref<128xi32, #tpu.memory_space<hbm>>
              tpu.wait_dma2 semaphore(%run_scoped3A : memref<!tpu.dma_semaphore, #tpu.memory_space<semaphore_mem>>) src(%dma_wait3A_135 : memref<128xi32, #tpu.memory_space<hbm>>) dst(%arg10 : memref<128xi32, #tpu.memory_space<vmem>>)
              tpu.yield
            }) : () -> ()
            %dma_start3A = arith.constant 0 : i32
            %dma_start3A_130 = arith.constant 0 : i32
            %dma_start3A_131 = tpu.memref_slice %arg8[%dma_start3A, %dma_start3A_130] : memref<10000x128xf32, #tpu.memory_space<vmem_shared>> -> memref<10000x128xf32, #tpu.memory_space<vmem_shared>>
            tpu.enqueue_indirect_dma source(%dma_start3A_131 : memref<10000x128xf32, #tpu.memory_space<vmem_shared>>) target(%arg12 : memref<128x128xf32, #tpu.memory_space<vmem>>) offsets(%arg10 : memref<128xi32, #tpu.memory_space<vmem>>) semaphore(%arg14 : memref<!tpu.dma_semaphore, #tpu.memory_space<semaphore_mem>>)
          } else {
          }
          %dma_wait3A = arith.constant 0 : i32
          %dma_wait3A_120 = arith.constant 0 : i32
          %dma_wait3A_121 = tpu.memref_slice %arg8[%dma_wait3A, %dma_wait3A_120] : memref<10000x128xf32, #tpu.memory_space<vmem_shared>> -> memref<10000x128xf32, #tpu.memory_space<vmem_shared>>
          tpu.wait_indirect_dma semaphore(%arg13 : memref<!tpu.dma_semaphore, #tpu.memory_space<semaphore_mem>>) src(%dma_wait3A_121 : memref<10000x128xf32, #tpu.memory_space<vmem_shared>>) dst(%arg11 : memref<128x128xf32, #tpu.memory_space<vmem>>)
          %add3A_122 = arith.addi %select_n3A, %add3A_101 : i32
          %mul3A_123 = arith.constant 128 : i32
          %mul3A_124 = arith.muli %add3A_122, %mul3A_123 : i32
          "tpu.region"() ({
            %run_scoped3A = tpu.sem_alloc : memref<!tpu.dma_semaphore, #tpu.memory_space<semaphore_mem>>
            %dma_start3A = arith.constant 0 : i32
            %dma_start3A_125 = tpu.memref_slice %arg6[%mul3A_124, %dma_start3A] : memref<320000x128xf32, #tpu.memory_space<hbm>> -> memref<128x128xf32, #tpu.memory_space<hbm>>
            %dma_start3A_126 = arith.constant 0 : i32
            %dma_start3A_127 = tpu.memref_slice %arg6[%mul3A_124, %dma_start3A_126] : memref<320000x128xf32, #tpu.memory_space<hbm>> -> memref<128x128xf32, #tpu.memory_space<hbm>>
            tpu.enqueue_dma source(%arg11 : memref<128x128xf32, #tpu.memory_space<vmem>>) target(%dma_start3A_127 : memref<128x128xf32, #tpu.memory_space<hbm>>) target_semaphore(%run_scoped3A : memref<!tpu.dma_semaphore, #tpu.memory_space<semaphore_mem>>)
            %dma_wait3A_128 = arith.constant 0 : i32
            %dma_wait3A_129 = tpu.memref_slice %arg6[%mul3A_124, %dma_wait3A_128] : memref<320000x128xf32, #tpu.memory_space<hbm>> -> memref<128x128xf32, #tpu.memory_space<hbm>>
            %dma_wait3A_130 = arith.constant 0 : i32
            %dma_wait3A_131 = tpu.memref_slice %arg6[%mul3A_124, %dma_wait3A_130] : memref<320000x128xf32, #tpu.memory_space<hbm>> -> memref<128x128xf32, #tpu.memory_space<hbm>>
            tpu.wait_dma2 semaphore(%run_scoped3A : memref<!tpu.dma_semaphore, #tpu.memory_space<semaphore_mem>>) src(%arg11 : memref<128x128xf32, #tpu.memory_space<vmem>>) dst(%dma_wait3A_131 : memref<128x128xf32, #tpu.memory_space<hbm>>)
            tpu.yield
          }) : () -> ()
        } else {
        }
        %mul3A_106 = arith.constant 2 : i32
        %mul3A_107 = arith.muli %mul3A_106, %while3A_97 : i32
        %add3A_108 = arith.constant 1 : i32
        %add3A_109 = arith.addi %mul3A_107, %add3A_108 : i32
        %lt3A_110 = arith.cmpi slt, %add3A_109, %sub3A_46 : i32
        %convert_element_type3A_111 = arith.extui %lt3A_110 : i1 to i32
        %cond3A_112 = arith.constant 0 : i32
        %cond3A_113 = arith.cmpi ne, %convert_element_type3A_111, %cond3A_112 : i32
        scf.if %cond3A_113 {
          %add3A_114 = arith.constant 1 : i32
          %add3A_115 = arith.addi %add3A_109, %add3A_114 : i32
          %lt3A_116 = arith.cmpi slt, %add3A_115, %sub3A_46 : i32
          %convert_element_type3A_117 = arith.extui %lt3A_116 : i1 to i32
          %cond3A_118 = arith.constant 0 : i32
          %cond3A_119 = arith.cmpi ne, %convert_element_type3A_117, %cond3A_118 : i32
          scf.if %cond3A_119 {
            %add3A_125 = arith.addi %select_n3A, %add3A_109 : i32
            %add3A_126 = arith.constant 1 : i32
            %add3A_127 = arith.addi %add3A_125, %add3A_126 : i32
            %mul3A_128 = arith.constant 128 : i32
            %mul3A_129 = arith.muli %add3A_127, %mul3A_128 : i32
            "tpu.region"() ({
              %run_scoped3A = tpu.sem_alloc : memref<!tpu.dma_semaphore, #tpu.memory_space<semaphore_mem>>
              %dma_start3A_132 = tpu.memref_slice %arg4[%mul3A_129] : memref<320000xi32, #tpu.memory_space<hbm>> -> memref<128xi32, #tpu.memory_space<hbm>>
              %dma_start3A_133 = tpu.memref_slice %arg4[%mul3A_129] : memref<320000xi32, #tpu.memory_space<hbm>> -> memref<128xi32, #tpu.memory_space<hbm>>
              tpu.enqueue_dma source(%dma_start3A_133 : memref<128xi32, #tpu.memory_space<hbm>>) target(%arg9 : memref<128xi32, #tpu.memory_space<vmem>>) target_semaphore(%run_scoped3A : memref<!tpu.dma_semaphore, #tpu.memory_space<semaphore_mem>>)
              %dma_wait3A_134 = tpu.memref_slice %arg4[%mul3A_129] : memref<320000xi32, #tpu.memory_space<hbm>> -> memref<128xi32, #tpu.memory_space<hbm>>
              %dma_wait3A_135 = tpu.memref_slice %arg4[%mul3A_129] : memref<320000xi32, #tpu.memory_space<hbm>> -> memref<128xi32, #tpu.memory_space<hbm>>
              tpu.wait_dma2 semaphore(%run_scoped3A : memref<!tpu.dma_semaphore, #tpu.memory_space<semaphore_mem>>) src(%dma_wait3A_135 : memref<128xi32, #tpu.memory_space<hbm>>) dst(%arg9 : memref<128xi32, #tpu.memory_space<vmem>>)
              tpu.yield
            }) : () -> ()
            %dma_start3A = arith.constant 0 : i32
            %dma_start3A_130 = arith.constant 0 : i32
            %dma_start3A_131 = tpu.memref_slice %arg8[%dma_start3A, %dma_start3A_130] : memref<10000x128xf32, #tpu.memory_space<vmem_shared>> -> memref<10000x128xf32, #tpu.memory_space<vmem_shared>>
            tpu.enqueue_indirect_dma source(%dma_start3A_131 : memref<10000x128xf32, #tpu.memory_space<vmem_shared>>) target(%arg11 : memref<128x128xf32, #tpu.memory_space<vmem>>) offsets(%arg9 : memref<128xi32, #tpu.memory_space<vmem>>) semaphore(%arg13 : memref<!tpu.dma_semaphore, #tpu.memory_space<semaphore_mem>>)
          } else {
          }
          %dma_wait3A = arith.constant 0 : i32
          %dma_wait3A_120 = arith.constant 0 : i32
          %dma_wait3A_121 = tpu.memref_slice %arg8[%dma_wait3A, %dma_wait3A_120] : memref<10000x128xf32, #tpu.memory_space<vmem_shared>> -> memref<10000x128xf32, #tpu.memory_space<vmem_shared>>
          tpu.wait_indirect_dma semaphore(%arg14 : memref<!tpu.dma_semaphore, #tpu.memory_space<semaphore_mem>>) src(%dma_wait3A_121 : memref<10000x128xf32, #tpu.memory_space<vmem_shared>>) dst(%arg12 : memref<128x128xf32, #tpu.memory_space<vmem>>)
          %add3A_122 = arith.addi %select_n3A, %add3A_109 : i32
          %mul3A_123 = arith.constant 128 : i32
          %mul3A_124 = arith.muli %add3A_122, %mul3A_123 : i32
          "tpu.region"() ({
            %run_scoped3A = tpu.sem_alloc : memref<!tpu.dma_semaphore, #tpu.memory_space<semaphore_mem>>
            %dma_start3A = arith.constant 0 : i32
            %dma_start3A_125 = tpu.memref_slice %arg6[%mul3A_124, %dma_start3A] : memref<320000x128xf32, #tpu.memory_space<hbm>> -> memref<128x128xf32, #tpu.memory_space<hbm>>
            %dma_start3A_126 = arith.constant 0 : i32
            %dma_start3A_127 = tpu.memref_slice %arg6[%mul3A_124, %dma_start3A_126] : memref<320000x128xf32, #tpu.memory_space<hbm>> -> memref<128x128xf32, #tpu.memory_space<hbm>>
            tpu.enqueue_dma source(%arg12 : memref<128x128xf32, #tpu.memory_space<vmem>>) target(%dma_start3A_127 : memref<128x128xf32, #tpu.memory_space<hbm>>) target_semaphore(%run_scoped3A : memref<!tpu.dma_semaphore, #tpu.memory_space<semaphore_mem>>)
            %dma_wait3A_128 = arith.constant 0 : i32
            %dma_wait3A_129 = tpu.memref_slice %arg6[%mul3A_124, %dma_wait3A_128] : memref<320000x128xf32, #tpu.memory_space<hbm>> -> memref<128x128xf32, #tpu.memory_space<hbm>>
            %dma_wait3A_130 = arith.constant 0 : i32
            %dma_wait3A_131 = tpu.memref_slice %arg6[%mul3A_124, %dma_wait3A_130] : memref<320000x128xf32, #tpu.memory_space<hbm>> -> memref<128x128xf32, #tpu.memory_space<hbm>>
            tpu.wait_dma2 semaphore(%run_scoped3A : memref<!tpu.dma_semaphore, #tpu.memory_space<semaphore_mem>>) src(%arg12 : memref<128x128xf32, #tpu.memory_space<vmem>>) dst(%dma_wait3A_131 : memref<128x128xf32, #tpu.memory_space<hbm>>)
            tpu.yield
          }) : () -> ()
        } else {
        }
      }
    } else {
    }
    %ne3A_51 = arith.constant 0 : i32
    %ne3A_52 = arith.cmpi ne, %arg0, %ne3A_51 : i32
    %convert_element_type3A_53 = arith.extui %ne3A_52 : i1 to i32
    %cond3A_54 = arith.constant 0 : i32
    %cond3A_55 = arith.cmpi ne, %convert_element_type3A_53, %cond3A_54 : i32
    scf.if %cond3A_55 {
      %mul3A_56 = arith.constant 128 : i32
      %mul3A_57 = arith.muli %select_n3A, %mul3A_56 : i32
      "tpu.region"() ({
        %run_scoped3A = tpu.sem_alloc : memref<!tpu.dma_semaphore, #tpu.memory_space<semaphore_mem>>
        %dma_start3A = tpu.memref_slice %arg5[%mul3A_57] : memref<320000xi32, #tpu.memory_space<hbm>> -> memref<128xi32, #tpu.memory_space<hbm>>
        %dma_start3A_97 = tpu.memref_slice %arg5[%mul3A_57] : memref<320000xi32, #tpu.memory_space<hbm>> -> memref<128xi32, #tpu.memory_space<hbm>>
        tpu.enqueue_dma source(%dma_start3A_97 : memref<128xi32, #tpu.memory_space<hbm>>) target(%arg9 : memref<128xi32, #tpu.memory_space<vmem>>) target_semaphore(%run_scoped3A : memref<!tpu.dma_semaphore, #tpu.memory_space<semaphore_mem>>)
        %dma_wait3A = tpu.memref_slice %arg5[%mul3A_57] : memref<320000xi32, #tpu.memory_space<hbm>> -> memref<128xi32, #tpu.memory_space<hbm>>
        %dma_wait3A_98 = tpu.memref_slice %arg5[%mul3A_57] : memref<320000xi32, #tpu.memory_space<hbm>> -> memref<128xi32, #tpu.memory_space<hbm>>
        tpu.wait_dma2 semaphore(%run_scoped3A : memref<!tpu.dma_semaphore, #tpu.memory_space<semaphore_mem>>) src(%dma_wait3A_98 : memref<128xi32, #tpu.memory_space<hbm>>) dst(%arg9 : memref<128xi32, #tpu.memory_space<vmem>>)
        tpu.yield
      }) : () -> ()
      %gt3A = arith.constant 0 : i32
      %gt3A_58 = arith.cmpi sgt, %sub3A_46, %gt3A : i32
      %convert_element_type3A_59 = arith.extui %gt3A_58 : i1 to i32
      %cond3A_60 = arith.constant 0 : i32
      %cond3A_61 = arith.cmpi ne, %convert_element_type3A_59, %cond3A_60 : i32
      scf.if %cond3A_61 {
        %dma_start3A = arith.constant 0 : i32
        %dma_start3A_97 = arith.constant 0 : i32
        %dma_start3A_98 = tpu.memref_slice %arg8[%dma_start3A, %dma_start3A_97] : memref<10000x128xf32, #tpu.memory_space<vmem_shared>> -> memref<10000x128xf32, #tpu.memory_space<vmem_shared>>
        tpu.enqueue_indirect_dma source(%dma_start3A_98 : memref<10000x128xf32, #tpu.memory_space<vmem_shared>>) target(%arg11 : memref<128x128xf32, #tpu.memory_space<vmem>>) offsets(%arg9 : memref<128xi32, #tpu.memory_space<vmem>>) semaphore(%arg13 : memref<!tpu.dma_semaphore, #tpu.memory_space<semaphore_mem>>)
      } else {
      }
      %add3A_62 = arith.constant 1 : i32
      %add3A_63 = arith.addi %sub3A_46, %add3A_62 : i32
      %jit3A_64 = arith.constant 2 : i32
      %div3A_65 = arith.divsi %add3A_63, %jit3A_64 : i32
      %sign3A_66 = arith.constant 0 : i32
      %sign3A_67 = arith.cmpi sgt, %add3A_63, %sign3A_66 : i32
      %sign3A_68 = arith.extui %sign3A_67 : i1 to i32
      %sign3A_69 = arith.constant 0 : i32
      %sign3A_70 = arith.cmpi slt, %add3A_63, %sign3A_69 : i32
      %sign3A_71 = arith.extui %sign3A_70 : i1 to i32
      %sign3A_72 = arith.subi %sign3A_68, %sign3A_71 : i32
      %sign3A_73 = arith.constant 0 : i32
      %sign3A_74 = arith.cmpi sgt, %jit3A_64, %sign3A_73 : i32
      %sign3A_75 = arith.extui %sign3A_74 : i1 to i32
      %sign3A_76 = arith.constant 0 : i32
      %sign3A_77 = arith.cmpi slt, %jit3A_64, %sign3A_76 : i32
      %sign3A_78 = arith.extui %sign3A_77 : i1 to i32
      %sign3A_79 = arith.subi %sign3A_75, %sign3A_78 : i32
      %ne3A_80 = arith.cmpi ne, %sign3A_72, %sign3A_79 : i32
      %rem3A_81 = arith.remsi %add3A_63, %jit3A_64 : i32
      %ne3A_82 = arith.constant 0 : i32
      %ne3A_83 = arith.cmpi ne, %rem3A_81, %ne3A_82 : i32
      %and3A_84 = arith.andi %ne3A_80, %ne3A_83 : i1
      %sub3A_85 = arith.constant 1 : i32
      %sub3A_86 = arith.subi %div3A_65, %sub3A_85 : i32
      %select_n3A_87 = arith.select %and3A_84, %sub3A_86, %div3A_65 : i32
      %while3A = arith.constant 0 : i32
      %while3A_88 = arith.constant 0 : i32
      %while3A_89 = arith.subi %select_n3A_87, %while3A_88 : i32
      %while3A_90 = arith.addi %while3A_88, %while3A_89 : i32
      %while3A_91 = arith.constant 1 : i32
      %while3A_92 = arith.divsi %while3A_89, %while3A_91 : i32
      %while3A_93 = arith.muli %while3A_92, %while3A_91 : i32
      %while3A_94 = arith.addi %while3A_88, %while3A_93 : i32
      %while3A_95 = arith.constant 1 : i32
      scf.for %while3A_97 = %while3A_88 to %while3A_94 step %while3A_95  : i32 {
        %mul3A_98 = arith.constant 2 : i32
        %mul3A_99 = arith.muli %mul3A_98, %while3A_97 : i32
        %add3A_100 = arith.constant 0 : i32
        %add3A_101 = arith.addi %mul3A_99, %add3A_100 : i32
        %lt3A_102 = arith.cmpi slt, %add3A_101, %sub3A_46 : i32
        %convert_element_type3A_103 = arith.extui %lt3A_102 : i1 to i32
        %cond3A_104 = arith.constant 0 : i32
        %cond3A_105 = arith.cmpi ne, %convert_element_type3A_103, %cond3A_104 : i32
        scf.if %cond3A_105 {
          %add3A_114 = arith.constant 1 : i32
          %add3A_115 = arith.addi %add3A_101, %add3A_114 : i32
          %lt3A_116 = arith.cmpi slt, %add3A_115, %sub3A_46 : i32
          %convert_element_type3A_117 = arith.extui %lt3A_116 : i1 to i32
          %cond3A_118 = arith.constant 0 : i32
          %cond3A_119 = arith.cmpi ne, %convert_element_type3A_117, %cond3A_118 : i32
          scf.if %cond3A_119 {
            %add3A_125 = arith.addi %select_n3A, %add3A_101 : i32
            %add3A_126 = arith.constant 1 : i32
            %add3A_127 = arith.addi %add3A_125, %add3A_126 : i32
            %mul3A_128 = arith.constant 128 : i32
            %mul3A_129 = arith.muli %add3A_127, %mul3A_128 : i32
            "tpu.region"() ({
              %run_scoped3A = tpu.sem_alloc : memref<!tpu.dma_semaphore, #tpu.memory_space<semaphore_mem>>
              %dma_start3A_132 = tpu.memref_slice %arg5[%mul3A_129] : memref<320000xi32, #tpu.memory_space<hbm>> -> memref<128xi32, #tpu.memory_space<hbm>>
              %dma_start3A_133 = tpu.memref_slice %arg5[%mul3A_129] : memref<320000xi32, #tpu.memory_space<hbm>> -> memref<128xi32, #tpu.memory_space<hbm>>
              tpu.enqueue_dma source(%dma_start3A_133 : memref<128xi32, #tpu.memory_space<hbm>>) target(%arg10 : memref<128xi32, #tpu.memory_space<vmem>>) target_semaphore(%run_scoped3A : memref<!tpu.dma_semaphore, #tpu.memory_space<semaphore_mem>>)
              %dma_wait3A_134 = tpu.memref_slice %arg5[%mul3A_129] : memref<320000xi32, #tpu.memory_space<hbm>> -> memref<128xi32, #tpu.memory_space<hbm>>
              %dma_wait3A_135 = tpu.memref_slice %arg5[%mul3A_129] : memref<320000xi32, #tpu.memory_space<hbm>> -> memref<128xi32, #tpu.memory_space<hbm>>
              tpu.wait_dma2 semaphore(%run_scoped3A : memref<!tpu.dma_semaphore, #tpu.memory_space<semaphore_mem>>) src(%dma_wait3A_135 : memref<128xi32, #tpu.memory_space<hbm>>) dst(%arg10 : memref<128xi32, #tpu.memory_space<vmem>>)
              tpu.yield
            }) : () -> ()
            %dma_start3A = arith.constant 0 : i32
            %dma_start3A_130 = arith.constant 0 : i32
            %dma_start3A_131 = tpu.memref_slice %arg8[%dma_start3A, %dma_start3A_130] : memref<10000x128xf32, #tpu.memory_space<vmem_shared>> -> memref<10000x128xf32, #tpu.memory_space<vmem_shared>>
            tpu.enqueue_indirect_dma source(%dma_start3A_131 : memref<10000x128xf32, #tpu.memory_space<vmem_shared>>) target(%arg12 : memref<128x128xf32, #tpu.memory_space<vmem>>) offsets(%arg10 : memref<128xi32, #tpu.memory_space<vmem>>) semaphore(%arg14 : memref<!tpu.dma_semaphore, #tpu.memory_space<semaphore_mem>>)
          } else {
          }
          %dma_wait3A = arith.constant 0 : i32
          %dma_wait3A_120 = arith.constant 0 : i32
          %dma_wait3A_121 = tpu.memref_slice %arg8[%dma_wait3A, %dma_wait3A_120] : memref<10000x128xf32, #tpu.memory_space<vmem_shared>> -> memref<10000x128xf32, #tpu.memory_space<vmem_shared>>
          tpu.wait_indirect_dma semaphore(%arg13 : memref<!tpu.dma_semaphore, #tpu.memory_space<semaphore_mem>>) src(%dma_wait3A_121 : memref<10000x128xf32, #tpu.memory_space<vmem_shared>>) dst(%arg11 : memref<128x128xf32, #tpu.memory_space<vmem>>)
          %add3A_122 = arith.addi %select_n3A, %add3A_101 : i32
          %mul3A_123 = arith.constant 128 : i32
          %mul3A_124 = arith.muli %add3A_122, %mul3A_123 : i32
          "tpu.region"() ({
            %run_scoped3A = tpu.sem_alloc : memref<!tpu.dma_semaphore, #tpu.memory_space<semaphore_mem>>
            %dma_start3A = arith.constant 0 : i32
            %dma_start3A_125 = tpu.memref_slice %arg7[%mul3A_124, %dma_start3A] : memref<320000x128xf32, #tpu.memory_space<hbm>> -> memref<128x128xf32, #tpu.memory_space<hbm>>
            %dma_start3A_126 = arith.constant 0 : i32
            %dma_start3A_127 = tpu.memref_slice %arg7[%mul3A_124, %dma_start3A_126] : memref<320000x128xf32, #tpu.memory_space<hbm>> -> memref<128x128xf32, #tpu.memory_space<hbm>>
            tpu.enqueue_dma source(%arg11 : memref<128x128xf32, #tpu.memory_space<vmem>>) target(%dma_start3A_127 : memref<128x128xf32, #tpu.memory_space<hbm>>) target_semaphore(%run_scoped3A : memref<!tpu.dma_semaphore, #tpu.memory_space<semaphore_mem>>)
            %dma_wait3A_128 = arith.constant 0 : i32
            %dma_wait3A_129 = tpu.memref_slice %arg7[%mul3A_124, %dma_wait3A_128] : memref<320000x128xf32, #tpu.memory_space<hbm>> -> memref<128x128xf32, #tpu.memory_space<hbm>>
            %dma_wait3A_130 = arith.constant 0 : i32
            %dma_wait3A_131 = tpu.memref_slice %arg7[%mul3A_124, %dma_wait3A_130] : memref<320000x128xf32, #tpu.memory_space<hbm>> -> memref<128x128xf32, #tpu.memory_space<hbm>>
            tpu.wait_dma2 semaphore(%run_scoped3A : memref<!tpu.dma_semaphore, #tpu.memory_space<semaphore_mem>>) src(%arg11 : memref<128x128xf32, #tpu.memory_space<vmem>>) dst(%dma_wait3A_131 : memref<128x128xf32, #tpu.memory_space<hbm>>)
            tpu.yield
          }) : () -> ()
        } else {
        }
        %mul3A_106 = arith.constant 2 : i32
        %mul3A_107 = arith.muli %mul3A_106, %while3A_97 : i32
        %add3A_108 = arith.constant 1 : i32
        %add3A_109 = arith.addi %mul3A_107, %add3A_108 : i32
        %lt3A_110 = arith.cmpi slt, %add3A_109, %sub3A_46 : i32
        %convert_element_type3A_111 = arith.extui %lt3A_110 : i1 to i32
        %cond3A_112 = arith.constant 0 : i32
        %cond3A_113 = arith.cmpi ne, %convert_element_type3A_111, %cond3A_112 : i32
        scf.if %cond3A_113 {
          %add3A_114 = arith.constant 1 : i32
          %add3A_115 = arith.addi %add3A_109, %add3A_114 : i32
          %lt3A_116 = arith.cmpi slt, %add3A_115, %sub3A_46 : i32
          %convert_element_type3A_117 = arith.extui %lt3A_116 : i1 to i32
          %cond3A_118 = arith.constant 0 : i32
          %cond3A_119 = arith.cmpi ne, %convert_element_type3A_117, %cond3A_118 : i32
          scf.if %cond3A_119 {
            %add3A_125 = arith.addi %select_n3A, %add3A_109 : i32
            %add3A_126 = arith.constant 1 : i32
            %add3A_127 = arith.addi %add3A_125, %add3A_126 : i32
            %mul3A_128 = arith.constant 128 : i32
            %mul3A_129 = arith.muli %add3A_127, %mul3A_128 : i32
            "tpu.region"() ({
              %run_scoped3A = tpu.sem_alloc : memref<!tpu.dma_semaphore, #tpu.memory_space<semaphore_mem>>
              %dma_start3A_132 = tpu.memref_slice %arg5[%mul3A_129] : memref<320000xi32, #tpu.memory_space<hbm>> -> memref<128xi32, #tpu.memory_space<hbm>>
              %dma_start3A_133 = tpu.memref_slice %arg5[%mul3A_129] : memref<320000xi32, #tpu.memory_space<hbm>> -> memref<128xi32, #tpu.memory_space<hbm>>
              tpu.enqueue_dma source(%dma_start3A_133 : memref<128xi32, #tpu.memory_space<hbm>>) target(%arg9 : memref<128xi32, #tpu.memory_space<vmem>>) target_semaphore(%run_scoped3A : memref<!tpu.dma_semaphore, #tpu.memory_space<semaphore_mem>>)
              %dma_wait3A_134 = tpu.memref_slice %arg5[%mul3A_129] : memref<320000xi32, #tpu.memory_space<hbm>> -> memref<128xi32, #tpu.memory_space<hbm>>
              %dma_wait3A_135 = tpu.memref_slice %arg5[%mul3A_129] : memref<320000xi32, #tpu.memory_space<hbm>> -> memref<128xi32, #tpu.memory_space<hbm>>
              tpu.wait_dma2 semaphore(%run_scoped3A : memref<!tpu.dma_semaphore, #tpu.memory_space<semaphore_mem>>) src(%dma_wait3A_135 : memref<128xi32, #tpu.memory_space<hbm>>) dst(%arg9 : memref<128xi32, #tpu.memory_space<vmem>>)
              tpu.yield
            }) : () -> ()
            %dma_start3A = arith.constant 0 : i32
            %dma_start3A_130 = arith.constant 0 : i32
            %dma_start3A_131 = tpu.memref_slice %arg8[%dma_start3A, %dma_start3A_130] : memref<10000x128xf32, #tpu.memory_space<vmem_shared>> -> memref<10000x128xf32, #tpu.memory_space<vmem_shared>>
            tpu.enqueue_indirect_dma source(%dma_start3A_131 : memref<10000x128xf32, #tpu.memory_space<vmem_shared>>) target(%arg11 : memref<128x128xf32, #tpu.memory_space<vmem>>) offsets(%arg9 : memref<128xi32, #tpu.memory_space<vmem>>) semaphore(%arg13 : memref<!tpu.dma_semaphore, #tpu.memory_space<semaphore_mem>>)
          } else {
          }
          %dma_wait3A = arith.constant 0 : i32
          %dma_wait3A_120 = arith.constant 0 : i32
          %dma_wait3A_121 = tpu.memref_slice %arg8[%dma_wait3A, %dma_wait3A_120] : memref<10000x128xf32, #tpu.memory_space<vmem_shared>> -> memref<10000x128xf32, #tpu.memory_space<vmem_shared>>
          tpu.wait_indirect_dma semaphore(%arg14 : memref<!tpu.dma_semaphore, #tpu.memory_space<semaphore_mem>>) src(%dma_wait3A_121 : memref<10000x128xf32, #tpu.memory_space<vmem_shared>>) dst(%arg12 : memref<128x128xf32, #tpu.memory_space<vmem>>)
          %add3A_122 = arith.addi %select_n3A, %add3A_109 : i32
          %mul3A_123 = arith.constant 128 : i32
          %mul3A_124 = arith.muli %add3A_122, %mul3A_123 : i32
          "tpu.region"() ({
            %run_scoped3A = tpu.sem_alloc : memref<!tpu.dma_semaphore, #tpu.memory_space<semaphore_mem>>
            %dma_start3A = arith.constant 0 : i32
            %dma_start3A_125 = tpu.memref_slice %arg7[%mul3A_124, %dma_start3A] : memref<320000x128xf32, #tpu.memory_space<hbm>> -> memref<128x128xf32, #tpu.memory_space<hbm>>
            %dma_start3A_126 = arith.constant 0 : i32
            %dma_start3A_127 = tpu.memref_slice %arg7[%mul3A_124, %dma_start3A_126] : memref<320000x128xf32, #tpu.memory_space<hbm>> -> memref<128x128xf32, #tpu.memory_space<hbm>>
            tpu.enqueue_dma source(%arg12 : memref<128x128xf32, #tpu.memory_space<vmem>>) target(%dma_start3A_127 : memref<128x128xf32, #tpu.memory_space<hbm>>) target_semaphore(%run_scoped3A : memref<!tpu.dma_semaphore, #tpu.memory_space<semaphore_mem>>)
            %dma_wait3A_128 = arith.constant 0 : i32
            %dma_wait3A_129 = tpu.memref_slice %arg7[%mul3A_124, %dma_wait3A_128] : memref<320000x128xf32, #tpu.memory_space<hbm>> -> memref<128x128xf32, #tpu.memory_space<hbm>>
            %dma_wait3A_130 = arith.constant 0 : i32
            %dma_wait3A_131 = tpu.memref_slice %arg7[%mul3A_124, %dma_wait3A_130] : memref<320000x128xf32, #tpu.memory_space<hbm>> -> memref<128x128xf32, #tpu.memory_space<hbm>>
            tpu.wait_dma2 semaphore(%run_scoped3A : memref<!tpu.dma_semaphore, #tpu.memory_space<semaphore_mem>>) src(%arg12 : memref<128x128xf32, #tpu.memory_space<vmem>>) dst(%dma_wait3A_131 : memref<128x128xf32, #tpu.memory_space<hbm>>)
            tpu.yield
          }) : () -> ()
        } else {
        }
      }
      %while3A_96 = arith.constant 1 : i32
      scf.for %while3A_97 = %while3A_94 to %while3A_90 step %while3A_96  : i32 {
        %mul3A_98 = arith.constant 2 : i32
        %mul3A_99 = arith.muli %mul3A_98, %while3A_97 : i32
        %add3A_100 = arith.constant 0 : i32
        %add3A_101 = arith.addi %mul3A_99, %add3A_100 : i32
        %lt3A_102 = arith.cmpi slt, %add3A_101, %sub3A_46 : i32
        %convert_element_type3A_103 = arith.extui %lt3A_102 : i1 to i32
        %cond3A_104 = arith.constant 0 : i32
        %cond3A_105 = arith.cmpi ne, %convert_element_type3A_103, %cond3A_104 : i32
        scf.if %cond3A_105 {
          %add3A_114 = arith.constant 1 : i32
          %add3A_115 = arith.addi %add3A_101, %add3A_114 : i32
          %lt3A_116 = arith.cmpi slt, %add3A_115, %sub3A_46 : i32
          %convert_element_type3A_117 = arith.extui %lt3A_116 : i1 to i32
          %cond3A_118 = arith.constant 0 : i32
          %cond3A_119 = arith.cmpi ne, %convert_element_type3A_117, %cond3A_118 : i32
          scf.if %cond3A_119 {
            %add3A_125 = arith.addi %select_n3A, %add3A_101 : i32
            %add3A_126 = arith.constant 1 : i32
            %add3A_127 = arith.addi %add3A_125, %add3A_126 : i32
            %mul3A_128 = arith.constant 128 : i32
            %mul3A_129 = arith.muli %add3A_127, %mul3A_128 : i32
            "tpu.region"() ({
              %run_scoped3A = tpu.sem_alloc : memref<!tpu.dma_semaphore, #tpu.memory_space<semaphore_mem>>
              %dma_start3A_132 = tpu.memref_slice %arg5[%mul3A_129] : memref<320000xi32, #tpu.memory_space<hbm>> -> memref<128xi32, #tpu.memory_space<hbm>>
              %dma_start3A_133 = tpu.memref_slice %arg5[%mul3A_129] : memref<320000xi32, #tpu.memory_space<hbm>> -> memref<128xi32, #tpu.memory_space<hbm>>
              tpu.enqueue_dma source(%dma_start3A_133 : memref<128xi32, #tpu.memory_space<hbm>>) target(%arg10 : memref<128xi32, #tpu.memory_space<vmem>>) target_semaphore(%run_scoped3A : memref<!tpu.dma_semaphore, #tpu.memory_space<semaphore_mem>>)
              %dma_wait3A_134 = tpu.memref_slice %arg5[%mul3A_129] : memref<320000xi32, #tpu.memory_space<hbm>> -> memref<128xi32, #tpu.memory_space<hbm>>
              %dma_wait3A_135 = tpu.memref_slice %arg5[%mul3A_129] : memref<320000xi32, #tpu.memory_space<hbm>> -> memref<128xi32, #tpu.memory_space<hbm>>
              tpu.wait_dma2 semaphore(%run_scoped3A : memref<!tpu.dma_semaphore, #tpu.memory_space<semaphore_mem>>) src(%dma_wait3A_135 : memref<128xi32, #tpu.memory_space<hbm>>) dst(%arg10 : memref<128xi32, #tpu.memory_space<vmem>>)
              tpu.yield
            }) : () -> ()
            %dma_start3A = arith.constant 0 : i32
            %dma_start3A_130 = arith.constant 0 : i32
            %dma_start3A_131 = tpu.memref_slice %arg8[%dma_start3A, %dma_start3A_130] : memref<10000x128xf32, #tpu.memory_space<vmem_shared>> -> memref<10000x128xf32, #tpu.memory_space<vmem_shared>>
            tpu.enqueue_indirect_dma source(%dma_start3A_131 : memref<10000x128xf32, #tpu.memory_space<vmem_shared>>) target(%arg12 : memref<128x128xf32, #tpu.memory_space<vmem>>) offsets(%arg10 : memref<128xi32, #tpu.memory_space<vmem>>) semaphore(%arg14 : memref<!tpu.dma_semaphore, #tpu.memory_space<semaphore_mem>>)
          } else {
          }
          %dma_wait3A = arith.constant 0 : i32
          %dma_wait3A_120 = arith.constant 0 : i32
          %dma_wait3A_121 = tpu.memref_slice %arg8[%dma_wait3A, %dma_wait3A_120] : memref<10000x128xf32, #tpu.memory_space<vmem_shared>> -> memref<10000x128xf32, #tpu.memory_space<vmem_shared>>
          tpu.wait_indirect_dma semaphore(%arg13 : memref<!tpu.dma_semaphore, #tpu.memory_space<semaphore_mem>>) src(%dma_wait3A_121 : memref<10000x128xf32, #tpu.memory_space<vmem_shared>>) dst(%arg11 : memref<128x128xf32, #tpu.memory_space<vmem>>)
          %add3A_122 = arith.addi %select_n3A, %add3A_101 : i32
          %mul3A_123 = arith.constant 128 : i32
          %mul3A_124 = arith.muli %add3A_122, %mul3A_123 : i32
          "tpu.region"() ({
            %run_scoped3A = tpu.sem_alloc : memref<!tpu.dma_semaphore, #tpu.memory_space<semaphore_mem>>
            %dma_start3A = arith.constant 0 : i32
            %dma_start3A_125 = tpu.memref_slice %arg7[%mul3A_124, %dma_start3A] : memref<320000x128xf32, #tpu.memory_space<hbm>> -> memref<128x128xf32, #tpu.memory_space<hbm>>
            %dma_start3A_126 = arith.constant 0 : i32
            %dma_start3A_127 = tpu.memref_slice %arg7[%mul3A_124, %dma_start3A_126] : memref<320000x128xf32, #tpu.memory_space<hbm>> -> memref<128x128xf32, #tpu.memory_space<hbm>>
            tpu.enqueue_dma source(%arg11 : memref<128x128xf32, #tpu.memory_space<vmem>>) target(%dma_start3A_127 : memref<128x128xf32, #tpu.memory_space<hbm>>) target_semaphore(%run_scoped3A : memref<!tpu.dma_semaphore, #tpu.memory_space<semaphore_mem>>)
            %dma_wait3A_128 = arith.constant 0 : i32
            %dma_wait3A_129 = tpu.memref_slice %arg7[%mul3A_124, %dma_wait3A_128] : memref<320000x128xf32, #tpu.memory_space<hbm>> -> memref<128x128xf32, #tpu.memory_space<hbm>>
            %dma_wait3A_130 = arith.constant 0 : i32
            %dma_wait3A_131 = tpu.memref_slice %arg7[%mul3A_124, %dma_wait3A_130] : memref<320000x128xf32, #tpu.memory_space<hbm>> -> memref<128x128xf32, #tpu.memory_space<hbm>>
            tpu.wait_dma2 semaphore(%run_scoped3A : memref<!tpu.dma_semaphore, #tpu.memory_space<semaphore_mem>>) src(%arg11 : memref<128x128xf32, #tpu.memory_space<vmem>>) dst(%dma_wait3A_131 : memref<128x128xf32, #tpu.memory_space<hbm>>)
            tpu.yield
          }) : () -> ()
        } else {
        }
        %mul3A_106 = arith.constant 2 : i32
        %mul3A_107 = arith.muli %mul3A_106, %while3A_97 : i32
        %add3A_108 = arith.constant 1 : i32
        %add3A_109 = arith.addi %mul3A_107, %add3A_108 : i32
        %lt3A_110 = arith.cmpi slt, %add3A_109, %sub3A_46 : i32
        %convert_element_type3A_111 = arith.extui %lt3A_110 : i1 to i32
        %cond3A_112 = arith.constant 0 : i32
        %cond3A_113 = arith.cmpi ne, %convert_element_type3A_111, %cond3A_112 : i32
        scf.if %cond3A_113 {
          %add3A_114 = arith.constant 1 : i32
          %add3A_115 = arith.addi %add3A_109, %add3A_114 : i32
          %lt3A_116 = arith.cmpi slt, %add3A_115, %sub3A_46 : i32
          %convert_element_type3A_117 = arith.extui %lt3A_116 : i1 to i32
          %cond3A_118 = arith.constant 0 : i32
          %cond3A_119 = arith.cmpi ne, %convert_element_type3A_117, %cond3A_118 : i32
          scf.if %cond3A_119 {
            %add3A_125 = arith.addi %select_n3A, %add3A_109 : i32
            %add3A_126 = arith.constant 1 : i32
            %add3A_127 = arith.addi %add3A_125, %add3A_126 : i32
            %mul3A_128 = arith.constant 128 : i32
            %mul3A_129 = arith.muli %add3A_127, %mul3A_128 : i32
            "tpu.region"() ({
              %run_scoped3A = tpu.sem_alloc : memref<!tpu.dma_semaphore, #tpu.memory_space<semaphore_mem>>
              %dma_start3A_132 = tpu.memref_slice %arg5[%mul3A_129] : memref<320000xi32, #tpu.memory_space<hbm>> -> memref<128xi32, #tpu.memory_space<hbm>>
              %dma_start3A_133 = tpu.memref_slice %arg5[%mul3A_129] : memref<320000xi32, #tpu.memory_space<hbm>> -> memref<128xi32, #tpu.memory_space<hbm>>
              tpu.enqueue_dma source(%dma_start3A_133 : memref<128xi32, #tpu.memory_space<hbm>>) target(%arg9 : memref<128xi32, #tpu.memory_space<vmem>>) target_semaphore(%run_scoped3A : memref<!tpu.dma_semaphore, #tpu.memory_space<semaphore_mem>>)
              %dma_wait3A_134 = tpu.memref_slice %arg5[%mul3A_129] : memref<320000xi32, #tpu.memory_space<hbm>> -> memref<128xi32, #tpu.memory_space<hbm>>
              %dma_wait3A_135 = tpu.memref_slice %arg5[%mul3A_129] : memref<320000xi32, #tpu.memory_space<hbm>> -> memref<128xi32, #tpu.memory_space<hbm>>
              tpu.wait_dma2 semaphore(%run_scoped3A : memref<!tpu.dma_semaphore, #tpu.memory_space<semaphore_mem>>) src(%dma_wait3A_135 : memref<128xi32, #tpu.memory_space<hbm>>) dst(%arg9 : memref<128xi32, #tpu.memory_space<vmem>>)
              tpu.yield
            }) : () -> ()
            %dma_start3A = arith.constant 0 : i32
            %dma_start3A_130 = arith.constant 0 : i32
            %dma_start3A_131 = tpu.memref_slice %arg8[%dma_start3A, %dma_start3A_130] : memref<10000x128xf32, #tpu.memory_space<vmem_shared>> -> memref<10000x128xf32, #tpu.memory_space<vmem_shared>>
            tpu.enqueue_indirect_dma source(%dma_start3A_131 : memref<10000x128xf32, #tpu.memory_space<vmem_shared>>) target(%arg11 : memref<128x128xf32, #tpu.memory_space<vmem>>) offsets(%arg9 : memref<128xi32, #tpu.memory_space<vmem>>) semaphore(%arg13 : memref<!tpu.dma_semaphore, #tpu.memory_space<semaphore_mem>>)
          } else {
          }
          %dma_wait3A = arith.constant 0 : i32
          %dma_wait3A_120 = arith.constant 0 : i32
          %dma_wait3A_121 = tpu.memref_slice %arg8[%dma_wait3A, %dma_wait3A_120] : memref<10000x128xf32, #tpu.memory_space<vmem_shared>> -> memref<10000x128xf32, #tpu.memory_space<vmem_shared>>
          tpu.wait_indirect_dma semaphore(%arg14 : memref<!tpu.dma_semaphore, #tpu.memory_space<semaphore_mem>>) src(%dma_wait3A_121 : memref<10000x128xf32, #tpu.memory_space<vmem_shared>>) dst(%arg12 : memref<128x128xf32, #tpu.memory_space<vmem>>)
          %add3A_122 = arith.addi %select_n3A, %add3A_109 : i32
          %mul3A_123 = arith.constant 128 : i32
          %mul3A_124 = arith.muli %add3A_122, %mul3A_123 : i32
          "tpu.region"() ({
            %run_scoped3A = tpu.sem_alloc : memref<!tpu.dma_semaphore, #tpu.memory_space<semaphore_mem>>
            %dma_start3A = arith.constant 0 : i32
            %dma_start3A_125 = tpu.memref_slice %arg7[%mul3A_124, %dma_start3A] : memref<320000x128xf32, #tpu.memory_space<hbm>> -> memref<128x128xf32, #tpu.memory_space<hbm>>
            %dma_start3A_126 = arith.constant 0 : i32
            %dma_start3A_127 = tpu.memref_slice %arg7[%mul3A_124, %dma_start3A_126] : memref<320000x128xf32, #tpu.memory_space<hbm>> -> memref<128x128xf32, #tpu.memory_space<hbm>>
            tpu.enqueue_dma source(%arg12 : memref<128x128xf32, #tpu.memory_space<vmem>>) target(%dma_start3A_127 : memref<128x128xf32, #tpu.memory_space<hbm>>) target_semaphore(%run_scoped3A : memref<!tpu.dma_semaphore, #tpu.memory_space<semaphore_mem>>)
            %dma_wait3A_128 = arith.constant 0 : i32
            %dma_wait3A_129 = tpu.memref_slice %arg7[%mul3A_124, %dma_wait3A_128] : memref<320000x128xf32, #tpu.memory_space<hbm>> -> memref<128x128xf32, #tpu.memory_space<hbm>>
            %dma_wait3A_130 = arith.constant 0 : i32
            %dma_wait3A_131 = tpu.memref_slice %arg7[%mul3A_124, %dma_wait3A_130] : memref<320000x128xf32, #tpu.memory_space<hbm>> -> memref<128x128xf32, #tpu.memory_space<hbm>>
            tpu.wait_dma2 semaphore(%run_scoped3A : memref<!tpu.dma_semaphore, #tpu.memory_space<semaphore_mem>>) src(%arg12 : memref<128x128xf32, #tpu.memory_space<vmem>>) dst(%dma_wait3A_131 : memref<128x128xf32, #tpu.memory_space<hbm>>)
            tpu.yield
          }) : () -> ()
        } else {
        }
      }
    } else {
    }
    return
  }
}

#map = affine_map<(d0, d1) -> (0, 0)>
#map1 = affine_map<(d0, d1) -> (0)>
module attributes {stable_mosaic.version = 14 : i64} {
  func.func @body(%arg0: i32, %arg1: i32, %arg2: memref<320000x128xf32, #tpu.memory_space<hbm>>, %arg3: memref<320000xi32, #tpu.memory_space<hbm>>, %arg4: memref<10000x128xf32, #tpu.memory_space<hbm>>, %arg5: memref<10000x128xf32, #tpu.memory_space<hbm>>, %arg6: memref<10000x128xf32, #tpu.memory_space<hbm>>, %arg7: memref<10000x128xf32, #tpu.memory_space<vmem_shared>>, %arg8: memref<128xi32, #tpu.memory_space<vmem>>, %arg9: memref<128xi32, #tpu.memory_space<vmem>>, %arg10: memref<128x128xf32, #tpu.memory_space<vmem>>, %arg11: memref<128x128xf32, #tpu.memory_space<vmem>>, %arg12: memref<!tpu.dma_semaphore, #tpu.memory_space<semaphore_mem>>, %arg13: memref<!tpu.dma_semaphore, #tpu.memory_space<semaphore_mem>>) attributes {dimension_semantics = [#tpu.dimension_semantics<core_parallel>, #tpu.dimension_semantics<subcore_parallel>], iteration_bounds = array<i64: 2, 16>, scalar_prefetch = 0 : i64, scratch_operands = 7 : i64, tpu.core_type = #tpu.core_type<sc_vector_subcore>, window_params = [{transform_indices = #map}, {transform_indices = #map1}, {transform_indices = #map}, {transform_indices = #map}, {transform_indices = #map}]} {
    %lt3A = arith.constant 10 : i32
    %lt3A_0 = arith.cmpi slt, %arg1, %lt3A : i32
    %convert_element_type3A = arith.extui %lt3A_0 : i1 to i32
    %cond3A = arith.constant 0 : i32
    %cond3A_1 = arith.cmpi ne, %convert_element_type3A, %cond3A : i32
    scf.if %cond3A_1 {
      %mul3A_100 = arith.constant 1000 : i32
      %mul3A_101 = arith.muli %arg1, %mul3A_100 : i32
      %mul3A_102 = arith.constant 1000 : i32
      %mul3A_103 = arith.muli %arg1, %mul3A_102 : i32
      "tpu.region"() ({
        %run_scoped3A = tpu.sem_alloc : memref<!tpu.dma_semaphore, #tpu.memory_space<semaphore_mem>>
        %dma_start3A = arith.constant 0 : i32
        %dma_start3A_104 = tpu.memref_slice %arg7[%mul3A_103, %dma_start3A] : memref<10000x128xf32, #tpu.memory_space<vmem_shared>> -> memref<1000x128xf32, #tpu.memory_space<vmem_shared>>
        %dma_start3A_105 = arith.constant 0 : i32
        %dma_start3A_106 = tpu.memref_slice %arg4[%mul3A_101, %dma_start3A_105] : memref<10000x128xf32, #tpu.memory_space<hbm>> -> memref<1000x128xf32, #tpu.memory_space<hbm>>
        tpu.enqueue_dma source(%dma_start3A_106 : memref<1000x128xf32, #tpu.memory_space<hbm>>) target(%dma_start3A_104 : memref<1000x128xf32, #tpu.memory_space<vmem_shared>>) target_semaphore(%run_scoped3A : memref<!tpu.dma_semaphore, #tpu.memory_space<semaphore_mem>>)
        %dma_wait3A = arith.constant 0 : i32
        %dma_wait3A_107 = tpu.memref_slice %arg7[%mul3A_103, %dma_wait3A] : memref<10000x128xf32, #tpu.memory_space<vmem_shared>> -> memref<1000x128xf32, #tpu.memory_space<vmem_shared>>
        %dma_wait3A_108 = arith.constant 0 : i32
        %dma_wait3A_109 = tpu.memref_slice %arg4[%mul3A_101, %dma_wait3A_108] : memref<10000x128xf32, #tpu.memory_space<hbm>> -> memref<1000x128xf32, #tpu.memory_space<hbm>>
        tpu.wait_dma2 semaphore(%run_scoped3A : memref<!tpu.dma_semaphore, #tpu.memory_space<semaphore_mem>>) src(%dma_wait3A_109 : memref<1000x128xf32, #tpu.memory_space<hbm>>) dst(%dma_wait3A_107 : memref<1000x128xf32, #tpu.memory_space<vmem_shared>>)
        tpu.yield
      }) : () -> ()
    } else {
    }
    %barrier3A = arith.constant 0 : index
    tpu.barrier barrier_id(%barrier3A)
    %mul3A = arith.constant 1250 : i32
    %mul3A_2 = arith.muli %arg0, %mul3A : i32
    %mul3A_3 = arith.constant 1250 : i32
    %mul3A_4 = arith.muli %mul3A_3, %arg1 : i32
    %jit3A = arith.constant 16 : i32
    %div3A = arith.divsi %mul3A_4, %jit3A : i32
    %sign3A = arith.constant 0 : i32
    %sign3A_5 = arith.cmpi sgt, %mul3A_4, %sign3A : i32
    %sign3A_6 = arith.extui %sign3A_5 : i1 to i32
    %sign3A_7 = arith.constant 0 : i32
    %sign3A_8 = arith.cmpi slt, %mul3A_4, %sign3A_7 : i32
    %sign3A_9 = arith.extui %sign3A_8 : i1 to i32
    %sign3A_10 = arith.subi %sign3A_6, %sign3A_9 : i32
    %sign3A_11 = arith.constant 0 : i32
    %sign3A_12 = arith.cmpi sgt, %jit3A, %sign3A_11 : i32
    %sign3A_13 = arith.extui %sign3A_12 : i1 to i32
    %sign3A_14 = arith.constant 0 : i32
    %sign3A_15 = arith.cmpi slt, %jit3A, %sign3A_14 : i32
    %sign3A_16 = arith.extui %sign3A_15 : i1 to i32
    %sign3A_17 = arith.subi %sign3A_13, %sign3A_16 : i32
    %ne3A = arith.cmpi ne, %sign3A_10, %sign3A_17 : i32
    %rem3A = arith.remsi %mul3A_4, %jit3A : i32
    %ne3A_18 = arith.constant 0 : i32
    %ne3A_19 = arith.cmpi ne, %rem3A, %ne3A_18 : i32
    %and3A = arith.andi %ne3A, %ne3A_19 : i1
    %sub3A = arith.constant 1 : i32
    %sub3A_20 = arith.subi %div3A, %sub3A : i32
    %select_n3A = arith.select %and3A, %sub3A_20, %div3A : i32
    %add3A = arith.addi %mul3A_2, %select_n3A : i32
    %mul3A_21 = arith.constant 1250 : i32
    %mul3A_22 = arith.muli %arg0, %mul3A_21 : i32
    %add3A_23 = arith.constant 1 : i32
    %add3A_24 = arith.addi %arg1, %add3A_23 : i32
    %mul3A_25 = arith.constant 1250 : i32
    %mul3A_26 = arith.muli %mul3A_25, %add3A_24 : i32
    %jit3A_27 = arith.constant 16 : i32
    %div3A_28 = arith.divsi %mul3A_26, %jit3A_27 : i32
    %sign3A_29 = arith.constant 0 : i32
    %sign3A_30 = arith.cmpi sgt, %mul3A_26, %sign3A_29 : i32
    %sign3A_31 = arith.extui %sign3A_30 : i1 to i32
    %sign3A_32 = arith.constant 0 : i32
    %sign3A_33 = arith.cmpi slt, %mul3A_26, %sign3A_32 : i32
    %sign3A_34 = arith.extui %sign3A_33 : i1 to i32
    %sign3A_35 = arith.subi %sign3A_31, %sign3A_34 : i32
    %sign3A_36 = arith.constant 0 : i32
    %sign3A_37 = arith.cmpi sgt, %jit3A_27, %sign3A_36 : i32
    %sign3A_38 = arith.extui %sign3A_37 : i1 to i32
    %sign3A_39 = arith.constant 0 : i32
    %sign3A_40 = arith.cmpi slt, %jit3A_27, %sign3A_39 : i32
    %sign3A_41 = arith.extui %sign3A_40 : i1 to i32
    %sign3A_42 = arith.subi %sign3A_38, %sign3A_41 : i32
    %ne3A_43 = arith.cmpi ne, %sign3A_35, %sign3A_42 : i32
    %rem3A_44 = arith.remsi %mul3A_26, %jit3A_27 : i32
    %ne3A_45 = arith.constant 0 : i32
    %ne3A_46 = arith.cmpi ne, %rem3A_44, %ne3A_45 : i32
    %and3A_47 = arith.andi %ne3A_43, %ne3A_46 : i1
    %sub3A_48 = arith.constant 1 : i32
    %sub3A_49 = arith.subi %div3A_28, %sub3A_48 : i32
    %select_n3A_50 = arith.select %and3A_47, %sub3A_49, %div3A_28 : i32
    %add3A_51 = arith.addi %mul3A_22, %select_n3A_50 : i32
    %sub3A_52 = arith.subi %add3A_51, %add3A : i32
    %mul3A_53 = arith.constant 128 : i32
    %mul3A_54 = arith.muli %add3A, %mul3A_53 : i32
    "tpu.region"() ({
      %run_scoped3A = tpu.sem_alloc : memref<!tpu.dma_semaphore, #tpu.memory_space<semaphore_mem>>
      %dma_start3A = tpu.memref_slice %arg3[%mul3A_54] : memref<320000xi32, #tpu.memory_space<hbm>> -> memref<128xi32, #tpu.memory_space<hbm>>
      %dma_start3A_100 = tpu.memref_slice %arg3[%mul3A_54] : memref<320000xi32, #tpu.memory_space<hbm>> -> memref<128xi32, #tpu.memory_space<hbm>>
      tpu.enqueue_dma source(%dma_start3A_100 : memref<128xi32, #tpu.memory_space<hbm>>) target(%arg8 : memref<128xi32, #tpu.memory_space<vmem>>) target_semaphore(%run_scoped3A : memref<!tpu.dma_semaphore, #tpu.memory_space<semaphore_mem>>)
      %dma_wait3A = tpu.memref_slice %arg3[%mul3A_54] : memref<320000xi32, #tpu.memory_space<hbm>> -> memref<128xi32, #tpu.memory_space<hbm>>
      %dma_wait3A_101 = tpu.memref_slice %arg3[%mul3A_54] : memref<320000xi32, #tpu.memory_space<hbm>> -> memref<128xi32, #tpu.memory_space<hbm>>
      tpu.wait_dma2 semaphore(%run_scoped3A : memref<!tpu.dma_semaphore, #tpu.memory_space<semaphore_mem>>) src(%dma_wait3A_101 : memref<128xi32, #tpu.memory_space<hbm>>) dst(%arg8 : memref<128xi32, #tpu.memory_space<vmem>>)
      tpu.yield
    }) : () -> ()
    %gt3A = arith.constant 0 : i32
    %gt3A_55 = arith.cmpi sgt, %sub3A_52, %gt3A : i32
    %convert_element_type3A_56 = arith.extui %gt3A_55 : i1 to i32
    %cond3A_57 = arith.constant 0 : i32
    %cond3A_58 = arith.cmpi ne, %convert_element_type3A_56, %cond3A_57 : i32
    scf.if %cond3A_58 {
      %mul3A_100 = arith.constant 128 : i32
      %mul3A_101 = arith.muli %add3A, %mul3A_100 : i32
      %dma_start3A = arith.constant 0 : i32
      %dma_start3A_102 = tpu.memref_slice %arg2[%mul3A_101, %dma_start3A] : memref<320000x128xf32, #tpu.memory_space<hbm>> -> memref<128x128xf32, #tpu.memory_space<hbm>>
      %dma_start3A_103 = arith.constant 0 : i32
      %dma_start3A_104 = tpu.memref_slice %arg2[%mul3A_101, %dma_start3A_103] : memref<320000x128xf32, #tpu.memory_space<hbm>> -> memref<128x128xf32, #tpu.memory_space<hbm>>
      tpu.enqueue_dma source(%dma_start3A_104 : memref<128x128xf32, #tpu.memory_space<hbm>>) target(%arg10 : memref<128x128xf32, #tpu.memory_space<vmem>>) target_semaphore(%arg12 : memref<!tpu.dma_semaphore, #tpu.memory_space<semaphore_mem>>)
    } else {
    }
    %add3A_59 = arith.constant 1 : i32
    %add3A_60 = arith.addi %sub3A_52, %add3A_59 : i32
    %jit3A_61 = arith.constant 2 : i32
    %div3A_62 = arith.divsi %add3A_60, %jit3A_61 : i32
    %sign3A_63 = arith.constant 0 : i32
    %sign3A_64 = arith.cmpi sgt, %add3A_60, %sign3A_63 : i32
    %sign3A_65 = arith.extui %sign3A_64 : i1 to i32
    %sign3A_66 = arith.constant 0 : i32
    %sign3A_67 = arith.cmpi slt, %add3A_60, %sign3A_66 : i32
    %sign3A_68 = arith.extui %sign3A_67 : i1 to i32
    %sign3A_69 = arith.subi %sign3A_65, %sign3A_68 : i32
    %sign3A_70 = arith.constant 0 : i32
    %sign3A_71 = arith.cmpi sgt, %jit3A_61, %sign3A_70 : i32
    %sign3A_72 = arith.extui %sign3A_71 : i1 to i32
    %sign3A_73 = arith.constant 0 : i32
    %sign3A_74 = arith.cmpi slt, %jit3A_61, %sign3A_73 : i32
    %sign3A_75 = arith.extui %sign3A_74 : i1 to i32
    %sign3A_76 = arith.subi %sign3A_72, %sign3A_75 : i32
    %ne3A_77 = arith.cmpi ne, %sign3A_69, %sign3A_76 : i32
    %rem3A_78 = arith.remsi %add3A_60, %jit3A_61 : i32
    %ne3A_79 = arith.constant 0 : i32
    %ne3A_80 = arith.cmpi ne, %rem3A_78, %ne3A_79 : i32
    %and3A_81 = arith.andi %ne3A_77, %ne3A_80 : i1
    %sub3A_82 = arith.constant 1 : i32
    %sub3A_83 = arith.subi %div3A_62, %sub3A_82 : i32
    %select_n3A_84 = arith.select %and3A_81, %sub3A_83, %div3A_62 : i32
    %while3A = arith.constant 0 : i32
    %while3A_85 = arith.constant 0 : i32
    %while3A_86 = arith.subi %select_n3A_84, %while3A_85 : i32
    %while3A_87 = arith.addi %while3A_85, %while3A_86 : i32
    %while3A_88 = arith.constant 1 : i32
    %while3A_89 = arith.divsi %while3A_86, %while3A_88 : i32
    %while3A_90 = arith.muli %while3A_89, %while3A_88 : i32
    %while3A_91 = arith.addi %while3A_85, %while3A_90 : i32
    %while3A_92 = arith.constant 1 : i32
    scf.for %while3A_100 = %while3A_85 to %while3A_91 step %while3A_92  : i32 {
      %mul3A_101 = arith.constant 2 : i32
      %mul3A_102 = arith.muli %mul3A_101, %while3A_100 : i32
      %add3A_103 = arith.constant 0 : i32
      %add3A_104 = arith.addi %mul3A_102, %add3A_103 : i32
      %lt3A_105 = arith.cmpi slt, %add3A_104, %sub3A_52 : i32
      %convert_element_type3A_106 = arith.extui %lt3A_105 : i1 to i32
      %cond3A_107 = arith.constant 0 : i32
      %cond3A_108 = arith.cmpi ne, %convert_element_type3A_106, %cond3A_107 : i32
      scf.if %cond3A_108 {
        %add3A_117 = arith.constant 1 : i32
        %add3A_118 = arith.addi %add3A_104, %add3A_117 : i32
        %lt3A_119 = arith.cmpi slt, %add3A_118, %sub3A_52 : i32
        %convert_element_type3A_120 = arith.extui %lt3A_119 : i1 to i32
        %cond3A_121 = arith.constant 0 : i32
        %cond3A_122 = arith.cmpi ne, %convert_element_type3A_120, %cond3A_121 : i32
        scf.if %cond3A_122 {
          %add3A_129 = arith.addi %add3A, %add3A_104 : i32
          %add3A_130 = arith.constant 1 : i32
          %add3A_131 = arith.addi %add3A_129, %add3A_130 : i32
          %mul3A_132 = arith.constant 128 : i32
          %mul3A_133 = arith.muli %add3A_131, %mul3A_132 : i32
          "tpu.region"() ({
            %run_scoped3A = tpu.sem_alloc : memref<!tpu.dma_semaphore, #tpu.memory_space<semaphore_mem>>
            %dma_start3A_142 = tpu.memref_slice %arg3[%mul3A_133] : memref<320000xi32, #tpu.memory_space<hbm>> -> memref<128xi32, #tpu.memory_space<hbm>>
            %dma_start3A_143 = tpu.memref_slice %arg3[%mul3A_133] : memref<320000xi32, #tpu.memory_space<hbm>> -> memref<128xi32, #tpu.memory_space<hbm>>
            tpu.enqueue_dma source(%dma_start3A_143 : memref<128xi32, #tpu.memory_space<hbm>>) target(%arg9 : memref<128xi32, #tpu.memory_space<vmem>>) target_semaphore(%run_scoped3A : memref<!tpu.dma_semaphore, #tpu.memory_space<semaphore_mem>>)
            %dma_wait3A_144 = tpu.memref_slice %arg3[%mul3A_133] : memref<320000xi32, #tpu.memory_space<hbm>> -> memref<128xi32, #tpu.memory_space<hbm>>
            %dma_wait3A_145 = tpu.memref_slice %arg3[%mul3A_133] : memref<320000xi32, #tpu.memory_space<hbm>> -> memref<128xi32, #tpu.memory_space<hbm>>
            tpu.wait_dma2 semaphore(%run_scoped3A : memref<!tpu.dma_semaphore, #tpu.memory_space<semaphore_mem>>) src(%dma_wait3A_145 : memref<128xi32, #tpu.memory_space<hbm>>) dst(%arg9 : memref<128xi32, #tpu.memory_space<vmem>>)
            tpu.yield
          }) : () -> ()
          %add3A_134 = arith.addi %add3A, %add3A_104 : i32
          %add3A_135 = arith.constant 1 : i32
          %add3A_136 = arith.addi %add3A_134, %add3A_135 : i32
          %mul3A_137 = arith.constant 128 : i32
          %mul3A_138 = arith.muli %add3A_136, %mul3A_137 : i32
          %dma_start3A = arith.constant 0 : i32
          %dma_start3A_139 = tpu.memref_slice %arg2[%mul3A_138, %dma_start3A] : memref<320000x128xf32, #tpu.memory_space<hbm>> -> memref<128x128xf32, #tpu.memory_space<hbm>>
          %dma_start3A_140 = arith.constant 0 : i32
          %dma_start3A_141 = tpu.memref_slice %arg2[%mul3A_138, %dma_start3A_140] : memref<320000x128xf32, #tpu.memory_space<hbm>> -> memref<128x128xf32, #tpu.memory_space<hbm>>
          tpu.enqueue_dma source(%dma_start3A_141 : memref<128x128xf32, #tpu.memory_space<hbm>>) target(%arg11 : memref<128x128xf32, #tpu.memory_space<vmem>>) target_semaphore(%arg13 : memref<!tpu.dma_semaphore, #tpu.memory_space<semaphore_mem>>)
        } else {
        }
        %add3A_123 = arith.addi %add3A, %add3A_104 : i32
        %mul3A_124 = arith.constant 128 : i32
        %mul3A_125 = arith.muli %add3A_123, %mul3A_124 : i32
        %dma_wait3A = arith.constant 0 : i32
        %dma_wait3A_126 = tpu.memref_slice %arg2[%mul3A_125, %dma_wait3A] : memref<320000x128xf32, #tpu.memory_space<hbm>> -> memref<128x128xf32, #tpu.memory_space<hbm>>
        %dma_wait3A_127 = arith.constant 0 : i32
        %dma_wait3A_128 = tpu.memref_slice %arg2[%mul3A_125, %dma_wait3A_127] : memref<320000x128xf32, #tpu.memory_space<hbm>> -> memref<128x128xf32, #tpu.memory_space<hbm>>
        tpu.wait_dma2 semaphore(%arg12 : memref<!tpu.dma_semaphore, #tpu.memory_space<semaphore_mem>>) src(%dma_wait3A_128 : memref<128x128xf32, #tpu.memory_space<hbm>>) dst(%arg10 : memref<128x128xf32, #tpu.memory_space<vmem>>)
        "tpu.region"() ({
          %run_scoped3A = tpu.sem_alloc : memref<!tpu.dma_semaphore, #tpu.memory_space<semaphore_mem>>
          %dma_start3A = arith.constant 0 : i32
          %dma_start3A_129 = arith.constant 0 : i32
          %dma_start3A_130 = tpu.memref_slice %arg7[%dma_start3A, %dma_start3A_129] : memref<10000x128xf32, #tpu.memory_space<vmem_shared>> -> memref<10000x128xf32, #tpu.memory_space<vmem_shared>>
          tpu.enqueue_indirect_dma source(%arg10 : memref<128x128xf32, #tpu.memory_space<vmem>>) target(%dma_start3A_130 : memref<10000x128xf32, #tpu.memory_space<vmem_shared>>) offsets(%arg8 : memref<128xi32, #tpu.memory_space<vmem>>) semaphore(%run_scoped3A : memref<!tpu.dma_semaphore, #tpu.memory_space<semaphore_mem>>) {add = true}
          %dma_wait3A_131 = arith.constant 0 : i32
          %dma_wait3A_132 = arith.constant 0 : i32
          %dma_wait3A_133 = tpu.memref_slice %arg7[%dma_wait3A_131, %dma_wait3A_132] : memref<10000x128xf32, #tpu.memory_space<vmem_shared>> -> memref<10000x128xf32, #tpu.memory_space<vmem_shared>>
          tpu.wait_indirect_dma semaphore(%run_scoped3A : memref<!tpu.dma_semaphore, #tpu.memory_space<semaphore_mem>>) src(%arg10 : memref<128x128xf32, #tpu.memory_space<vmem>>) dst(%dma_wait3A_133 : memref<10000x128xf32, #tpu.memory_space<vmem_shared>>)
          tpu.yield
        }) : () -> ()
      } else {
      }
      %mul3A_109 = arith.constant 2 : i32
      %mul3A_110 = arith.muli %mul3A_109, %while3A_100 : i32
      %add3A_111 = arith.constant 1 : i32
      %add3A_112 = arith.addi %mul3A_110, %add3A_111 : i32
      %lt3A_113 = arith.cmpi slt, %add3A_112, %sub3A_52 : i32
      %convert_element_type3A_114 = arith.extui %lt3A_113 : i1 to i32
      %cond3A_115 = arith.constant 0 : i32
      %cond3A_116 = arith.cmpi ne, %convert_element_type3A_114, %cond3A_115 : i32
      scf.if %cond3A_116 {
        %add3A_117 = arith.constant 1 : i32
        %add3A_118 = arith.addi %add3A_112, %add3A_117 : i32
        %lt3A_119 = arith.cmpi slt, %add3A_118, %sub3A_52 : i32
        %convert_element_type3A_120 = arith.extui %lt3A_119 : i1 to i32
        %cond3A_121 = arith.constant 0 : i32
        %cond3A_122 = arith.cmpi ne, %convert_element_type3A_120, %cond3A_121 : i32
        scf.if %cond3A_122 {
          %add3A_129 = arith.addi %add3A, %add3A_112 : i32
          %add3A_130 = arith.constant 1 : i32
          %add3A_131 = arith.addi %add3A_129, %add3A_130 : i32
          %mul3A_132 = arith.constant 128 : i32
          %mul3A_133 = arith.muli %add3A_131, %mul3A_132 : i32
          "tpu.region"() ({
            %run_scoped3A = tpu.sem_alloc : memref<!tpu.dma_semaphore, #tpu.memory_space<semaphore_mem>>
            %dma_start3A_142 = tpu.memref_slice %arg3[%mul3A_133] : memref<320000xi32, #tpu.memory_space<hbm>> -> memref<128xi32, #tpu.memory_space<hbm>>
            %dma_start3A_143 = tpu.memref_slice %arg3[%mul3A_133] : memref<320000xi32, #tpu.memory_space<hbm>> -> memref<128xi32, #tpu.memory_space<hbm>>
            tpu.enqueue_dma source(%dma_start3A_143 : memref<128xi32, #tpu.memory_space<hbm>>) target(%arg8 : memref<128xi32, #tpu.memory_space<vmem>>) target_semaphore(%run_scoped3A : memref<!tpu.dma_semaphore, #tpu.memory_space<semaphore_mem>>)
            %dma_wait3A_144 = tpu.memref_slice %arg3[%mul3A_133] : memref<320000xi32, #tpu.memory_space<hbm>> -> memref<128xi32, #tpu.memory_space<hbm>>
            %dma_wait3A_145 = tpu.memref_slice %arg3[%mul3A_133] : memref<320000xi32, #tpu.memory_space<hbm>> -> memref<128xi32, #tpu.memory_space<hbm>>
            tpu.wait_dma2 semaphore(%run_scoped3A : memref<!tpu.dma_semaphore, #tpu.memory_space<semaphore_mem>>) src(%dma_wait3A_145 : memref<128xi32, #tpu.memory_space<hbm>>) dst(%arg8 : memref<128xi32, #tpu.memory_space<vmem>>)
            tpu.yield
          }) : () -> ()
          %add3A_134 = arith.addi %add3A, %add3A_112 : i32
          %add3A_135 = arith.constant 1 : i32
          %add3A_136 = arith.addi %add3A_134, %add3A_135 : i32
          %mul3A_137 = arith.constant 128 : i32
          %mul3A_138 = arith.muli %add3A_136, %mul3A_137 : i32
          %dma_start3A = arith.constant 0 : i32
          %dma_start3A_139 = tpu.memref_slice %arg2[%mul3A_138, %dma_start3A] : memref<320000x128xf32, #tpu.memory_space<hbm>> -> memref<128x128xf32, #tpu.memory_space<hbm>>
          %dma_start3A_140 = arith.constant 0 : i32
          %dma_start3A_141 = tpu.memref_slice %arg2[%mul3A_138, %dma_start3A_140] : memref<320000x128xf32, #tpu.memory_space<hbm>> -> memref<128x128xf32, #tpu.memory_space<hbm>>
          tpu.enqueue_dma source(%dma_start3A_141 : memref<128x128xf32, #tpu.memory_space<hbm>>) target(%arg10 : memref<128x128xf32, #tpu.memory_space<vmem>>) target_semaphore(%arg12 : memref<!tpu.dma_semaphore, #tpu.memory_space<semaphore_mem>>)
        } else {
        }
        %add3A_123 = arith.addi %add3A, %add3A_112 : i32
        %mul3A_124 = arith.constant 128 : i32
        %mul3A_125 = arith.muli %add3A_123, %mul3A_124 : i32
        %dma_wait3A = arith.constant 0 : i32
        %dma_wait3A_126 = tpu.memref_slice %arg2[%mul3A_125, %dma_wait3A] : memref<320000x128xf32, #tpu.memory_space<hbm>> -> memref<128x128xf32, #tpu.memory_space<hbm>>
        %dma_wait3A_127 = arith.constant 0 : i32
        %dma_wait3A_128 = tpu.memref_slice %arg2[%mul3A_125, %dma_wait3A_127] : memref<320000x128xf32, #tpu.memory_space<hbm>> -> memref<128x128xf32, #tpu.memory_space<hbm>>
        tpu.wait_dma2 semaphore(%arg13 : memref<!tpu.dma_semaphore, #tpu.memory_space<semaphore_mem>>) src(%dma_wait3A_128 : memref<128x128xf32, #tpu.memory_space<hbm>>) dst(%arg11 : memref<128x128xf32, #tpu.memory_space<vmem>>)
        "tpu.region"() ({
          %run_scoped3A = tpu.sem_alloc : memref<!tpu.dma_semaphore, #tpu.memory_space<semaphore_mem>>
          %dma_start3A = arith.constant 0 : i32
          %dma_start3A_129 = arith.constant 0 : i32
          %dma_start3A_130 = tpu.memref_slice %arg7[%dma_start3A, %dma_start3A_129] : memref<10000x128xf32, #tpu.memory_space<vmem_shared>> -> memref<10000x128xf32, #tpu.memory_space<vmem_shared>>
          tpu.enqueue_indirect_dma source(%arg11 : memref<128x128xf32, #tpu.memory_space<vmem>>) target(%dma_start3A_130 : memref<10000x128xf32, #tpu.memory_space<vmem_shared>>) offsets(%arg9 : memref<128xi32, #tpu.memory_space<vmem>>) semaphore(%run_scoped3A : memref<!tpu.dma_semaphore, #tpu.memory_space<semaphore_mem>>) {add = true}
          %dma_wait3A_131 = arith.constant 0 : i32
          %dma_wait3A_132 = arith.constant 0 : i32
          %dma_wait3A_133 = tpu.memref_slice %arg7[%dma_wait3A_131, %dma_wait3A_132] : memref<10000x128xf32, #tpu.memory_space<vmem_shared>> -> memref<10000x128xf32, #tpu.memory_space<vmem_shared>>
          tpu.wait_indirect_dma semaphore(%run_scoped3A : memref<!tpu.dma_semaphore, #tpu.memory_space<semaphore_mem>>) src(%arg11 : memref<128x128xf32, #tpu.memory_space<vmem>>) dst(%dma_wait3A_133 : memref<10000x128xf32, #tpu.memory_space<vmem_shared>>)
          tpu.yield
        }) : () -> ()
      } else {
      }
    }
    %while3A_93 = arith.constant 1 : i32
    scf.for %while3A_100 = %while3A_91 to %while3A_87 step %while3A_93  : i32 {
      %mul3A_101 = arith.constant 2 : i32
      %mul3A_102 = arith.muli %mul3A_101, %while3A_100 : i32
      %add3A_103 = arith.constant 0 : i32
      %add3A_104 = arith.addi %mul3A_102, %add3A_103 : i32
      %lt3A_105 = arith.cmpi slt, %add3A_104, %sub3A_52 : i32
      %convert_element_type3A_106 = arith.extui %lt3A_105 : i1 to i32
      %cond3A_107 = arith.constant 0 : i32
      %cond3A_108 = arith.cmpi ne, %convert_element_type3A_106, %cond3A_107 : i32
      scf.if %cond3A_108 {
        %add3A_117 = arith.constant 1 : i32
        %add3A_118 = arith.addi %add3A_104, %add3A_117 : i32
        %lt3A_119 = arith.cmpi slt, %add3A_118, %sub3A_52 : i32
        %convert_element_type3A_120 = arith.extui %lt3A_119 : i1 to i32
        %cond3A_121 = arith.constant 0 : i32
        %cond3A_122 = arith.cmpi ne, %convert_element_type3A_120, %cond3A_121 : i32
        scf.if %cond3A_122 {
          %add3A_129 = arith.addi %add3A, %add3A_104 : i32
          %add3A_130 = arith.constant 1 : i32
          %add3A_131 = arith.addi %add3A_129, %add3A_130 : i32
          %mul3A_132 = arith.constant 128 : i32
          %mul3A_133 = arith.muli %add3A_131, %mul3A_132 : i32
          "tpu.region"() ({
            %run_scoped3A = tpu.sem_alloc : memref<!tpu.dma_semaphore, #tpu.memory_space<semaphore_mem>>
            %dma_start3A_142 = tpu.memref_slice %arg3[%mul3A_133] : memref<320000xi32, #tpu.memory_space<hbm>> -> memref<128xi32, #tpu.memory_space<hbm>>
            %dma_start3A_143 = tpu.memref_slice %arg3[%mul3A_133] : memref<320000xi32, #tpu.memory_space<hbm>> -> memref<128xi32, #tpu.memory_space<hbm>>
            tpu.enqueue_dma source(%dma_start3A_143 : memref<128xi32, #tpu.memory_space<hbm>>) target(%arg9 : memref<128xi32, #tpu.memory_space<vmem>>) target_semaphore(%run_scoped3A : memref<!tpu.dma_semaphore, #tpu.memory_space<semaphore_mem>>)
            %dma_wait3A_144 = tpu.memref_slice %arg3[%mul3A_133] : memref<320000xi32, #tpu.memory_space<hbm>> -> memref<128xi32, #tpu.memory_space<hbm>>
            %dma_wait3A_145 = tpu.memref_slice %arg3[%mul3A_133] : memref<320000xi32, #tpu.memory_space<hbm>> -> memref<128xi32, #tpu.memory_space<hbm>>
            tpu.wait_dma2 semaphore(%run_scoped3A : memref<!tpu.dma_semaphore, #tpu.memory_space<semaphore_mem>>) src(%dma_wait3A_145 : memref<128xi32, #tpu.memory_space<hbm>>) dst(%arg9 : memref<128xi32, #tpu.memory_space<vmem>>)
            tpu.yield
          }) : () -> ()
          %add3A_134 = arith.addi %add3A, %add3A_104 : i32
          %add3A_135 = arith.constant 1 : i32
          %add3A_136 = arith.addi %add3A_134, %add3A_135 : i32
          %mul3A_137 = arith.constant 128 : i32
          %mul3A_138 = arith.muli %add3A_136, %mul3A_137 : i32
          %dma_start3A = arith.constant 0 : i32
          %dma_start3A_139 = tpu.memref_slice %arg2[%mul3A_138, %dma_start3A] : memref<320000x128xf32, #tpu.memory_space<hbm>> -> memref<128x128xf32, #tpu.memory_space<hbm>>
          %dma_start3A_140 = arith.constant 0 : i32
          %dma_start3A_141 = tpu.memref_slice %arg2[%mul3A_138, %dma_start3A_140] : memref<320000x128xf32, #tpu.memory_space<hbm>> -> memref<128x128xf32, #tpu.memory_space<hbm>>
          tpu.enqueue_dma source(%dma_start3A_141 : memref<128x128xf32, #tpu.memory_space<hbm>>) target(%arg11 : memref<128x128xf32, #tpu.memory_space<vmem>>) target_semaphore(%arg13 : memref<!tpu.dma_semaphore, #tpu.memory_space<semaphore_mem>>)
        } else {
        }
        %add3A_123 = arith.addi %add3A, %add3A_104 : i32
        %mul3A_124 = arith.constant 128 : i32
        %mul3A_125 = arith.muli %add3A_123, %mul3A_124 : i32
        %dma_wait3A = arith.constant 0 : i32
        %dma_wait3A_126 = tpu.memref_slice %arg2[%mul3A_125, %dma_wait3A] : memref<320000x128xf32, #tpu.memory_space<hbm>> -> memref<128x128xf32, #tpu.memory_space<hbm>>
        %dma_wait3A_127 = arith.constant 0 : i32
        %dma_wait3A_128 = tpu.memref_slice %arg2[%mul3A_125, %dma_wait3A_127] : memref<320000x128xf32, #tpu.memory_space<hbm>> -> memref<128x128xf32, #tpu.memory_space<hbm>>
        tpu.wait_dma2 semaphore(%arg12 : memref<!tpu.dma_semaphore, #tpu.memory_space<semaphore_mem>>) src(%dma_wait3A_128 : memref<128x128xf32, #tpu.memory_space<hbm>>) dst(%arg10 : memref<128x128xf32, #tpu.memory_space<vmem>>)
        "tpu.region"() ({
          %run_scoped3A = tpu.sem_alloc : memref<!tpu.dma_semaphore, #tpu.memory_space<semaphore_mem>>
          %dma_start3A = arith.constant 0 : i32
          %dma_start3A_129 = arith.constant 0 : i32
          %dma_start3A_130 = tpu.memref_slice %arg7[%dma_start3A, %dma_start3A_129] : memref<10000x128xf32, #tpu.memory_space<vmem_shared>> -> memref<10000x128xf32, #tpu.memory_space<vmem_shared>>
          tpu.enqueue_indirect_dma source(%arg10 : memref<128x128xf32, #tpu.memory_space<vmem>>) target(%dma_start3A_130 : memref<10000x128xf32, #tpu.memory_space<vmem_shared>>) offsets(%arg8 : memref<128xi32, #tpu.memory_space<vmem>>) semaphore(%run_scoped3A : memref<!tpu.dma_semaphore, #tpu.memory_space<semaphore_mem>>) {add = true}
          %dma_wait3A_131 = arith.constant 0 : i32
          %dma_wait3A_132 = arith.constant 0 : i32
          %dma_wait3A_133 = tpu.memref_slice %arg7[%dma_wait3A_131, %dma_wait3A_132] : memref<10000x128xf32, #tpu.memory_space<vmem_shared>> -> memref<10000x128xf32, #tpu.memory_space<vmem_shared>>
          tpu.wait_indirect_dma semaphore(%run_scoped3A : memref<!tpu.dma_semaphore, #tpu.memory_space<semaphore_mem>>) src(%arg10 : memref<128x128xf32, #tpu.memory_space<vmem>>) dst(%dma_wait3A_133 : memref<10000x128xf32, #tpu.memory_space<vmem_shared>>)
          tpu.yield
        }) : () -> ()
      } else {
      }
      %mul3A_109 = arith.constant 2 : i32
      %mul3A_110 = arith.muli %mul3A_109, %while3A_100 : i32
      %add3A_111 = arith.constant 1 : i32
      %add3A_112 = arith.addi %mul3A_110, %add3A_111 : i32
      %lt3A_113 = arith.cmpi slt, %add3A_112, %sub3A_52 : i32
      %convert_element_type3A_114 = arith.extui %lt3A_113 : i1 to i32
      %cond3A_115 = arith.constant 0 : i32
      %cond3A_116 = arith.cmpi ne, %convert_element_type3A_114, %cond3A_115 : i32
      scf.if %cond3A_116 {
        %add3A_117 = arith.constant 1 : i32
        %add3A_118 = arith.addi %add3A_112, %add3A_117 : i32
        %lt3A_119 = arith.cmpi slt, %add3A_118, %sub3A_52 : i32
        %convert_element_type3A_120 = arith.extui %lt3A_119 : i1 to i32
        %cond3A_121 = arith.constant 0 : i32
        %cond3A_122 = arith.cmpi ne, %convert_element_type3A_120, %cond3A_121 : i32
        scf.if %cond3A_122 {
          %add3A_129 = arith.addi %add3A, %add3A_112 : i32
          %add3A_130 = arith.constant 1 : i32
          %add3A_131 = arith.addi %add3A_129, %add3A_130 : i32
          %mul3A_132 = arith.constant 128 : i32
          %mul3A_133 = arith.muli %add3A_131, %mul3A_132 : i32
          "tpu.region"() ({
            %run_scoped3A = tpu.sem_alloc : memref<!tpu.dma_semaphore, #tpu.memory_space<semaphore_mem>>
            %dma_start3A_142 = tpu.memref_slice %arg3[%mul3A_133] : memref<320000xi32, #tpu.memory_space<hbm>> -> memref<128xi32, #tpu.memory_space<hbm>>
            %dma_start3A_143 = tpu.memref_slice %arg3[%mul3A_133] : memref<320000xi32, #tpu.memory_space<hbm>> -> memref<128xi32, #tpu.memory_space<hbm>>
            tpu.enqueue_dma source(%dma_start3A_143 : memref<128xi32, #tpu.memory_space<hbm>>) target(%arg8 : memref<128xi32, #tpu.memory_space<vmem>>) target_semaphore(%run_scoped3A : memref<!tpu.dma_semaphore, #tpu.memory_space<semaphore_mem>>)
            %dma_wait3A_144 = tpu.memref_slice %arg3[%mul3A_133] : memref<320000xi32, #tpu.memory_space<hbm>> -> memref<128xi32, #tpu.memory_space<hbm>>
            %dma_wait3A_145 = tpu.memref_slice %arg3[%mul3A_133] : memref<320000xi32, #tpu.memory_space<hbm>> -> memref<128xi32, #tpu.memory_space<hbm>>
            tpu.wait_dma2 semaphore(%run_scoped3A : memref<!tpu.dma_semaphore, #tpu.memory_space<semaphore_mem>>) src(%dma_wait3A_145 : memref<128xi32, #tpu.memory_space<hbm>>) dst(%arg8 : memref<128xi32, #tpu.memory_space<vmem>>)
            tpu.yield
          }) : () -> ()
          %add3A_134 = arith.addi %add3A, %add3A_112 : i32
          %add3A_135 = arith.constant 1 : i32
          %add3A_136 = arith.addi %add3A_134, %add3A_135 : i32
          %mul3A_137 = arith.constant 128 : i32
          %mul3A_138 = arith.muli %add3A_136, %mul3A_137 : i32
          %dma_start3A = arith.constant 0 : i32
          %dma_start3A_139 = tpu.memref_slice %arg2[%mul3A_138, %dma_start3A] : memref<320000x128xf32, #tpu.memory_space<hbm>> -> memref<128x128xf32, #tpu.memory_space<hbm>>
          %dma_start3A_140 = arith.constant 0 : i32
          %dma_start3A_141 = tpu.memref_slice %arg2[%mul3A_138, %dma_start3A_140] : memref<320000x128xf32, #tpu.memory_space<hbm>> -> memref<128x128xf32, #tpu.memory_space<hbm>>
          tpu.enqueue_dma source(%dma_start3A_141 : memref<128x128xf32, #tpu.memory_space<hbm>>) target(%arg10 : memref<128x128xf32, #tpu.memory_space<vmem>>) target_semaphore(%arg12 : memref<!tpu.dma_semaphore, #tpu.memory_space<semaphore_mem>>)
        } else {
        }
        %add3A_123 = arith.addi %add3A, %add3A_112 : i32
        %mul3A_124 = arith.constant 128 : i32
        %mul3A_125 = arith.muli %add3A_123, %mul3A_124 : i32
        %dma_wait3A = arith.constant 0 : i32
        %dma_wait3A_126 = tpu.memref_slice %arg2[%mul3A_125, %dma_wait3A] : memref<320000x128xf32, #tpu.memory_space<hbm>> -> memref<128x128xf32, #tpu.memory_space<hbm>>
        %dma_wait3A_127 = arith.constant 0 : i32
        %dma_wait3A_128 = tpu.memref_slice %arg2[%mul3A_125, %dma_wait3A_127] : memref<320000x128xf32, #tpu.memory_space<hbm>> -> memref<128x128xf32, #tpu.memory_space<hbm>>
        tpu.wait_dma2 semaphore(%arg13 : memref<!tpu.dma_semaphore, #tpu.memory_space<semaphore_mem>>) src(%dma_wait3A_128 : memref<128x128xf32, #tpu.memory_space<hbm>>) dst(%arg11 : memref<128x128xf32, #tpu.memory_space<vmem>>)
        "tpu.region"() ({
          %run_scoped3A = tpu.sem_alloc : memref<!tpu.dma_semaphore, #tpu.memory_space<semaphore_mem>>
          %dma_start3A = arith.constant 0 : i32
          %dma_start3A_129 = arith.constant 0 : i32
          %dma_start3A_130 = tpu.memref_slice %arg7[%dma_start3A, %dma_start3A_129] : memref<10000x128xf32, #tpu.memory_space<vmem_shared>> -> memref<10000x128xf32, #tpu.memory_space<vmem_shared>>
          tpu.enqueue_indirect_dma source(%arg11 : memref<128x128xf32, #tpu.memory_space<vmem>>) target(%dma_start3A_130 : memref<10000x128xf32, #tpu.memory_space<vmem_shared>>) offsets(%arg9 : memref<128xi32, #tpu.memory_space<vmem>>) semaphore(%run_scoped3A : memref<!tpu.dma_semaphore, #tpu.memory_space<semaphore_mem>>) {add = true}
          %dma_wait3A_131 = arith.constant 0 : i32
          %dma_wait3A_132 = arith.constant 0 : i32
          %dma_wait3A_133 = tpu.memref_slice %arg7[%dma_wait3A_131, %dma_wait3A_132] : memref<10000x128xf32, #tpu.memory_space<vmem_shared>> -> memref<10000x128xf32, #tpu.memory_space<vmem_shared>>
          tpu.wait_indirect_dma semaphore(%run_scoped3A : memref<!tpu.dma_semaphore, #tpu.memory_space<semaphore_mem>>) src(%arg11 : memref<128x128xf32, #tpu.memory_space<vmem>>) dst(%dma_wait3A_133 : memref<10000x128xf32, #tpu.memory_space<vmem_shared>>)
          tpu.yield
        }) : () -> ()
      } else {
      }
    }
    %barrier3A_94 = arith.constant 0 : index
    tpu.barrier barrier_id(%barrier3A_94)
    %lt3A_95 = arith.constant 10 : i32
    %lt3A_96 = arith.cmpi slt, %arg1, %lt3A_95 : i32
    %convert_element_type3A_97 = arith.extui %lt3A_96 : i1 to i32
    %cond3A_98 = arith.constant 0 : i32
    %cond3A_99 = arith.cmpi ne, %convert_element_type3A_97, %cond3A_98 : i32
    scf.if %cond3A_99 {
      %eq3A = arith.constant 0 : i32
      %eq3A_100 = arith.cmpi eq, %arg0, %eq3A : i32
      %convert_element_type3A_101 = arith.extui %eq3A_100 : i1 to i32
      %cond3A_102 = arith.constant 0 : i32
      %cond3A_103 = arith.cmpi ne, %convert_element_type3A_101, %cond3A_102 : i32
      scf.if %cond3A_103 {
        %mul3A_109 = arith.constant 1000 : i32
        %mul3A_110 = arith.muli %arg1, %mul3A_109 : i32
        %mul3A_111 = arith.constant 1000 : i32
        %mul3A_112 = arith.muli %arg1, %mul3A_111 : i32
        "tpu.region"() ({
          %run_scoped3A = tpu.sem_alloc : memref<!tpu.dma_semaphore, #tpu.memory_space<semaphore_mem>>
          %dma_start3A = arith.constant 0 : i32
          %dma_start3A_113 = tpu.memref_slice %arg5[%mul3A_112, %dma_start3A] : memref<10000x128xf32, #tpu.memory_space<hbm>> -> memref<1000x128xf32, #tpu.memory_space<hbm>>
          %dma_start3A_114 = arith.constant 0 : i32
          %dma_start3A_115 = tpu.memref_slice %arg7[%mul3A_110, %dma_start3A_114] : memref<10000x128xf32, #tpu.memory_space<vmem_shared>> -> memref<1000x128xf32, #tpu.memory_space<vmem_shared>>
          tpu.enqueue_dma source(%dma_start3A_115 : memref<1000x128xf32, #tpu.memory_space<vmem_shared>>) target(%dma_start3A_113 : memref<1000x128xf32, #tpu.memory_space<hbm>>) target_semaphore(%run_scoped3A : memref<!tpu.dma_semaphore, #tpu.memory_space<semaphore_mem>>)
          %dma_wait3A = arith.constant 0 : i32
          %dma_wait3A_116 = tpu.memref_slice %arg5[%mul3A_112, %dma_wait3A] : memref<10000x128xf32, #tpu.memory_space<hbm>> -> memref<1000x128xf32, #tpu.memory_space<hbm>>
          %dma_wait3A_117 = arith.constant 0 : i32
          %dma_wait3A_118 = tpu.memref_slice %arg7[%mul3A_110, %dma_wait3A_117] : memref<10000x128xf32, #tpu.memory_space<vmem_shared>> -> memref<1000x128xf32, #tpu.memory_space<vmem_shared>>
          tpu.wait_dma2 semaphore(%run_scoped3A : memref<!tpu.dma_semaphore, #tpu.memory_space<semaphore_mem>>) src(%dma_wait3A_118 : memref<1000x128xf32, #tpu.memory_space<vmem_shared>>) dst(%dma_wait3A_116 : memref<1000x128xf32, #tpu.memory_space<hbm>>)
          tpu.yield
        }) : () -> ()
      } else {
      }
      %ne3A_104 = arith.constant 0 : i32
      %ne3A_105 = arith.cmpi ne, %arg0, %ne3A_104 : i32
      %convert_element_type3A_106 = arith.extui %ne3A_105 : i1 to i32
      %cond3A_107 = arith.constant 0 : i32
      %cond3A_108 = arith.cmpi ne, %convert_element_type3A_106, %cond3A_107 : i32
      scf.if %cond3A_108 {
        %mul3A_109 = arith.constant 1000 : i32
        %mul3A_110 = arith.muli %arg1, %mul3A_109 : i32
        %mul3A_111 = arith.constant 1000 : i32
        %mul3A_112 = arith.muli %arg1, %mul3A_111 : i32
        "tpu.region"() ({
          %run_scoped3A = tpu.sem_alloc : memref<!tpu.dma_semaphore, #tpu.memory_space<semaphore_mem>>
          %dma_start3A = arith.constant 0 : i32
          %dma_start3A_113 = tpu.memref_slice %arg6[%mul3A_112, %dma_start3A] : memref<10000x128xf32, #tpu.memory_space<hbm>> -> memref<1000x128xf32, #tpu.memory_space<hbm>>
          %dma_start3A_114 = arith.constant 0 : i32
          %dma_start3A_115 = tpu.memref_slice %arg7[%mul3A_110, %dma_start3A_114] : memref<10000x128xf32, #tpu.memory_space<vmem_shared>> -> memref<1000x128xf32, #tpu.memory_space<vmem_shared>>
          tpu.enqueue_dma source(%dma_start3A_115 : memref<1000x128xf32, #tpu.memory_space<vmem_shared>>) target(%dma_start3A_113 : memref<1000x128xf32, #tpu.memory_space<hbm>>) target_semaphore(%run_scoped3A : memref<!tpu.dma_semaphore, #tpu.memory_space<semaphore_mem>>)
          %dma_wait3A = arith.constant 0 : i32
          %dma_wait3A_116 = tpu.memref_slice %arg6[%mul3A_112, %dma_wait3A] : memref<10000x128xf32, #tpu.memory_space<hbm>> -> memref<1000x128xf32, #tpu.memory_space<hbm>>
          %dma_wait3A_117 = arith.constant 0 : i32
          %dma_wait3A_118 = tpu.memref_slice %arg7[%mul3A_110, %dma_wait3A_117] : memref<10000x128xf32, #tpu.memory_space<vmem_shared>> -> memref<1000x128xf32, #tpu.memory_space<vmem_shared>>
          tpu.wait_dma2 semaphore(%run_scoped3A : memref<!tpu.dma_semaphore, #tpu.memory_space<semaphore_mem>>) src(%dma_wait3A_118 : memref<1000x128xf32, #tpu.memory_space<vmem_shared>>) dst(%dma_wait3A_116 : memref<1000x128xf32, #tpu.memory_space<hbm>>)
          tpu.yield
        }) : () -> ()
      } else {
      }
    } else {
    }
    return
  }
}

#map = affine_map<(d0, d1) -> (0)>
module attributes {stable_mosaic.version = 14 : i64} {
  func.func @body(%arg0: i32, %arg1: i32, %arg2: memref<320000xi32, #tpu.memory_space<hbm>>, %arg3: memref<320000xi32, #tpu.memory_space<hbm>>, %arg4: memref<320000xf32, #tpu.memory_space<hbm>>, %arg5: memref<320000xf32, #tpu.memory_space<hbm>>, %arg6: memref<10000xi32, #tpu.memory_space<vmem>>, %arg7: memref<10000xi32, #tpu.memory_space<vmem>>, %arg8: memref<10000xf32, #tpu.memory_space<vmem>>, %arg9: memref<10000xf32, #tpu.memory_space<vmem>>) attributes {dimension_semantics = [#tpu.dimension_semantics<core_parallel>, #tpu.dimension_semantics<subcore_parallel>], iteration_bounds = array<i64: 2, 16>, scalar_prefetch = 0 : i64, scratch_operands = 4 : i64, tpu.core_type = #tpu.core_type<sc_vector_subcore>, window_params = [{transform_indices = #map}, {transform_indices = #map}, {transform_indices = #map}, {transform_indices = #map}]} {
    %mul3A = arith.constant 2 : i32
    %mul3A_0 = arith.muli %arg1, %mul3A : i32
    %add3A = arith.addi %mul3A_0, %arg0 : i32
    %mul3A_1 = arith.constant 10000 : i32
    %mul3A_2 = arith.muli %add3A, %mul3A_1 : i32
    "tpu.region"() ({
      %run_scoped3A = tpu.sem_alloc : memref<!tpu.dma_semaphore, #tpu.memory_space<semaphore_mem>>
      %dma_start3A = tpu.memref_slice %arg2[%mul3A_2] : memref<320000xi32, #tpu.memory_space<hbm>> -> memref<10000xi32, #tpu.memory_space<hbm>>
      %dma_start3A_21 = tpu.memref_slice %arg2[%mul3A_2] : memref<320000xi32, #tpu.memory_space<hbm>> -> memref<10000xi32, #tpu.memory_space<hbm>>
      tpu.enqueue_dma source(%dma_start3A_21 : memref<10000xi32, #tpu.memory_space<hbm>>) target(%arg6 : memref<10000xi32, #tpu.memory_space<vmem>>) target_semaphore(%run_scoped3A : memref<!tpu.dma_semaphore, #tpu.memory_space<semaphore_mem>>)
      %dma_wait3A = tpu.memref_slice %arg2[%mul3A_2] : memref<320000xi32, #tpu.memory_space<hbm>> -> memref<10000xi32, #tpu.memory_space<hbm>>
      %dma_wait3A_22 = tpu.memref_slice %arg2[%mul3A_2] : memref<320000xi32, #tpu.memory_space<hbm>> -> memref<10000xi32, #tpu.memory_space<hbm>>
      tpu.wait_dma2 semaphore(%run_scoped3A : memref<!tpu.dma_semaphore, #tpu.memory_space<semaphore_mem>>) src(%dma_wait3A_22 : memref<10000xi32, #tpu.memory_space<hbm>>) dst(%arg6 : memref<10000xi32, #tpu.memory_space<vmem>>)
      tpu.yield
    }) : () -> ()
    "tpu.region"() ({
      %run_scoped3A = tpu.sem_alloc : memref<!tpu.dma_semaphore, #tpu.memory_space<semaphore_mem>>
      %dma_start3A = tpu.memref_slice %arg3[%mul3A_2] : memref<320000xi32, #tpu.memory_space<hbm>> -> memref<10000xi32, #tpu.memory_space<hbm>>
      %dma_start3A_21 = tpu.memref_slice %arg3[%mul3A_2] : memref<320000xi32, #tpu.memory_space<hbm>> -> memref<10000xi32, #tpu.memory_space<hbm>>
      tpu.enqueue_dma source(%dma_start3A_21 : memref<10000xi32, #tpu.memory_space<hbm>>) target(%arg7 : memref<10000xi32, #tpu.memory_space<vmem>>) target_semaphore(%run_scoped3A : memref<!tpu.dma_semaphore, #tpu.memory_space<semaphore_mem>>)
      %dma_wait3A = tpu.memref_slice %arg3[%mul3A_2] : memref<320000xi32, #tpu.memory_space<hbm>> -> memref<10000xi32, #tpu.memory_space<hbm>>
      %dma_wait3A_22 = tpu.memref_slice %arg3[%mul3A_2] : memref<320000xi32, #tpu.memory_space<hbm>> -> memref<10000xi32, #tpu.memory_space<hbm>>
      tpu.wait_dma2 semaphore(%run_scoped3A : memref<!tpu.dma_semaphore, #tpu.memory_space<semaphore_mem>>) src(%dma_wait3A_22 : memref<10000xi32, #tpu.memory_space<hbm>>) dst(%arg7 : memref<10000xi32, #tpu.memory_space<vmem>>)
      tpu.yield
    }) : () -> ()
    %broadcast_in_dim3A = arith.constant 0.000000e+00 : f32
    %broadcast_in_dim3A_3 = vector.broadcast %broadcast_in_dim3A : f32 to vector<16xf32>
    %scan3A = arith.constant 0 : i32
    %scan3A_4 = arith.constant 0 : i32
    %scan3A_5 = arith.constant 625 : i32
    %scan3A_6 = arith.addi %scan3A_4, %scan3A_5 : i32
    %scan3A_7 = arith.constant 1 : i32
    scf.for %scan3A_21 = %scan3A_4 to %scan3A_6 step %scan3A_7  : i32 {
      %mul3A_22 = arith.constant 16 : i32
      %mul3A_23 = arith.muli %scan3A_21, %mul3A_22 : i32
      %swap3A = arith.index_cast %mul3A_23 : i32 to index
      %swap3A_24 = tpu.vector_load %arg8[%swap3A] {strides = array<i32>} : memref<10000xf32, #tpu.memory_space<vmem>>, vector<16xf32>,
      tpu.vector_store %arg8[%swap3A], %broadcast_in_dim3A_3 {strides = array<i32>} : memref<10000xf32, #tpu.memory_space<vmem>>, vector<16xf32>,
      %mul3A_25 = arith.constant 16 : i32
      %mul3A_26 = arith.muli %scan3A_21, %mul3A_25 : i32
      %swap3A_27 = arith.index_cast %mul3A_26 : i32 to index
      %swap3A_28 = tpu.vector_load %arg9[%swap3A_27] {strides = array<i32>} : memref<10000xf32, #tpu.memory_space<vmem>>, vector<16xf32>,
      tpu.vector_store %arg9[%swap3A_27], %broadcast_in_dim3A_3 {strides = array<i32>} : memref<10000xf32, #tpu.memory_space<vmem>>, vector<16xf32>,
    }
    %scan3A_8 = arith.constant 625 : i32
    %broadcast_in_dim3A_9 = arith.constant 1.000000e+00 : f32
    %broadcast_in_dim3A_10 = vector.broadcast %broadcast_in_dim3A_9 : f32 to vector<16xf32>
    %scan3A_11 = arith.constant 0 : i32
    %scan3A_12 = arith.constant 0 : i32
    %scan3A_13 = arith.constant 625 : i32
    %scan3A_14 = arith.addi %scan3A_12, %scan3A_13 : i32
    %scan3A_15 = arith.constant 1 : i32
    scf.for %scan3A_21 = %scan3A_12 to %scan3A_14 step %scan3A_15  : i32 {
      %mul3A_22 = arith.constant 16 : i32
      %mul3A_23 = arith.muli %scan3A_21, %mul3A_22 : i32
      %get3A = arith.index_cast %mul3A_23 : i32 to index
      %get3A_24 = tpu.vector_load %arg6[%get3A] {strides = array<i32>} : memref<10000xi32, #tpu.memory_space<vmem>>, vector<16xi32>,
      tpu.vector_store_idx %arg8[%get3A_24], %broadcast_in_dim3A_10 {add = true} : memref<10000xf32, #tpu.memory_space<vmem>>[vector<16xi32>], vector<16xf32>,
      %mul3A_25 = arith.constant 16 : i32
      %mul3A_26 = arith.muli %scan3A_21, %mul3A_25 : i32
      %get3A_27 = arith.index_cast %mul3A_26 : i32 to index
      %get3A_28 = tpu.vector_load %arg7[%get3A_27] {strides = array<i32>} : memref<10000xi32, #tpu.memory_space<vmem>>, vector<16xi32>,
      tpu.vector_store_idx %arg9[%get3A_28], %broadcast_in_dim3A_10 {add = true} : memref<10000xf32, #tpu.memory_space<vmem>>[vector<16xi32>], vector<16xf32>,
    }
    %scan3A_16 = arith.constant 625 : i32
    %mul3A_17 = arith.constant 10000 : i32
    %mul3A_18 = arith.muli %add3A, %mul3A_17 : i32
    "tpu.region"() ({
      %run_scoped3A = tpu.sem_alloc : memref<!tpu.dma_semaphore, #tpu.memory_space<semaphore_mem>>
      %dma_start3A = tpu.memref_slice %arg4[%mul3A_18] : memref<320000xf32, #tpu.memory_space<hbm>> -> memref<10000xf32, #tpu.memory_space<hbm>>
      %dma_start3A_21 = tpu.memref_slice %arg4[%mul3A_18] : memref<320000xf32, #tpu.memory_space<hbm>> -> memref<10000xf32, #tpu.memory_space<hbm>>
      tpu.enqueue_dma source(%arg8 : memref<10000xf32, #tpu.memory_space<vmem>>) target(%dma_start3A_21 : memref<10000xf32, #tpu.memory_space<hbm>>) target_semaphore(%run_scoped3A : memref<!tpu.dma_semaphore, #tpu.memory_space<semaphore_mem>>)
      %dma_wait3A = tpu.memref_slice %arg4[%mul3A_18] : memref<320000xf32, #tpu.memory_space<hbm>> -> memref<10000xf32, #tpu.memory_space<hbm>>
      %dma_wait3A_22 = tpu.memref_slice %arg4[%mul3A_18] : memref<320000xf32, #tpu.memory_space<hbm>> -> memref<10000xf32, #tpu.memory_space<hbm>>
      tpu.wait_dma2 semaphore(%run_scoped3A : memref<!tpu.dma_semaphore, #tpu.memory_space<semaphore_mem>>) src(%arg8 : memref<10000xf32, #tpu.memory_space<vmem>>) dst(%dma_wait3A_22 : memref<10000xf32, #tpu.memory_space<hbm>>)
      tpu.yield
    }) : () -> ()
    %mul3A_19 = arith.constant 10000 : i32
    %mul3A_20 = arith.muli %add3A, %mul3A_19 : i32
    "tpu.region"() ({
      %run_scoped3A = tpu.sem_alloc : memref<!tpu.dma_semaphore, #tpu.memory_space<semaphore_mem>>
      %dma_start3A = tpu.memref_slice %arg5[%mul3A_20] : memref<320000xf32, #tpu.memory_space<hbm>> -> memref<10000xf32, #tpu.memory_space<hbm>>
      %dma_start3A_21 = tpu.memref_slice %arg5[%mul3A_20] : memref<320000xf32, #tpu.memory_space<hbm>> -> memref<10000xf32, #tpu.memory_space<hbm>>
      tpu.enqueue_dma source(%arg9 : memref<10000xf32, #tpu.memory_space<vmem>>) target(%dma_start3A_21 : memref<10000xf32, #tpu.memory_space<hbm>>) target_semaphore(%run_scoped3A : memref<!tpu.dma_semaphore, #tpu.memory_space<semaphore_mem>>)
      %dma_wait3A = tpu.memref_slice %arg5[%mul3A_20] : memref<320000xf32, #tpu.memory_space<hbm>> -> memref<10000xf32, #tpu.memory_space<hbm>>
      %dma_wait3A_22 = tpu.memref_slice %arg5[%mul3A_20] : memref<320000xf32, #tpu.memory_space<hbm>> -> memref<10000xf32, #tpu.memory_space<hbm>>
      tpu.wait_dma2 semaphore(%run_scoped3A : memref<!tpu.dma_semaphore, #tpu.memory_space<semaphore_mem>>) src(%arg9 : memref<10000xf32, #tpu.memory_space<vmem>>) dst(%dma_wait3A_22 : memref<10000xf32, #tpu.memory_space<hbm>>)
      tpu.yield
    }) : () -> ()
    return
  }
}

module attributes {stable_mosaic.version = 14 : i64} {
  func.func @_colstats_body(%arg0: i32, %arg1: memref<4000x128xf32, #tpu.memory_space<vmem>>, %arg2: memref<1x128xf32, #tpu.memory_space<vmem>>, %arg3: memref<1x128xf32, #tpu.memory_space<vmem>>) attributes {dimension_semantics = [#tpu.dimension_semantics<arbitrary>], iteration_bounds = array<i64: 10>, scalar_prefetch = 0 : i64, scratch_operands = 0 : i64, tpu.core_type = #tpu.core_type<tc>, window_params = [{transform_indices = @transform_0, window_bounds = array<i64: 4000, 128>}, {pipeline_mode = #tpu.pipeline_mode<synchronous>, transform_indices = @transform_1, window_bounds = array<i64: 1, 128>}, {pipeline_mode = #tpu.pipeline_mode<synchronous>, transform_indices = @transform_2, window_bounds = array<i64: 1, 128>}]} {
    %eq3A = arith.constant 0 : i32
    %eq3A_0 = arith.cmpi eq, %arg0, %eq3A : i32
    %convert_element_type3A = arith.extui %eq3A_0 : i1 to i32
    %cond3A = arith.constant 0 : i32
    %cond3A_1 = arith.cmpi ne, %convert_element_type3A, %cond3A : i32
    scf.if %cond3A_1 {
      %broadcast_in_dim3A_20 = arith.constant 0.000000e+00 : f32
      %broadcast_in_dim3A_21 = vector.broadcast %broadcast_in_dim3A_20 : f32 to vector<1x128xf32>
      %swap3A_22 = arith.constant 0 : index
      %swap3A_23 = arith.constant 0 : index
      %swap3A_24 = vector.load %arg2[%swap3A_22, %swap3A_23] : memref<1x128xf32, #tpu.memory_space<vmem>>, vector<1x128xf32>
      tpu.vector_store %arg2[%swap3A_22, %swap3A_23], %broadcast_in_dim3A_21 {strides = array<i32>} : memref<1x128xf32, #tpu.memory_space<vmem>>, vector<1x128xf32>,
      %broadcast_in_dim3A_25 = arith.constant 0.000000e+00 : f32
      %broadcast_in_dim3A_26 = vector.broadcast %broadcast_in_dim3A_25 : f32 to vector<1x128xf32>
      %swap3A_27 = arith.constant 0 : index
      %swap3A_28 = arith.constant 0 : index
      %swap3A_29 = vector.load %arg3[%swap3A_27, %swap3A_28] : memref<1x128xf32, #tpu.memory_space<vmem>>, vector<1x128xf32>
      tpu.vector_store %arg3[%swap3A_27, %swap3A_28], %broadcast_in_dim3A_26 {strides = array<i32>} : memref<1x128xf32, #tpu.memory_space<vmem>>, vector<1x128xf32>,
    } else {
    }
    %get3A = arith.constant 0 : index
    %get3A_2 = arith.constant 0 : index
    %get3A_3 = vector.load %arg1[%get3A, %get3A_2] : memref<4000x128xf32, #tpu.memory_space<vmem>>, vector<4000x128xf32>
    %get3A_4 = arith.constant 0 : index
    %get3A_5 = arith.constant 0 : index
    %get3A_6 = vector.load %arg2[%get3A_4, %get3A_5] : memref<1x128xf32, #tpu.memory_space<vmem>>, vector<1x128xf32>
    %reduce_sum3A = arith.constant dense<0.000000e+00> : vector<128xf32>
    %reduce_sum3A_7 = vector.multi_reduction <add>, %get3A_3, %reduce_sum3A [0] : vector<4000x128xf32> to vector<128xf32>
    %broadcast_in_dim3A = vector.shape_cast %reduce_sum3A_7 : vector<128xf32> to vector<1x128xf32>
    %add3A = arith.addf %get3A_6, %broadcast_in_dim3A : vector<1x128xf32>
    %swap3A = arith.constant 0 : index
    %swap3A_8 = arith.constant 0 : index
    %swap3A_9 = vector.load %arg2[%swap3A, %swap3A_8] : memref<1x128xf32, #tpu.memory_space<vmem>>, vector<1x128xf32>
    tpu.vector_store %arg2[%swap3A, %swap3A_8], %add3A {strides = array<i32>} : memref<1x128xf32, #tpu.memory_space<vmem>>, vector<1x128xf32>,
    %get3A_10 = arith.constant 0 : index
    %get3A_11 = arith.constant 0 : index
    %get3A_12 = vector.load %arg3[%get3A_10, %get3A_11] : memref<1x128xf32, #tpu.memory_space<vmem>>, vector<1x128xf32>
    %mul3A = arith.mulf %get3A_3, %get3A_3 : vector<4000x128xf32>
    %reduce_sum3A_13 = arith.constant dense<0.000000e+00> : vector<128xf32>
    %reduce_sum3A_14 = vector.multi_reduction <add>, %mul3A, %reduce_sum3A_13 [0] : vector<4000x128xf32> to vector<128xf32>
    %broadcast_in_dim3A_15 = vector.shape_cast %reduce_sum3A_14 : vector<128xf32> to vector<1x128xf32>
    %add3A_16 = arith.addf %get3A_12, %broadcast_in_dim3A_15 : vector<1x128xf32>
    %swap3A_17 = arith.constant 0 : index
    %swap3A_18 = arith.constant 0 : index
    %swap3A_19 = vector.load %arg3[%swap3A_17, %swap3A_18] : memref<1x128xf32, #tpu.memory_space<vmem>>, vector<1x128xf32>
    tpu.vector_store %arg3[%swap3A_17, %swap3A_18], %add3A_16 {strides = array<i32>} : memref<1x128xf32, #tpu.memory_space<vmem>>, vector<1x128xf32>,
    return
  }
  func.func @transform_0(%arg0: i32) -> (i32, i32) {
    %c0_i32 = arith.constant 0 : i32
    %c0_i32_0 = arith.constant 0 : i32
    return %arg0, %c0_i32 : i32, i32
  }
  func.func @transform_1(%arg0: i32) -> (i32, i32) {
    %c0_i32 = arith.constant 0 : i32
    %c0_i32_0 = arith.constant 0 : i32
    %c0_i32_1 = arith.constant 0 : i32
    return %c0_i32, %c0_i32_0 : i32, i32
  }
  func.func @transform_2(%arg0: i32) -> (i32, i32) {
    %c0_i32 = arith.constant 0 : i32
    %c0_i32_0 = arith.constant 0 : i32
    %c0_i32_1 = arith.constant 0 : i32
    return %c0_i32, %c0_i32_0 : i32, i32
  }
}

module attributes {stable_mosaic.version = 14 : i64} {
  func.func @_fold_body(%arg0: memref<10000x128xf32, #tpu.memory_space<vmem>>, %arg1: memref<32x10000xf32, #tpu.memory_space<vmem>>, %arg2: memref<32x10000xf32, #tpu.memory_space<vmem>>, %arg3: memref<1x16xf32, #tpu.memory_space<vmem>>, %arg4: memref<1x16xf32, #tpu.memory_space<vmem>>, %arg5: memref<1x16xf32, #tpu.memory_space<vmem>>, %arg6: memref<1x16xf32, #tpu.memory_space<vmem>>, %arg7: memref<1x128xf32, #tpu.memory_space<vmem>>, %arg8: memref<1x128xf32, #tpu.memory_space<vmem>>, %arg9: memref<1x128xf32, #tpu.memory_space<vmem>>, %arg10: memref<1x128xf32, #tpu.memory_space<vmem>>, %arg11: memref<1x16xf32, #tpu.memory_space<vmem>>, %arg12: memref<16x128xf32, #tpu.memory_space<vmem>>, %arg13: memref<128x128xf32, #tpu.memory_space<vmem>>, %arg14: memref<128x128xf32, #tpu.memory_space<vmem>>, %arg15: memref<16x128xf32, #tpu.memory_space<vmem>>, %arg16: memref<1x128xf32, #tpu.memory_space<vmem>>, %arg17: memref<10000x128xf32, #tpu.memory_space<vmem>>, %arg18: memref<10000x128xf32, #tpu.memory_space<vmem>>, %arg19: memref<1x16xf32, #tpu.memory_space<vmem>>, %arg20: memref<1x128xf32, #tpu.memory_space<vmem>>) attributes {dimension_semantics = [], scalar_prefetch = 0 : i64, scratch_operands = 0 : i64, tpu.core_type = #tpu.core_type<tc>} {
    %get3A = arith.constant 0 : index
    %get3A_0 = arith.constant 0 : index
    %get3A_1 = vector.load %arg0[%get3A, %get3A_0] : memref<10000x128xf32, #tpu.memory_space<vmem>>, vector<10000x128xf32>
    %get3A_2 = arith.constant 0 : index
    %get3A_3 = arith.constant 0 : index
    %get3A_4 = vector.load %arg1[%get3A_2, %get3A_3] : memref<32x10000xf32, #tpu.memory_space<vmem>>, vector<32x10000xf32>
    %reduce_sum3A = arith.constant dense<0.000000e+00> : vector<10000xf32>
    %reduce_sum3A_5 = vector.multi_reduction <add>, %get3A_4, %reduce_sum3A [0] : vector<32x10000xf32> to vector<10000xf32>
    %broadcast_in_dim3A = vector.shape_cast %reduce_sum3A_5 : vector<10000xf32> to vector<1x10000xf32>
    %get3A_6 = arith.constant 0 : index
    %get3A_7 = arith.constant 0 : index
    %get3A_8 = vector.load %arg2[%get3A_6, %get3A_7] : memref<32x10000xf32, #tpu.memory_space<vmem>>, vector<32x10000xf32>
    %reduce_sum3A_9 = arith.constant dense<0.000000e+00> : vector<10000xf32>
    %reduce_sum3A_10 = vector.multi_reduction <add>, %get3A_8, %reduce_sum3A_9 [0] : vector<32x10000xf32> to vector<10000xf32>
    %broadcast_in_dim3A_11 = vector.shape_cast %reduce_sum3A_10 : vector<10000xf32> to vector<1x10000xf32>
    %dot_general3A = arith.constant dense<0.000000e+00> : vector<1x128xf32>
    %dot_general3A_12 = tpu.matmul %broadcast_in_dim3A, %get3A_1, %dot_general3A {dimension_numbers = #tpu.dot_dimension_numbers<[1], [0], [0], [1], [0, 0, 1, 1], [], []>, transpose_lhs_hint = false} : vector<1x10000xf32>, vector<10000x128xf32>, vector<1x128xf32> -> vector<1x128xf32>
    %div3A = arith.constant 3.200000e+05 : f32
    %div3A_13 = vector.broadcast %div3A : f32 to vector<1x128xf32>
    %div3A_14 = arith.divf %dot_general3A_12, %div3A_13 : vector<1x128xf32>
    %mul3A = arith.mulf %get3A_1, %get3A_1 : vector<10000x128xf32>
    %dot_general3A_15 = arith.constant dense<0.000000e+00> : vector<1x128xf32>
    %dot_general3A_16 = tpu.matmul %broadcast_in_dim3A, %mul3A, %dot_general3A_15 {dimension_numbers = #tpu.dot_dimension_numbers<[1], [0], [0], [1], [0, 0, 1, 1], [], []>, transpose_lhs_hint = false} : vector<1x10000xf32>, vector<10000x128xf32>, vector<1x128xf32> -> vector<1x128xf32>
    %div3A_17 = arith.constant 3.200000e+05 : f32
    %div3A_18 = vector.broadcast %div3A_17 : f32 to vector<1x128xf32>
    %div3A_19 = arith.divf %dot_general3A_16, %div3A_18 : vector<1x128xf32>
    %mul3A_20 = arith.mulf %div3A_14, %div3A_14 : vector<1x128xf32>
    %sub3A = arith.subf %div3A_19, %mul3A_20 : vector<1x128xf32>
    %dot_general3A_21 = arith.constant dense<0.000000e+00> : vector<1x128xf32>
    %dot_general3A_22 = tpu.matmul %broadcast_in_dim3A_11, %get3A_1, %dot_general3A_21 {dimension_numbers = #tpu.dot_dimension_numbers<[1], [0], [0], [1], [0, 0, 1, 1], [], []>, transpose_lhs_hint = false} : vector<1x10000xf32>, vector<10000x128xf32>, vector<1x128xf32> -> vector<1x128xf32>
    %div3A_23 = arith.constant 3.200000e+05 : f32
    %div3A_24 = vector.broadcast %div3A_23 : f32 to vector<1x128xf32>
    %div3A_25 = arith.divf %dot_general3A_22, %div3A_24 : vector<1x128xf32>
    %mul3A_26 = arith.mulf %get3A_1, %get3A_1 : vector<10000x128xf32>
    %dot_general3A_27 = arith.constant dense<0.000000e+00> : vector<1x128xf32>
    %dot_general3A_28 = tpu.matmul %broadcast_in_dim3A_11, %mul3A_26, %dot_general3A_27 {dimension_numbers = #tpu.dot_dimension_numbers<[1], [0], [0], [1], [0, 0, 1, 1], [], []>, transpose_lhs_hint = false} : vector<1x10000xf32>, vector<10000x128xf32>, vector<1x128xf32> -> vector<1x128xf32>
    %div3A_29 = arith.constant 3.200000e+05 : f32
    %div3A_30 = vector.broadcast %div3A_29 : f32 to vector<1x128xf32>
    %div3A_31 = arith.divf %dot_general3A_28, %div3A_30 : vector<1x128xf32>
    %mul3A_32 = arith.mulf %div3A_25, %div3A_25 : vector<1x128xf32>
    %sub3A_33 = arith.subf %div3A_31, %mul3A_32 : vector<1x128xf32>
    %get3A_34 = arith.constant 0 : index
    %get3A_35 = arith.constant 0 : index
    %get3A_36 = vector.load %arg7[%get3A_34, %get3A_35] : memref<1x128xf32, #tpu.memory_space<vmem>>, vector<1x128xf32>
    %add3A = arith.constant 9.99999974E-6 : f32
    %add3A_37 = vector.broadcast %add3A : f32 to vector<1x128xf32>
    %add3A_38 = arith.addf %sub3A, %add3A_37 : vector<1x128xf32>
    %rsqrt3A = math.rsqrt %add3A_38 : vector<1x128xf32>
    %mul3A_39 = arith.mulf %get3A_36, %rsqrt3A : vector<1x128xf32>
    %get3A_40 = arith.constant 0 : index
    %get3A_41 = arith.constant 0 : index
    %get3A_42 = vector.load %arg8[%get3A_40, %get3A_41] : memref<1x128xf32, #tpu.memory_space<vmem>>, vector<1x128xf32>
    %mul3A_43 = arith.mulf %div3A_14, %mul3A_39 : vector<1x128xf32>
    %sub3A_44 = arith.subf %get3A_42, %mul3A_43 : vector<1x128xf32>
    %get3A_45 = arith.constant 0 : index
    %get3A_46 = arith.constant 0 : index
    %get3A_47 = vector.load %arg9[%get3A_45, %get3A_46] : memref<1x128xf32, #tpu.memory_space<vmem>>, vector<1x128xf32>
    %add3A_48 = arith.constant 9.99999974E-6 : f32
    %add3A_49 = vector.broadcast %add3A_48 : f32 to vector<1x128xf32>
    %add3A_50 = arith.addf %sub3A_33, %add3A_49 : vector<1x128xf32>
    %rsqrt3A_51 = math.rsqrt %add3A_50 : vector<1x128xf32>
    %mul3A_52 = arith.mulf %get3A_47, %rsqrt3A_51 : vector<1x128xf32>
    %get3A_53 = arith.constant 0 : index
    %get3A_54 = arith.constant 0 : index
    %get3A_55 = vector.load %arg10[%get3A_53, %get3A_54] : memref<1x128xf32, #tpu.memory_space<vmem>>, vector<1x128xf32>
    %mul3A_56 = arith.mulf %div3A_25, %mul3A_52 : vector<1x128xf32>
    %sub3A_57 = arith.subf %get3A_55, %mul3A_56 : vector<1x128xf32>
    %get3A_58 = arith.constant 0 : index
    %get3A_59 = arith.constant 0 : index
    %get3A_60 = vector.load %arg3[%get3A_58, %get3A_59] : memref<1x16xf32, #tpu.memory_space<vmem>>, vector<1x16xf32>
    %div3A_61 = arith.constant 3.200000e+05 : f32
    %div3A_62 = vector.broadcast %div3A_61 : f32 to vector<1x16xf32>
    %div3A_63 = arith.divf %get3A_60, %div3A_62 : vector<1x16xf32>
    %get3A_64 = arith.constant 0 : index
    %get3A_65 = arith.constant 0 : index
    %get3A_66 = vector.load %arg4[%get3A_64, %get3A_65] : memref<1x16xf32, #tpu.memory_space<vmem>>, vector<1x16xf32>
    %div3A_67 = arith.constant 3.200000e+05 : f32
    %div3A_68 = vector.broadcast %div3A_67 : f32 to vector<1x16xf32>
    %div3A_69 = arith.divf %get3A_66, %div3A_68 : vector<1x16xf32>
    %mul3A_70 = arith.mulf %div3A_63, %div3A_63 : vector<1x16xf32>
    %sub3A_71 = arith.subf %div3A_69, %mul3A_70 : vector<1x16xf32>
    %get3A_72 = arith.constant 0 : index
    %get3A_73 = arith.constant 0 : index
    %get3A_74 = vector.load %arg5[%get3A_72, %get3A_73] : memref<1x16xf32, #tpu.memory_space<vmem>>, vector<1x16xf32>
    %add3A_75 = arith.constant 9.99999974E-6 : f32
    %add3A_76 = vector.broadcast %add3A_75 : f32 to vector<1x16xf32>
    %add3A_77 = arith.addf %sub3A_71, %add3A_76 : vector<1x16xf32>
    %rsqrt3A_78 = math.rsqrt %add3A_77 : vector<1x16xf32>
    %mul3A_79 = arith.mulf %get3A_74, %rsqrt3A_78 : vector<1x16xf32>
    %get3A_80 = arith.constant 0 : index
    %get3A_81 = arith.constant 0 : index
    %get3A_82 = vector.load %arg6[%get3A_80, %get3A_81] : memref<1x16xf32, #tpu.memory_space<vmem>>, vector<1x16xf32>
    %mul3A_83 = arith.mulf %div3A_63, %mul3A_79 : vector<1x16xf32>
    %sub3A_84 = arith.subf %get3A_82, %mul3A_83 : vector<1x16xf32>
    %mul3A_85 = vector.broadcast %mul3A_39 : vector<1x128xf32> to vector<10000x128xf32>
    %mul3A_86 = arith.mulf %get3A_1, %mul3A_85 : vector<10000x128xf32>
    %get3A_87 = arith.constant 0 : index
    %get3A_88 = arith.constant 0 : index
    %get3A_89 = vector.load %arg13[%get3A_87, %get3A_88] : memref<128x128xf32, #tpu.memory_space<vmem>>, vector<128x128xf32>
    %dot_general3A_90 = arith.constant dense<0.000000e+00> : vector<10000x128xf32>
    %dot_general3A_91 = tpu.matmul %mul3A_86, %get3A_89, %dot_general3A_90 {dimension_numbers = #tpu.dot_dimension_numbers<[1], [0], [0], [1], [0, 0, 1, 1], [], []>, transpose_lhs_hint = false} : vector<10000x128xf32>, vector<128x128xf32>, vector<10000x128xf32> -> vector<10000x128xf32>
    %swap3A = arith.constant 0 : index
    %swap3A_92 = arith.constant 0 : index
    %swap3A_93 = vector.load %arg17[%swap3A, %swap3A_92] : memref<10000x128xf32, #tpu.memory_space<vmem>>, vector<10000x128xf32>
    tpu.vector_store %arg17[%swap3A, %swap3A_92], %dot_general3A_91 {strides = array<i32>} : memref<10000x128xf32, #tpu.memory_space<vmem>>, vector<10000x128xf32>,
    %mul3A_94 = vector.broadcast %mul3A_52 : vector<1x128xf32> to vector<10000x128xf32>
    %mul3A_95 = arith.mulf %get3A_1, %mul3A_94 : vector<10000x128xf32>
    %get3A_96 = arith.constant 0 : index
    %get3A_97 = arith.constant 0 : index
    %get3A_98 = vector.load %arg14[%get3A_96, %get3A_97] : memref<128x128xf32, #tpu.memory_space<vmem>>, vector<128x128xf32>
    %dot_general3A_99 = arith.constant dense<0.000000e+00> : vector<10000x128xf32>
    %dot_general3A_100 = tpu.matmul %mul3A_95, %get3A_98, %dot_general3A_99 {dimension_numbers = #tpu.dot_dimension_numbers<[1], [0], [0], [1], [0, 0, 1, 1], [], []>, transpose_lhs_hint = false} : vector<10000x128xf32>, vector<128x128xf32>, vector<10000x128xf32> -> vector<10000x128xf32>
    %swap3A_101 = arith.constant 0 : index
    %swap3A_102 = arith.constant 0 : index
    %swap3A_103 = vector.load %arg18[%swap3A_101, %swap3A_102] : memref<10000x128xf32, #tpu.memory_space<vmem>>, vector<10000x128xf32>
    tpu.vector_store %arg18[%swap3A_101, %swap3A_102], %dot_general3A_100 {strides = array<i32>} : memref<10000x128xf32, #tpu.memory_space<vmem>>, vector<10000x128xf32>,
    %swap3A_104 = arith.constant 0 : index
    %swap3A_105 = arith.constant 0 : index
    %swap3A_106 = vector.load %arg19[%swap3A_104, %swap3A_105] : memref<1x16xf32, #tpu.memory_space<vmem>>, vector<1x16xf32>
    tpu.vector_store %arg19[%swap3A_104, %swap3A_105], %mul3A_79 {strides = array<i32>} : memref<1x16xf32, #tpu.memory_space<vmem>>, vector<1x16xf32>,
    %get3A_107 = arith.constant 0 : index
    %get3A_108 = arith.constant 0 : index
    %get3A_109 = vector.load %arg16[%get3A_107, %get3A_108] : memref<1x128xf32, #tpu.memory_space<vmem>>, vector<1x128xf32>
    %get3A_110 = arith.constant 0 : index
    %get3A_111 = arith.constant 0 : index
    %get3A_112 = vector.load %arg12[%get3A_110, %get3A_111] : memref<16x128xf32, #tpu.memory_space<vmem>>, vector<16x128xf32>
    %dot_general3A_113 = arith.constant dense<0.000000e+00> : vector<1x128xf32>
    %dot_general3A_114 = tpu.matmul %sub3A_84, %get3A_112, %dot_general3A_113 {dimension_numbers = #tpu.dot_dimension_numbers<[1], [0], [0], [1], [0, 0, 1, 1], [], []>, transpose_lhs_hint = false} : vector<1x16xf32>, vector<16x128xf32>, vector<1x128xf32> -> vector<1x128xf32>
    %add3A_115 = arith.addf %get3A_109, %dot_general3A_114 : vector<1x128xf32>
    %get3A_116 = arith.constant 0 : index
    %get3A_117 = arith.constant 0 : index
    %get3A_118 = vector.load %arg13[%get3A_116, %get3A_117] : memref<128x128xf32, #tpu.memory_space<vmem>>, vector<128x128xf32>
    %dot_general3A_119 = arith.constant dense<0.000000e+00> : vector<1x128xf32>
    %dot_general3A_120 = tpu.matmul %sub3A_44, %get3A_118, %dot_general3A_119 {dimension_numbers = #tpu.dot_dimension_numbers<[1], [0], [0], [1], [0, 0, 1, 1], [], []>, transpose_lhs_hint = false} : vector<1x128xf32>, vector<128x128xf32>, vector<1x128xf32> -> vector<1x128xf32>
    %add3A_121 = arith.addf %add3A_115, %dot_general3A_120 : vector<1x128xf32>
    %get3A_122 = arith.constant 0 : index
    %get3A_123 = arith.constant 0 : index
    %get3A_124 = vector.load %arg14[%get3A_122, %get3A_123] : memref<128x128xf32, #tpu.memory_space<vmem>>, vector<128x128xf32>
    %dot_general3A_125 = arith.constant dense<0.000000e+00> : vector<1x128xf32>
    %dot_general3A_126 = tpu.matmul %sub3A_57, %get3A_124, %dot_general3A_125 {dimension_numbers = #tpu.dot_dimension_numbers<[1], [0], [0], [1], [0, 0, 1, 1], [], []>, transpose_lhs_hint = false} : vector<1x128xf32>, vector<128x128xf32>, vector<1x128xf32> -> vector<1x128xf32>
    %add3A_127 = arith.addf %add3A_121, %dot_general3A_126 : vector<1x128xf32>
    %get3A_128 = arith.constant 0 : index
    %get3A_129 = arith.constant 0 : index
    %get3A_130 = vector.load %arg11[%get3A_128, %get3A_129] : memref<1x16xf32, #tpu.memory_space<vmem>>, vector<1x16xf32>
    %get3A_131 = arith.constant 0 : index
    %get3A_132 = arith.constant 0 : index
    %get3A_133 = vector.load %arg15[%get3A_131, %get3A_132] : memref<16x128xf32, #tpu.memory_space<vmem>>, vector<16x128xf32>
    %dot_general3A_134 = arith.constant dense<0.000000e+00> : vector<1x128xf32>
    %dot_general3A_135 = tpu.matmul %get3A_130, %get3A_133, %dot_general3A_134 {dimension_numbers = #tpu.dot_dimension_numbers<[1], [0], [0], [1], [0, 0, 1, 1], [], []>, transpose_lhs_hint = false} : vector<1x16xf32>, vector<16x128xf32>, vector<1x128xf32> -> vector<1x128xf32>
    %add3A_136 = arith.addf %add3A_127, %dot_general3A_135 : vector<1x128xf32>
    %swap3A_137 = arith.constant 0 : index
    %swap3A_138 = arith.constant 0 : index
    %swap3A_139 = vector.load %arg20[%swap3A_137, %swap3A_138] : memref<1x128xf32, #tpu.memory_space<vmem>>, vector<1x128xf32>
    tpu.vector_store %arg20[%swap3A_137, %swap3A_138], %add3A_136 {strides = array<i32>} : memref<1x128xf32, #tpu.memory_space<vmem>>, vector<1x128xf32>,
    return
  }
}

module attributes {stable_mosaic.version = 14 : i64} {
  func.func @_edge_mlp_body(%arg0: i32, %arg1: memref<3200x128xf32, #tpu.memory_space<vmem>>, %arg2: memref<3200x128xf32, #tpu.memory_space<vmem>>, %arg3: memref<400x128xf32, #tpu.memory_space<vmem>>, %arg4: memref<128x1024xf32, #tpu.memory_space<vmem>>, %arg5: memref<1x128xf32, #tpu.memory_space<vmem>>, %arg6: memref<128x128xf32, #tpu.memory_space<vmem>>, %arg7: memref<1x128xf32, #tpu.memory_space<vmem>>, %arg8: memref<1x128xf32, #tpu.memory_space<vmem>>, %arg9: memref<1x128xf32, #tpu.memory_space<vmem>>, %arg10: memref<3200x128xf32, #tpu.memory_space<vmem>>) attributes {dimension_semantics = [#tpu.dimension_semantics<arbitrary>], iteration_bounds = array<i64: 100>, scalar_prefetch = 0 : i64, scratch_operands = 0 : i64, tpu.core_type = #tpu.core_type<tc>, window_params = [{transform_indices = @transform_0, window_bounds = array<i64: 3200, 128>}, {transform_indices = @transform_1, window_bounds = array<i64: 3200, 128>}, {transform_indices = @transform_2, window_bounds = array<i64: 400, 128>}, {pipeline_mode = #tpu.pipeline_mode<synchronous>, transform_indices = @transform_3, window_bounds = array<i64: 128, 1024>}, {pipeline_mode = #tpu.pipeline_mode<synchronous>, transform_indices = @transform_4, window_bounds = array<i64: 1, 128>}, {pipeline_mode = #tpu.pipeline_mode<synchronous>, transform_indices = @transform_5, window_bounds = array<i64: 128, 128>}, {pipeline_mode = #tpu.pipeline_mode<synchronous>, transform_indices = @transform_6, window_bounds = array<i64: 1, 128>}, {pipeline_mode = #tpu.pipeline_mode<synchronous>, transform_indices = @transform_7, window_bounds = array<i64: 1, 128>}, {pipeline_mode = #tpu.pipeline_mode<synchronous>, transform_indices = @transform_8, window_bounds = array<i64: 1, 128>}, {transform_indices = @transform_9, window_bounds = array<i64: 3200, 128>}]} {
    %get3A = arith.constant 0 : index
    %get3A_0 = arith.constant 0 : index
    %get3A_1 = vector.load %arg3[%get3A, %get3A_0] : memref<400x128xf32, #tpu.memory_space<vmem>>, vector<400x128xf32>
    %get3A_2 = arith.constant 0 : index
    %get3A_3 = arith.constant 0 : index
    %get3A_4 = vector.load %arg4[%get3A_2, %get3A_3] : memref<128x1024xf32, #tpu.memory_space<vmem>>, vector<128x1024xf32>
    %dot_general3A = arith.constant dense<0.000000e+00> : vector<400x1024xf32>
    %dot_general3A_5 = tpu.matmul %get3A_1, %get3A_4, %dot_general3A {dimension_numbers = #tpu.dot_dimension_numbers<[1], [0], [0], [1], [0, 0, 1, 1], [], []>, transpose_lhs_hint = false} : vector<400x128xf32>, vector<128x1024xf32>, vector<400x1024xf32> -> vector<400x1024xf32>
    %reshape3A = vector.shape_cast %dot_general3A_5 : vector<400x1024xf32> to vector<3200x128xf32>
    %get3A_6 = arith.constant 0 : index
    %get3A_7 = arith.constant 0 : index
    %get3A_8 = vector.load %arg1[%get3A_6, %get3A_7] : memref<3200x128xf32, #tpu.memory_space<vmem>>, vector<3200x128xf32>
    %get3A_9 = arith.constant 0 : index
    %get3A_10 = arith.constant 0 : index
    %get3A_11 = vector.load %arg2[%get3A_9, %get3A_10] : memref<3200x128xf32, #tpu.memory_space<vmem>>, vector<3200x128xf32>
    %add3A = arith.addf %get3A_8, %get3A_11 : vector<3200x128xf32>
    %get3A_12 = arith.constant 0 : index
    %get3A_13 = arith.constant 0 : index
    %get3A_14 = vector.load %arg5[%get3A_12, %get3A_13] : memref<1x128xf32, #tpu.memory_space<vmem>>, vector<1x128xf32>
    %add3A_15 = vector.broadcast %get3A_14 : vector<1x128xf32> to vector<3200x128xf32>
    %add3A_16 = arith.addf %add3A, %add3A_15 : vector<3200x128xf32>
    %add3A_17 = arith.addf %add3A_16, %reshape3A : vector<3200x128xf32>
    %max3A = arith.constant 0.000000e+00 : f32
    %max3A_18 = vector.broadcast %max3A : f32 to vector<3200x128xf32>
    %max3A_19 = arith.maximumf %add3A_17, %max3A_18 : vector<3200x128xf32>
    %get3A_20 = arith.constant 0 : index
    %get3A_21 = arith.constant 0 : index
    %get3A_22 = vector.load %arg6[%get3A_20, %get3A_21] : memref<128x128xf32, #tpu.memory_space<vmem>>, vector<128x128xf32>
    %dot_general3A_23 = arith.constant dense<0.000000e+00> : vector<3200x128xf32>
    %dot_general3A_24 = tpu.matmul %max3A_19, %get3A_22, %dot_general3A_23 {dimension_numbers = #tpu.dot_dimension_numbers<[1], [0], [0], [1], [0, 0, 1, 1], [], []>, transpose_lhs_hint = false} : vector<3200x128xf32>, vector<128x128xf32>, vector<3200x128xf32> -> vector<3200x128xf32>
    %get3A_25 = arith.constant 0 : index
    %get3A_26 = arith.constant 0 : index
    %get3A_27 = vector.load %arg7[%get3A_25, %get3A_26] : memref<1x128xf32, #tpu.memory_space<vmem>>, vector<1x128xf32>
    %add3A_28 = vector.broadcast %get3A_27 : vector<1x128xf32> to vector<3200x128xf32>
    %add3A_29 = arith.addf %dot_general3A_24, %add3A_28 : vector<3200x128xf32>
    %max3A_30 = arith.constant 0.000000e+00 : f32
    %max3A_31 = vector.broadcast %max3A_30 : f32 to vector<3200x128xf32>
    %max3A_32 = arith.maximumf %add3A_29, %max3A_31 : vector<3200x128xf32>
    %get3A_33 = arith.constant 0 : index
    %get3A_34 = arith.constant 0 : index
    %get3A_35 = vector.load %arg8[%get3A_33, %get3A_34] : memref<1x128xf32, #tpu.memory_space<vmem>>, vector<1x128xf32>
    %get3A_36 = arith.constant 0 : index
    %get3A_37 = arith.constant 0 : index
    %get3A_38 = vector.load %arg9[%get3A_36, %get3A_37] : memref<1x128xf32, #tpu.memory_space<vmem>>, vector<1x128xf32>
    %reduce_sum3A = arith.constant dense<0.000000e+00> : vector<3200xf32>
    %reduce_sum3A_39 = vector.multi_reduction <add>, %max3A_32, %reduce_sum3A [1] : vector<3200x128xf32> to vector<3200xf32>
    %broadcast_in_dim3A = vector.shape_cast %reduce_sum3A_39 : vector<3200xf32> to vector<3200x1xf32>
    %div3A = arith.constant 1.280000e+02 : f32
    %div3A_40 = vector.broadcast %div3A : f32 to vector<3200x1xf32>
    %div3A_41 = arith.divf %broadcast_in_dim3A, %div3A_40 : vector<3200x1xf32>
    %sub3A = vector.broadcast %div3A_41 : vector<3200x1xf32> to vector<3200x128xf32>
    %sub3A_42 = arith.subf %max3A_32, %sub3A : vector<3200x128xf32>
    %integer_pow3A = arith.mulf %sub3A_42, %sub3A_42 : vector<3200x128xf32>
    %reduce_sum3A_43 = arith.constant dense<0.000000e+00> : vector<3200xf32>
    %reduce_sum3A_44 = vector.multi_reduction <add>, %integer_pow3A, %reduce_sum3A_43 [1] : vector<3200x128xf32> to vector<3200xf32>
    %broadcast_in_dim3A_45 = vector.shape_cast %reduce_sum3A_44 : vector<3200xf32> to vector<3200x1xf32>
    %div3A_46 = arith.constant 1.280000e+02 : f32
    %div3A_47 = vector.broadcast %div3A_46 : f32 to vector<3200x1xf32>
    %div3A_48 = arith.divf %broadcast_in_dim3A_45, %div3A_47 : vector<3200x1xf32>
    %sub3A_49 = vector.broadcast %div3A_41 : vector<3200x1xf32> to vector<3200x128xf32>
    %sub3A_50 = arith.subf %max3A_32, %sub3A_49 : vector<3200x128xf32>
    %add3A_51 = arith.constant 9.99999974E-6 : f32
    %add3A_52 = vector.broadcast %add3A_51 : f32 to vector<3200x1xf32>
    %add3A_53 = arith.addf %div3A_48, %add3A_52 : vector<3200x1xf32>
    %rsqrt3A = math.rsqrt %add3A_53 : vector<3200x1xf32>
    %mul3A = vector.broadcast %rsqrt3A : vector<3200x1xf32> to vector<3200x128xf32>
    %mul3A_54 = arith.mulf %sub3A_50, %mul3A : vector<3200x128xf32>
    %mul3A_55 = vector.broadcast %get3A_35 : vector<1x128xf32> to vector<3200x128xf32>
    %mul3A_56 = arith.mulf %mul3A_54, %mul3A_55 : vector<3200x128xf32>
    %add3A_57 = vector.broadcast %get3A_38 : vector<1x128xf32> to vector<3200x128xf32>
    %add3A_58 = arith.addf %mul3A_56, %add3A_57 : vector<3200x128xf32>
    %swap3A = arith.constant 0 : index
    %swap3A_59 = arith.constant 0 : index
    %swap3A_60 = vector.load %arg10[%swap3A, %swap3A_59] : memref<3200x128xf32, #tpu.memory_space<vmem>>, vector<3200x128xf32>
    tpu.vector_store %arg10[%swap3A, %swap3A_59], %add3A_58 {strides = array<i32>} : memref<3200x128xf32, #tpu.memory_space<vmem>>, vector<3200x128xf32>,
    return
  }
  func.func @transform_0(%arg0: i32) -> (i32, i32) {
    %c0_i32 = arith.constant 0 : i32
    %c0_i32_0 = arith.constant 0 : i32
    return %arg0, %c0_i32 : i32, i32
  }
  func.func @transform_1(%arg0: i32) -> (i32, i32) {
    %c0_i32 = arith.constant 0 : i32
    %c0_i32_0 = arith.constant 0 : i32
    return %arg0, %c0_i32 : i32, i32
  }
  func.func @transform_2(%arg0: i32) -> (i32, i32) {
    %c0_i32 = arith.constant 0 : i32
    %c0_i32_0 = arith.constant 0 : i32
    return %arg0, %c0_i32 : i32, i32
  }
  func.func @transform_3(%arg0: i32) -> (i32, i32) {
    %c0_i32 = arith.constant 0 : i32
    %c0_i32_0 = arith.constant 0 : i32
    %c0_i32_1 = arith.constant 0 : i32
    return %c0_i32, %c0_i32_0 : i32, i32
  }
  func.func @transform_4(%arg0: i32) -> (i32, i32) {
    %c0_i32 = arith.constant 0 : i32
    %c0_i32_0 = arith.constant 0 : i32
    %c0_i32_1 = arith.constant 0 : i32
    return %c0_i32, %c0_i32_0 : i32, i32
  }
  func.func @transform_5(%arg0: i32) -> (i32, i32) {
    %c0_i32 = arith.constant 0 : i32
    %c0_i32_0 = arith.constant 0 : i32
    %c0_i32_1 = arith.constant 0 : i32
    return %c0_i32, %c0_i32_0 : i32, i32
  }
  func.func @transform_6(%arg0: i32) -> (i32, i32) {
    %c0_i32 = arith.constant 0 : i32
    %c0_i32_0 = arith.constant 0 : i32
    %c0_i32_1 = arith.constant 0 : i32
    return %c0_i32, %c0_i32_0 : i32, i32
  }
  func.func @transform_7(%arg0: i32) -> (i32, i32) {
    %c0_i32 = arith.constant 0 : i32
    %c0_i32_0 = arith.constant 0 : i32
    %c0_i32_1 = arith.constant 0 : i32
    return %c0_i32, %c0_i32_0 : i32, i32
  }
  func.func @transform_8(%arg0: i32) -> (i32, i32) {
    %c0_i32 = arith.constant 0 : i32
    %c0_i32_0 = arith.constant 0 : i32
    %c0_i32_1 = arith.constant 0 : i32
    return %c0_i32, %c0_i32_0 : i32, i32
  }
  func.func @transform_9(%arg0: i32) -> (i32, i32) {
    %c0_i32 = arith.constant 0 : i32
    %c0_i32_0 = arith.constant 0 : i32
    return %arg0, %c0_i32 : i32, i32
  }
}

module attributes {stable_mosaic.version = 14 : i64} {
  func.func @_node_body(%arg0: memref<10000x128xf32, #tpu.memory_space<vmem>>, %arg1: memref<10000x128xf32, #tpu.memory_space<vmem>>, %arg2: memref<10000x128xf32, #tpu.memory_space<vmem>>, %arg3: memref<1x128xf32, #tpu.memory_space<vmem>>, %arg4: memref<1x128xf32, #tpu.memory_space<vmem>>, %arg5: memref<1x128xf32, #tpu.memory_space<vmem>>, %arg6: memref<1x128xf32, #tpu.memory_space<vmem>>, %arg7: memref<1x16xf32, #tpu.memory_space<vmem>>, %arg8: memref<128x128xf32, #tpu.memory_space<vmem>>, %arg9: memref<128x128xf32, #tpu.memory_space<vmem>>, %arg10: memref<16x128xf32, #tpu.memory_space<vmem>>, %arg11: memref<1x128xf32, #tpu.memory_space<vmem>>, %arg12: memref<128x128xf32, #tpu.memory_space<vmem>>, %arg13: memref<1x128xf32, #tpu.memory_space<vmem>>, %arg14: memref<1x128xf32, #tpu.memory_space<vmem>>, %arg15: memref<1x128xf32, #tpu.memory_space<vmem>>, %arg16: memref<1x272xf32, #tpu.memory_space<vmem>>, %arg17: memref<272x128xf32, #tpu.memory_space<vmem>>, %arg18: memref<1x128xf32, #tpu.memory_space<vmem>>, %arg19: memref<128x128xf32, #tpu.memory_space<vmem>>, %arg20: memref<1x128xf32, #tpu.memory_space<vmem>>, %arg21: memref<1x128xf32, #tpu.memory_space<vmem>>, %arg22: memref<1x128xf32, #tpu.memory_space<vmem>>, %arg23: memref<10000x128xf32, #tpu.memory_space<vmem>>, %arg24: memref<1x128xf32, #tpu.memory_space<vmem>>) attributes {dimension_semantics = [], scalar_prefetch = 0 : i64, scratch_operands = 0 : i64, tpu.core_type = #tpu.core_type<tc>} {
    %get3A = arith.constant 0 : index
    %get3A_0 = arith.constant 0 : index
    %get3A_1 = vector.load %arg0[%get3A, %get3A_0] : memref<10000x128xf32, #tpu.memory_space<vmem>>, vector<10000x128xf32>
    %get3A_2 = arith.constant 0 : index
    %get3A_3 = arith.constant 0 : index
    %get3A_4 = vector.load %arg1[%get3A_2, %get3A_3] : memref<10000x128xf32, #tpu.memory_space<vmem>>, vector<10000x128xf32>
    %add3A = arith.addf %get3A_1, %get3A_4 : vector<10000x128xf32>
    %get3A_5 = arith.constant 0 : index
    %get3A_6 = arith.constant 0 : index
    %get3A_7 = vector.load %arg2[%get3A_5, %get3A_6] : memref<10000x128xf32, #tpu.memory_space<vmem>>, vector<10000x128xf32>
    %reduce_sum3A = arith.constant dense<0.000000e+00> : vector<128xf32>
    %reduce_sum3A_8 = vector.multi_reduction <add>, %add3A, %reduce_sum3A [0] : vector<10000x128xf32> to vector<128xf32>
    %broadcast_in_dim3A = vector.shape_cast %reduce_sum3A_8 : vector<128xf32> to vector<1x128xf32>
    %div3A = arith.constant 1.000000e+04 : f32
    %div3A_9 = vector.broadcast %div3A : f32 to vector<1x128xf32>
    %div3A_10 = arith.divf %broadcast_in_dim3A, %div3A_9 : vector<1x128xf32>
    %mul3A = arith.mulf %add3A, %add3A : vector<10000x128xf32>
    %reduce_sum3A_11 = arith.constant dense<0.000000e+00> : vector<128xf32>
    %reduce_sum3A_12 = vector.multi_reduction <add>, %mul3A, %reduce_sum3A_11 [0] : vector<10000x128xf32> to vector<128xf32>
    %broadcast_in_dim3A_13 = vector.shape_cast %reduce_sum3A_12 : vector<128xf32> to vector<1x128xf32>
    %div3A_14 = arith.constant 1.000000e+04 : f32
    %div3A_15 = vector.broadcast %div3A_14 : f32 to vector<1x128xf32>
    %div3A_16 = arith.divf %broadcast_in_dim3A_13, %div3A_15 : vector<1x128xf32>
    %mul3A_17 = arith.mulf %div3A_10, %div3A_10 : vector<1x128xf32>
    %sub3A = arith.subf %div3A_16, %mul3A_17 : vector<1x128xf32>
    %reduce_sum3A_18 = arith.constant dense<0.000000e+00> : vector<128xf32>
    %reduce_sum3A_19 = vector.multi_reduction <add>, %get3A_7, %reduce_sum3A_18 [0] : vector<10000x128xf32> to vector<128xf32>
    %broadcast_in_dim3A_20 = vector.shape_cast %reduce_sum3A_19 : vector<128xf32> to vector<1x128xf32>
    %div3A_21 = arith.constant 1.000000e+04 : f32
    %div3A_22 = vector.broadcast %div3A_21 : f32 to vector<1x128xf32>
    %div3A_23 = arith.divf %broadcast_in_dim3A_20, %div3A_22 : vector<1x128xf32>
    %mul3A_24 = arith.mulf %get3A_7, %get3A_7 : vector<10000x128xf32>
    %reduce_sum3A_25 = arith.constant dense<0.000000e+00> : vector<128xf32>
    %reduce_sum3A_26 = vector.multi_reduction <add>, %mul3A_24, %reduce_sum3A_25 [0] : vector<10000x128xf32> to vector<128xf32>
    %broadcast_in_dim3A_27 = vector.shape_cast %reduce_sum3A_26 : vector<128xf32> to vector<1x128xf32>
    %div3A_28 = arith.constant 1.000000e+04 : f32
    %div3A_29 = vector.broadcast %div3A_28 : f32 to vector<1x128xf32>
    %div3A_30 = arith.divf %broadcast_in_dim3A_27, %div3A_29 : vector<1x128xf32>
    %mul3A_31 = arith.mulf %div3A_23, %div3A_23 : vector<1x128xf32>
    %sub3A_32 = arith.subf %div3A_30, %mul3A_31 : vector<1x128xf32>
    %get3A_33 = arith.constant 0 : index
    %get3A_34 = arith.constant 0 : index
    %get3A_35 = vector.load %arg3[%get3A_33, %get3A_34] : memref<1x128xf32, #tpu.memory_space<vmem>>, vector<1x128xf32>
    %add3A_36 = arith.constant 9.99999974E-6 : f32
    %add3A_37 = vector.broadcast %add3A_36 : f32 to vector<1x128xf32>
    %add3A_38 = arith.addf %sub3A, %add3A_37 : vector<1x128xf32>
    %rsqrt3A = math.rsqrt %add3A_38 : vector<1x128xf32>
    %mul3A_39 = arith.mulf %get3A_35, %rsqrt3A : vector<1x128xf32>
    %get3A_40 = arith.constant 0 : index
    %get3A_41 = arith.constant 0 : index
    %get3A_42 = vector.load %arg4[%get3A_40, %get3A_41] : memref<1x128xf32, #tpu.memory_space<vmem>>, vector<1x128xf32>
    %mul3A_43 = arith.mulf %div3A_10, %mul3A_39 : vector<1x128xf32>
    %sub3A_44 = arith.subf %get3A_42, %mul3A_43 : vector<1x128xf32>
    %get3A_45 = arith.constant 0 : index
    %get3A_46 = arith.constant 0 : index
    %get3A_47 = vector.load %arg5[%get3A_45, %get3A_46] : memref<1x128xf32, #tpu.memory_space<vmem>>, vector<1x128xf32>
    %add3A_48 = arith.constant 9.99999974E-6 : f32
    %add3A_49 = vector.broadcast %add3A_48 : f32 to vector<1x128xf32>
    %add3A_50 = arith.addf %sub3A_32, %add3A_49 : vector<1x128xf32>
    %rsqrt3A_51 = math.rsqrt %add3A_50 : vector<1x128xf32>
    %mul3A_52 = arith.mulf %get3A_47, %rsqrt3A_51 : vector<1x128xf32>
    %get3A_53 = arith.constant 0 : index
    %get3A_54 = arith.constant 0 : index
    %get3A_55 = vector.load %arg6[%get3A_53, %get3A_54] : memref<1x128xf32, #tpu.memory_space<vmem>>, vector<1x128xf32>
    %mul3A_56 = arith.mulf %div3A_23, %mul3A_52 : vector<1x128xf32>
    %sub3A_57 = arith.subf %get3A_55, %mul3A_56 : vector<1x128xf32>
    %get3A_58 = arith.constant 0 : index
    %get3A_59 = arith.constant 0 : index
    %get3A_60 = vector.load %arg11[%get3A_58, %get3A_59] : memref<1x128xf32, #tpu.memory_space<vmem>>, vector<1x128xf32>
    %get3A_61 = arith.constant 0 : index
    %get3A_62 = arith.constant 0 : index
    %get3A_63 = vector.load %arg8[%get3A_61, %get3A_62] : memref<128x128xf32, #tpu.memory_space<vmem>>, vector<128x128xf32>
    %dot_general3A = arith.constant dense<0.000000e+00> : vector<1x128xf32>
    %dot_general3A_64 = tpu.matmul %sub3A_44, %get3A_63, %dot_general3A {dimension_numbers = #tpu.dot_dimension_numbers<[1], [0], [0], [1], [0, 0, 1, 1], [], []>, transpose_lhs_hint = false} : vector<1x128xf32>, vector<128x128xf32>, vector<1x128xf32> -> vector<1x128xf32>
    %add3A_65 = arith.addf %get3A_60, %dot_general3A_64 : vector<1x128xf32>
    %get3A_66 = arith.constant 0 : index
    %get3A_67 = arith.constant 0 : index
    %get3A_68 = vector.load %arg9[%get3A_66, %get3A_67] : memref<128x128xf32, #tpu.memory_space<vmem>>, vector<128x128xf32>
    %dot_general3A_69 = arith.constant dense<0.000000e+00> : vector<1x128xf32>
    %dot_general3A_70 = tpu.matmul %sub3A_57, %get3A_68, %dot_general3A_69 {dimension_numbers = #tpu.dot_dimension_numbers<[1], [0], [0], [1], [0, 0, 1, 1], [], []>, transpose_lhs_hint = false} : vector<1x128xf32>, vector<128x128xf32>, vector<1x128xf32> -> vector<1x128xf32>
    %add3A_71 = arith.addf %add3A_65, %dot_general3A_70 : vector<1x128xf32>
    %get3A_72 = arith.constant 0 : index
    %get3A_73 = arith.constant 0 : index
    %get3A_74 = vector.load %arg7[%get3A_72, %get3A_73] : memref<1x16xf32, #tpu.memory_space<vmem>>, vector<1x16xf32>
    %get3A_75 = arith.constant 0 : index
    %get3A_76 = arith.constant 0 : index
    %get3A_77 = vector.load %arg10[%get3A_75, %get3A_76] : memref<16x128xf32, #tpu.memory_space<vmem>>, vector<16x128xf32>
    %dot_general3A_78 = arith.constant dense<0.000000e+00> : vector<1x128xf32>
    %dot_general3A_79 = tpu.matmul %get3A_74, %get3A_77, %dot_general3A_78 {dimension_numbers = #tpu.dot_dimension_numbers<[1], [0], [0], [1], [0, 0, 1, 1], [], []>, transpose_lhs_hint = false} : vector<1x16xf32>, vector<16x128xf32>, vector<1x128xf32> -> vector<1x128xf32>
    %add3A_80 = arith.addf %add3A_71, %dot_general3A_79 : vector<1x128xf32>
    %mul3A_81 = vector.broadcast %mul3A_39 : vector<1x128xf32> to vector<10000x128xf32>
    %mul3A_82 = arith.mulf %add3A, %mul3A_81 : vector<10000x128xf32>
    %get3A_83 = arith.constant 0 : index
    %get3A_84 = arith.constant 0 : index
    %get3A_85 = vector.load %arg8[%get3A_83, %get3A_84] : memref<128x128xf32, #tpu.memory_space<vmem>>, vector<128x128xf32>
    %dot_general3A_86 = arith.constant dense<0.000000e+00> : vector<10000x128xf32>
    %dot_general3A_87 = tpu.matmul %mul3A_82, %get3A_85, %dot_general3A_86 {dimension_numbers = #tpu.dot_dimension_numbers<[1], [0], [0], [1], [0, 0, 1, 1], [], []>, transpose_lhs_hint = false} : vector<10000x128xf32>, vector<128x128xf32>, vector<10000x128xf32> -> vector<10000x128xf32>
    %mul3A_88 = vector.broadcast %mul3A_52 : vector<1x128xf32> to vector<10000x128xf32>
    %mul3A_89 = arith.mulf %get3A_7, %mul3A_88 : vector<10000x128xf32>
    %get3A_90 = arith.constant 0 : index
    %get3A_91 = arith.constant 0 : index
    %get3A_92 = vector.load %arg9[%get3A_90, %get3A_91] : memref<128x128xf32, #tpu.memory_space<vmem>>, vector<128x128xf32>
    %dot_general3A_93 = arith.constant dense<0.000000e+00> : vector<10000x128xf32>
    %dot_general3A_94 = tpu.matmul %mul3A_89, %get3A_92, %dot_general3A_93 {dimension_numbers = #tpu.dot_dimension_numbers<[1], [0], [0], [1], [0, 0, 1, 1], [], []>, transpose_lhs_hint = false} : vector<10000x128xf32>, vector<128x128xf32>, vector<10000x128xf32> -> vector<10000x128xf32>
    %add3A_95 = arith.addf %dot_general3A_87, %dot_general3A_94 : vector<10000x128xf32>
    %add3A_96 = vector.broadcast %add3A_80 : vector<1x128xf32> to vector<10000x128xf32>
    %add3A_97 = arith.addf %add3A_95, %add3A_96 : vector<10000x128xf32>
    %max3A = arith.constant 0.000000e+00 : f32
    %max3A_98 = vector.broadcast %max3A : f32 to vector<10000x128xf32>
    %max3A_99 = arith.maximumf %add3A_97, %max3A_98 : vector<10000x128xf32>
    %get3A_100 = arith.constant 0 : index
    %get3A_101 = arith.constant 0 : index
    %get3A_102 = vector.load %arg12[%get3A_100, %get3A_101] : memref<128x128xf32, #tpu.memory_space<vmem>>, vector<128x128xf32>
    %dot_general3A_103 = arith.constant dense<0.000000e+00> : vector<10000x128xf32>
    %dot_general3A_104 = tpu.matmul %max3A_99, %get3A_102, %dot_general3A_103 {dimension_numbers = #tpu.dot_dimension_numbers<[1], [0], [0], [1], [0, 0, 1, 1], [], []>, transpose_lhs_hint = false} : vector<10000x128xf32>, vector<128x128xf32>, vector<10000x128xf32> -> vector<10000x128xf32>
    %get3A_105 = arith.constant 0 : index
    %get3A_106 = arith.constant 0 : index
    %get3A_107 = vector.load %arg13[%get3A_105, %get3A_106] : memref<1x128xf32, #tpu.memory_space<vmem>>, vector<1x128xf32>
    %add3A_108 = vector.broadcast %get3A_107 : vector<1x128xf32> to vector<10000x128xf32>
    %add3A_109 = arith.addf %dot_general3A_104, %add3A_108 : vector<10000x128xf32>
    %max3A_110 = arith.constant 0.000000e+00 : f32
    %max3A_111 = vector.broadcast %max3A_110 : f32 to vector<10000x128xf32>
    %max3A_112 = arith.maximumf %add3A_109, %max3A_111 : vector<10000x128xf32>
    %get3A_113 = arith.constant 0 : index
    %get3A_114 = arith.constant 0 : index
    %get3A_115 = vector.load %arg14[%get3A_113, %get3A_114] : memref<1x128xf32, #tpu.memory_space<vmem>>, vector<1x128xf32>
    %get3A_116 = arith.constant 0 : index
    %get3A_117 = arith.constant 0 : index
    %get3A_118 = vector.load %arg15[%get3A_116, %get3A_117] : memref<1x128xf32, #tpu.memory_space<vmem>>, vector<1x128xf32>
    %reduce_sum3A_119 = arith.constant dense<0.000000e+00> : vector<10000xf32>
    %reduce_sum3A_120 = vector.multi_reduction <add>, %max3A_112, %reduce_sum3A_119 [1] : vector<10000x128xf32> to vector<10000xf32>
    %broadcast_in_dim3A_121 = vector.shape_cast %reduce_sum3A_120 : vector<10000xf32> to vector<10000x1xf32>
    %div3A_122 = arith.constant 1.280000e+02 : f32
    %div3A_123 = vector.broadcast %div3A_122 : f32 to vector<10000x1xf32>
    %div3A_124 = arith.divf %broadcast_in_dim3A_121, %div3A_123 : vector<10000x1xf32>
    %sub3A_125 = vector.broadcast %div3A_124 : vector<10000x1xf32> to vector<10000x128xf32>
    %sub3A_126 = arith.subf %max3A_112, %sub3A_125 : vector<10000x128xf32>
    %integer_pow3A = arith.mulf %sub3A_126, %sub3A_126 : vector<10000x128xf32>
    %reduce_sum3A_127 = arith.constant dense<0.000000e+00> : vector<10000xf32>
    %reduce_sum3A_128 = vector.multi_reduction <add>, %integer_pow3A, %reduce_sum3A_127 [1] : vector<10000x128xf32> to vector<10000xf32>
    %broadcast_in_dim3A_129 = vector.shape_cast %reduce_sum3A_128 : vector<10000xf32> to vector<10000x1xf32>
    %div3A_130 = arith.constant 1.280000e+02 : f32
    %div3A_131 = vector.broadcast %div3A_130 : f32 to vector<10000x1xf32>
    %div3A_132 = arith.divf %broadcast_in_dim3A_129, %div3A_131 : vector<10000x1xf32>
    %sub3A_133 = vector.broadcast %div3A_124 : vector<10000x1xf32> to vector<10000x128xf32>
    %sub3A_134 = arith.subf %max3A_112, %sub3A_133 : vector<10000x128xf32>
    %add3A_135 = arith.constant 9.99999974E-6 : f32
    %add3A_136 = vector.broadcast %add3A_135 : f32 to vector<10000x1xf32>
    %add3A_137 = arith.addf %div3A_132, %add3A_136 : vector<10000x1xf32>
    %rsqrt3A_138 = math.rsqrt %add3A_137 : vector<10000x1xf32>
    %mul3A_139 = vector.broadcast %rsqrt3A_138 : vector<10000x1xf32> to vector<10000x128xf32>
    %mul3A_140 = arith.mulf %sub3A_134, %mul3A_139 : vector<10000x128xf32>
    %mul3A_141 = vector.broadcast %get3A_115 : vector<1x128xf32> to vector<10000x128xf32>
    %mul3A_142 = arith.mulf %mul3A_140, %mul3A_141 : vector<10000x128xf32>
    %add3A_143 = vector.broadcast %get3A_118 : vector<1x128xf32> to vector<10000x128xf32>
    %add3A_144 = arith.addf %mul3A_142, %add3A_143 : vector<10000x128xf32>
    %swap3A = arith.constant 0 : index
    %swap3A_145 = arith.constant 0 : index
    %swap3A_146 = vector.load %arg23[%swap3A, %swap3A_145] : memref<10000x128xf32, #tpu.memory_space<vmem>>, vector<10000x128xf32>
    tpu.vector_store %arg23[%swap3A, %swap3A_145], %add3A_144 {strides = array<i32>} : memref<10000x128xf32, #tpu.memory_space<vmem>>, vector<10000x128xf32>,
    %get3A_147 = arith.constant 0 : index
    %get3A_148 = arith.constant 0 : index
    %get3A_149 = vector.load %arg16[%get3A_147, %get3A_148] : memref<1x272xf32, #tpu.memory_space<vmem>>, vector<1x272xf32>
    %get3A_150 = arith.constant 0 : index
    %get3A_151 = arith.constant 0 : index
    %get3A_152 = vector.load %arg17[%get3A_150, %get3A_151] : memref<272x128xf32, #tpu.memory_space<vmem>>, vector<272x128xf32>
    %dot_general3A_153 = arith.constant dense<0.000000e+00> : vector<1x128xf32>
    %dot_general3A_154 = tpu.matmul %get3A_149, %get3A_152, %dot_general3A_153 {dimension_numbers = #tpu.dot_dimension_numbers<[1], [0], [0], [1], [0, 0, 1, 1], [], []>, transpose_lhs_hint = false} : vector<1x272xf32>, vector<272x128xf32>, vector<1x128xf32> -> vector<1x128xf32>
    %get3A_155 = arith.constant 0 : index
    %get3A_156 = arith.constant 0 : index
    %get3A_157 = vector.load %arg18[%get3A_155, %get3A_156] : memref<1x128xf32, #tpu.memory_space<vmem>>, vector<1x128xf32>
    %add3A_158 = arith.addf %dot_general3A_154, %get3A_157 : vector<1x128xf32>
    %max3A_159 = arith.constant 0.000000e+00 : f32
    %max3A_160 = vector.broadcast %max3A_159 : f32 to vector<1x128xf32>
    %max3A_161 = arith.maximumf %add3A_158, %max3A_160 : vector<1x128xf32>
    %get3A_162 = arith.constant 0 : index
    %get3A_163 = arith.constant 0 : index
    %get3A_164 = vector.load %arg19[%get3A_162, %get3A_163] : memref<128x128xf32, #tpu.memory_space<vmem>>, vector<128x128xf32>
    %dot_general3A_165 = arith.constant dense<0.000000e+00> : vector<1x128xf32>
    %dot_general3A_166 = tpu.matmul %max3A_161, %get3A_164, %dot_general3A_165 {dimension_numbers = #tpu.dot_dimension_numbers<[1], [0], [0], [1], [0, 0, 1, 1], [], []>, transpose_lhs_hint = false} : vector<1x128xf32>, vector<128x128xf32>, vector<1x128xf32> -> vector<1x128xf32>
    %get3A_167 = arith.constant 0 : index
    %get3A_168 = arith.constant 0 : index
    %get3A_169 = vector.load %arg20[%get3A_167, %get3A_168] : memref<1x128xf32, #tpu.memory_space<vmem>>, vector<1x128xf32>
    %add3A_170 = arith.addf %dot_general3A_166, %get3A_169 : vector<1x128xf32>
    %max3A_171 = arith.constant 0.000000e+00 : f32
    %max3A_172 = vector.broadcast %max3A_171 : f32 to vector<1x128xf32>
    %max3A_173 = arith.maximumf %add3A_170, %max3A_172 : vector<1x128xf32>
    %get3A_174 = arith.constant 0 : index
    %get3A_175 = arith.constant 0 : index
    %get3A_176 = vector.load %arg21[%get3A_174, %get3A_175] : memref<1x128xf32, #tpu.memory_space<vmem>>, vector<1x128xf32>
    %get3A_177 = arith.constant 0 : index
    %get3A_178 = arith.constant 0 : index
    %get3A_179 = vector.load %arg22[%get3A_177, %get3A_178] : memref<1x128xf32, #tpu.memory_space<vmem>>, vector<1x128xf32>
    %reduce_sum3A_180 = arith.constant dense<0.000000e+00> : vector<1xf32>
    %reduce_sum3A_181 = vector.multi_reduction <add>, %max3A_173, %reduce_sum3A_180 [1] : vector<1x128xf32> to vector<1xf32>
    %broadcast_in_dim3A_182 = vector.shape_cast %reduce_sum3A_181 : vector<1xf32> to vector<1x1xf32>
    %div3A_183 = arith.constant 1.280000e+02 : f32
    %div3A_184 = vector.broadcast %div3A_183 : f32 to vector<1x1xf32>
    %div3A_185 = arith.divf %broadcast_in_dim3A_182, %div3A_184 : vector<1x1xf32>
    %sub3A_186 = vector.broadcast %div3A_185 : vector<1x1xf32> to vector<1x128xf32>
    %sub3A_187 = arith.subf %max3A_173, %sub3A_186 : vector<1x128xf32>
    %integer_pow3A_188 = arith.mulf %sub3A_187, %sub3A_187 : vector<1x128xf32>
    %reduce_sum3A_189 = arith.constant dense<0.000000e+00> : vector<1xf32>
    %reduce_sum3A_190 = vector.multi_reduction <add>, %integer_pow3A_188, %reduce_sum3A_189 [1] : vector<1x128xf32> to vector<1xf32>
    %broadcast_in_dim3A_191 = vector.shape_cast %reduce_sum3A_190 : vector<1xf32> to vector<1x1xf32>
    %div3A_192 = arith.constant 1.280000e+02 : f32
    %div3A_193 = vector.broadcast %div3A_192 : f32 to vector<1x1xf32>
    %div3A_194 = arith.divf %broadcast_in_dim3A_191, %div3A_193 : vector<1x1xf32>
    %sub3A_195 = vector.broadcast %div3A_185 : vector<1x1xf32> to vector<1x128xf32>
    %sub3A_196 = arith.subf %max3A_173, %sub3A_195 : vector<1x128xf32>
    %add3A_197 = arith.constant 9.99999974E-6 : f32
    %add3A_198 = vector.broadcast %add3A_197 : f32 to vector<1x1xf32>
    %add3A_199 = arith.addf %div3A_194, %add3A_198 : vector<1x1xf32>
    %rsqrt3A_200 = math.rsqrt %add3A_199 : vector<1x1xf32>
    %mul3A_201 = vector.broadcast %rsqrt3A_200 : vector<1x1xf32> to vector<1x128xf32>
    %mul3A_202 = arith.mulf %sub3A_196, %mul3A_201 : vector<1x128xf32>
    %mul3A_203 = arith.mulf %mul3A_202, %get3A_176 : vector<1x128xf32>
    %add3A_204 = arith.addf %mul3A_203, %get3A_179 : vector<1x128xf32>
    %swap3A_205 = arith.constant 0 : index
    %swap3A_206 = arith.constant 0 : index
    %swap3A_207 = vector.load %arg24[%swap3A_205, %swap3A_206] : memref<1x128xf32, #tpu.memory_space<vmem>>, vector<1x128xf32>
    tpu.vector_store %arg24[%swap3A_205, %swap3A_206], %add3A_204 {strides = array<i32>} : memref<1x128xf32, #tpu.memory_space<vmem>>, vector<1x128xf32>,
    return
  }
}

</mosaic_0001>

<sc_bundles>
// kernel: kernel.12.cloned.1.call-start
scs
__scs_entry_jumppad:
0x0: {  	(pc) =	sbr.rel $0x88, $3  }
0x1: {  	(tag) =	ssettag $0x0;
	lr =	simm.s32 $0x1  }
0x2: {  	[smem:$0x3F87] =	sst lr;
	_ =	strace $0xD0000000  }
0x3: {  	_ = 	snop  }
0x4: {  	_ = 	snop  }
0x5: {  	_ = 	snop  }
0x6: {  	_ = 	snop  }
0x7: {  	_ = 	snop  }
__scs_overlays_trampoline_lowered:
0x8: {  	[smem:$0x3F96] =	sst s0  }
0x9: {  	[smem:$0x3F97] =	sst s1  }
0xa: {  	[smem:$0x3F98] =	sst s2  }
0xb: {  	[smem:$0x3F99] =	sst s3  }
0xc: {  	[smem:$0x3F9A] =	sst s4  }
0xd: {  	[smem:$0x3F9B] =	sst s5  }
0xe: {  	[smem:$0x3F9C] =	sst s6  }
0xf: {  	[smem:$0x3F9D] =	sst s7  }
0x10: {  	[smem:$0x3F9E] =	sst s8  }
0x11: {  	[smem:$0x3F9F] =	sst s9;
	s0 =	simm.s32 @!p0 $0x0  }
0x12: {  	s1 =	sld [smem:$0x3F85];
	s0 =	simm.s32 @p0 $0x1  }
0x13: {  	[smem:$0x3FA0] =	sst s0;
	s0 =	simm.s32 @!p1 $0x0  }
0x14: {  	s2 =	sld [smem:$0x3F84];
	s0 =	simm.s32 @p1 $0x1  }
0x15: {  	[smem:$0x3FA1] =	sst s0;
	s0 =	simm.s32 @!p2 $0x0  }
0x16: {  	s3 =	sld [smem:$0x3FDB];
	s0 =	simm.s32 @p2 $0x1  }
0x17: {  	s4 =	simm.s32 $0x1BF5;
	[smem:$0x3FA3] =	sst s0  }
0x18: {  	s0 =	sld [smem:$0x3F86];
	_ =	swait.ge [sflag:s4], $0x0  }
0x19: {  	s7 =	sld [smem:$0x3F87]  }
0x1a: {  	s8 =	sadd.s32 $0xFFFFE003, lr  }
0x1b: {  	s9 =	sadd.s32 $0xFFFFFEF7, lr;
	s5 =	simm.s32 $0xFFFFFFFF;
	p2 =	slt.u32 s8, $0xFFFFF086  }
0x1c: {  	p1 =	slt.u32 s9, $0xF7A;
	s5 =	simm.s32 @!p2 $0x0  }
0x1d: {  	s5 =	simm.s32 @p1 $0x1;
	p0 =	seq.s32 s7, s2  }
0x1e: {  	s7 =	smul.u32 @!p0 $0xF7A, s2;
	p2 =	seq.s32 @!p0 s5, $0x0  }
0x1f: {  	s9 =	smul.u32 $0xF7A, s1;
	s8 =	simm.s32 @!p0 $0x1BF5;
	p2 =	por !p2, p0  }
0x20: {  	[sflag:s8] =	ssyncset.s32 @!p0 $0xFFFFF086;
	s6 =	sadd.s32 @!p0 s3, s7;
	s7 =	simm.s32 @!p0 $0x108  }
0x21: {  	s3 =	sadd.s32 s3, s9;
	s6 =	sadd.s32 @!p0 $0x88, s6;
	s7 =	simm.s32 @p2 $0x1082  }
0x22: {  	[simem:s7], [sflag:s8] =	dma.local @!p0 [hbm:s6], $0xF7A  }
0x23: {  	s9 =	sor.u32 $0xD0000000, s2;
	s6 =	simm.s32 $0x108;
	_ =	swait.ge @!p0 [sflag:s8], $0x0  }
0x24: {  	s3 =	sadd.s32 $0x88, s3;
	s6 =	simm.s32 @!p1 $0x1082;
	[sflag:s4] =	ssyncset.s32 $0xFFFFF086  }
0x25: {  	[simem:s6], [sflag:s4] =	dma.local [hbm:s3], $0xF7A  }
0x26: {  	[smem:$0x3F87] =	sst s1;
	(tag) =	ssettag s2;
	_ =	strace s9  }
0x27: {  	s1 =	sld [smem:$0x3F97]  }
0x28: {  	s2 =	sld [smem:$0x3F98]  }
0x29: {  	s4 =	sld [smem:$0x3F9A]  }
0x2a: {  	p0 =	seq.s32 s5, $0x0;
	s5 =	sld [smem:$0x3F9B]  }
0x2b: {  	s6 =	sld [smem:$0x3F9C]  }
0x2c: {  	s7 =	sld [smem:$0x3F9D]  }
0x2d: {  	s3 =	simm.s32 $0x108;
	s8 =	sld [smem:$0x3F9E]  }
0x2e: {  	s3 =	simm.s32 @!p0 $0x1082;
	s9 =	sld [smem:$0x3F9F]  }
0x2f: {  	lr =	sadd.s32 s0, s3;
	s0 =	sld [smem:$0x3F96]  }
0x30: {  	s3 =	sld [smem:$0x3F99]  }
0x31: {  	[smem:$0x3FA2] =	sst s10  }
0x32: {  	s10 =	sld [smem:$0x3FA0];
	_ =	sdelay $0x3  }
0x33: {  	p0 =	seq.s32 s10, $0x1;
	s10 =	sld [smem:$0x3FA2];
	_ =	sdelay $0x3  }
0x34: {  	[smem:$0x3FA2] =	sst s10  }
0x35: {  	s10 =	sld [smem:$0x3FA1];
	_ =	sdelay $0x3  }
0x36: {  	p1 =	seq.s32 s10, $0x1;
	s10 =	sld [smem:$0x3FA2];
	_ =	sdelay $0x3  }
0x37: {  	[smem:$0x3FA2] =	sst s10  }
0x38: {  	s10 =	sld [smem:$0x3FA3]  }
0x39: {  	_ = 	snop;
	(pc) =	sbr.ind lr, $3  }
0x3a: {  	_ = 	snop  }
0x3b: {  	_ = 	snop  }
0x3c: {  	p2 =	seq.s32 s10, $0x1;
	s10 =	sld [smem:$0x3FA2]  }
0x3d: {  	_ =	shalt  }
0x3e: {  	_ =	shalt  }
0x3f: {  	_ =	shalt  }
0x40: {  	_ =	shalt  }
0x41: {  	_ =	shalt  }
0x42: {  	_ =	shalt  }
0x43: {  	_ =	shalt  }
0x44: {  	_ =	shalt  }
0x45: {  	_ =	shalt  }
0x46: {  	_ =	shalt  }
0x47: {  	_ =	shalt  }
0x48: {  	_ =	shalt  }
0x49: {  	_ =	shalt  }
0x4a: {  	_ =	shalt  }
0x4b: {  	_ =	shalt  }
0x4c: {  	_ =	shalt  }
0x4d: {  	_ =	shalt  }
0x4e: {  	_ =	shalt  }
0x4f: {  	_ =	shalt  }
0x50: {  	_ =	shalt  }
0x51: {  	_ =	shalt  }
0x52: {  	_ =	shalt  }
0x53: {  	_ =	shalt  }
0x54: {  	_ =	shalt  }
0x55: {  	_ =	shalt  }
0x56: {  	_ =	shalt  }
0x57: {  	_ =	shalt  }
0x58: {  	_ =	shalt  }
0x59: {  	_ =	shalt  }
0x5a: {  	_ =	shalt  }
0x5b: {  	_ =	shalt  }
0x5c: {  	_ =	shalt  }
0x5d: {  	_ =	shalt  }
0x5e: {  	_ =	shalt  }
0x5f: {  	_ =	shalt  }
0x60: {  	_ =	shalt  }
0x61: {  	_ =	shalt  }
0x62: {  	_ =	shalt  }
0x63: {  	_ =	shalt  }
0x64: {  	_ =	shalt  }
0x65: {  	_ =	shalt  }
0x66: {  	_ =	shalt  }
0x67: {  	_ =	shalt  }
0x68: {  	_ =	shalt  }
0x69: {  	_ =	shalt  }
0x6a: {  	_ =	shalt  }
0x6b: {  	_ =	shalt  }
0x6c: {  	_ =	shalt  }
0x6d: {  	_ =	shalt  }
0x6e: {  	_ =	shalt  }
0x6f: {  	_ =	shalt  }
0x70: {  	_ =	shalt  }
0x71: {  	_ =	shalt  }
0x72: {  	_ =	shalt  }
0x73: {  	_ =	shalt  }
0x74: {  	_ =	shalt  }
0x75: {  	_ =	shalt  }
0x76: {  	_ =	shalt  }
0x77: {  	_ =	shalt  }
0x78: {  	_ =	shalt  }
0x79: {  	_ =	shalt  }
0x7a: {  	_ =	shalt  }
0x7b: {  	_ =	shalt  }
0x7c: {  	_ =	shalt  }
0x7d: {  	_ =	shalt  }
0x7e: {  	_ =	shalt  }
0x7f: {  	_ =	shalt  }
0x80: {  	_ =	shalt  }
0x81: {  	_ =	shalt  }
0x82: {  	_ =	shalt  }
0x83: {  	_ =	shalt  }
0x84: {  	_ =	shalt  }
0x85: {  	_ =	shalt  }
0x86: {  	_ =	shalt  }
0x87: {  	_ =	shalt  }
.Lfunc_end0:
.L_simem_size_0:
called_computation.1_lowered:
.L_overlay_start_0:
0x88: {  	s2 =	sld [smem:$0x3FD9]  }
0x89: {  	s3 =	sld [smem:$0x3FFE];
	_ =	sdelay $0x1  }
0x8a: {  	s1 =	srdreg.scid  }
0x8b: {  	s0 =	sand.u32 $0x1, s1  }
0x8c: {  	s14 =	sshll.u32 s0, $0xA;
	s2 =	sadd.s32 s3, s2  }
0x8d: {  	s2 =	sadd.s32 s2, s14  }
0x8e: {  	[smem:$0x3FAE] =	sst s2  }
0x8f: {  	_ = 	snop  }
0x90: {  	s2 =	sld [smem:$0x3FD0];
	_ =	sdelay $0x2  }
0x91: {  	s15 =	simm.s32 $0xA;
	s4 =	simm.s32 $0x10  }
0x92: {  	[smem:s4], [sflag:s15] =	dma.local [hbm:s2], $0x1  }
0x93: {  	_ =	swait.eq [sflag:s15], $0x1  }
0x94: {  	[sflag:s15] =	ssyncset.done $0x0  }
0x95: {  	[sflag:s15] =	ssyncadd.s32 $0xFFFFFFFF  }
0x96: {  	s16 =	sld [smem:$0x10];
	(tm) =	ssettm $0x1  }
0x97: {  	s17 =	sld [smem:$0x3FFB];
	_ =	sdelay $0x3  }
0x98: {  	_ =	strace s17  }
0x99: {  	s3 =	sld [smem:$0x3FFC];
	_ =	sdelay $0x3  }
0x9a: {  	_ =	strace s3  }
0x9b: {  	s3 =	sld [smem:$0x3FFD];
	_ =	sdelay $0x3  }
0x9c: {  	_ =	strace s3  }
0x9d: {  	_ =	strace $0x8FFFFFFF  }
0x9e: {  	s18 =	sld [smem:$0x3FDB];
	_ =	sdelay $0x1  }
0x9f: {  	s19 =	simm.s32 $_scs_section_size  }
0xa0: {  	s5 =	simm.s32 $_size__tile_overlayer_lowered;
	s6 =	simm.s32 $_tile_overlayer_lowered  }
0xa1: {  	s22 =	simm.s32 $0x1BFF;
	s21 =	sshll.u32 s6, $0x1;
	s3 =	sadd.s32 s19, s18  }
0xa2: {  	s7 =	simm.s32 $0x0;
	s20 =	sshll.u32 s5, $0x1;
	s5 =	sadd.s32 s21, s3  }
0xa3: {  	[timem:s7], [sflag:s22] =	dma.local [hbm:s5], s20  }
0xa4: {  	_ =	swait.ge [sflag:s22], s20  }
0xa5: {  	s4 =	ssub.s32 $0x0, s20;
	[sflag:s22] =	ssyncset.done $0x0  }
0xa6: {  	[sflag:s22] =	ssyncadd.s32 s4;
	_ =	sdelay $0x1  }
0xa7: {  	s23 =	simm.s32 $0x1B8B  }
0xa8: {  	_ =	swait.ge [sflag:s23], $0x1  }
0xa9: {  	[sflag:s23] =	ssyncset.done $0x0  }
0xaa: {  	s25 =	simm.s32 $0x1B8E;
	s24 =	sld [smem:$0x3FFE];
	[sflag:s23] =	ssyncadd.s32 $0xFFFFFFFF  }
0xab: {  	s26 =	simm.s32 $execute0_lowered;
	[smem:$0x3FD2] =	sst s25  }
0xac: {  	s5 =	sshll.u32 s26, $0x1;
	_ =	strace $0x80000049;
	[dreg:$0x1] =	wrdreg $0xFFFFFFFF  }
0xad: {  	s28 =	simm.s32 $_size_execute0_lowered;
	s3 =	sadd.s32 s3, s5;
	[dreg:$0x0] =	wrdreg $0x0  }
0xae: {  	s5 =	sshll.u32 s28, $0x1;
	[dreg:$0x2] =	wrdreg s3  }
0xaf: {  	[dreg:$0x3] =	wrdreg s5  }
0xb0: {  	[dreg:$0x4] =	wrdreg $0xC0  }
0xb1: {  	_ =	task [dreg:s7], $0x5FFFF  }
0xb2: {  	[dreg:$0x1] =	wrdreg $0xFFFFFFFF  }
0xb3: {  	[dreg:$0x0] =	wrdreg $0x60  }
0xb4: {  	[dreg:$0x2] =	wrdreg s16  }
0xb5: {  	[dreg:$0x3] =	wrdreg s24  }
0xb6: {  	[dreg:$0x4] =	wrdreg $0x0  }
0xb7: {  	[dreg:$0x5] =	wrdreg $0x9  }
0xb8: {  	_ =	task.clear_ibuf [dreg:s7], $0x6FFFF;
	_ =	strace $0x90000049  }
0xb9: {  	s29 =	simm.s32 $0x9;
	_ =	strace $0x8000004B  }
0xba: {  	_ =	swait.ge [sflag:s29], $0x1  }
0xbb: {  	[sflag:s29] =	ssyncadd.s32 $0xFFFFFFFF  }
0xbc: {  	_ =	strace $0x9000004B  }
0xbd: {  	_ =	sfence  }
0xbe: {  	s30 =	sld [smem:$0x0];
	_ =	sdelay $0x2  }
0xbf: {  	s31 =	sshll.u32 s1, $0xD;
	s1 =	sshrl.u32 s1, $0x2  }
0xc0: {  	s3 =	sand.u32 $0x4000, s31;
	s1 =	sadd.s32 s1, s30  }
0xc1: {  	s0 =	sor.u32 s3, s0;
	s1 =	sshll.u32 s1, $0x11  }
0xc2: {  	s0 =	sor.u32 s1, s0  }
0xc3: {  	s0 =	sadd.s32 $0x8F2B, s0  }
0xc4: {  	[sflag:s0] =	ssyncadd.remote.s32 $0x1  }
0xc5: {  	_ =	sfence.sel $0xFFFF  }
0xc6: {  	[dreg:$0x0] =	wrdreg $0xFFFFFFFF;
	(pc) =	sbr.abs _section_cstart, $3  }
0xc7: {  	[dreg:$0x1] =	wrdreg $0xFFFFFFFF  }
0xc8: {  	_ =	task.clear_ibuf [dreg:s7], $0x2FFFF;
	_ =	strace $0x9FFFFFFF  }
0xc9: {  	(tm) =	ssettm $0x7FFFFFFF  }
tec
execute0_lowered:
.L_overlay_start_1:
0x0: {  	(tag) =	ssettag $0x1  }
0x1: {  	s6 =	rddreg [dreg:$0x0]  }
0x2: {  	s5 =	rddreg [dreg:$0x1]  }
0x3: {  	s2 =	rddreg [dreg:$0x2]  }
0x4: {  	s1 =	stileid.u32;
	s0 =	rddreg [dreg:$0x3];
	s3 =	simm.s32 $0x0  }
0x5: {  	s24 =	srdreg.scid;
	s21 =	simm.s32 $0x0;
	s4 =	smul.u32 $0x9C4, s1  }
0x6: {  	[smem:$0x7FF] =	sst s3;
	s7 =	smul.u32 $0x3E80, s1;
	s17 =	sand.u32 $0x1, s24  }
0x7: {  	s13 =	smul.u32 $0x7D000, s1;
	s19 =	sshll.u32 s1, $0x6;
	_ =	strace $0x8000004A  }
0x8: {  	s11 =	ssub.s32 $0x2, s17;
	s8 =	sand.u32 $0xFFF0, s4;
	s9 =	sadd.s32 s7, s5  }
0x9: {  	s10 =	sshrl.u32 s4, $0x4;
	s4 =	sadd.s32 $0x9C4, s4;
	s12 =	sshrl.u32 s11, $0x1  }
0xa: {  	s28 =	sshrl.u32 s13, $0x2;
	s6 =	sadd.s32 s6, s7;
	s16 =	sadd.s32 s8, s5  }
0xb: {  	s25 =	sshll.u32 s10, $0xB;
	s4 =	sshrl.u32 s4, $0x4;
	s11 =	ssub.s32 s11, s12  }
0xc: {  	s18 =	sadd.s32 s28, s2;
	s4 =	ssub.s32 s4, s10;
	s15 =	sadd.s32 s25, s5  }
0xd: {  	s7 =	sadd.s32 $0xFE00, s16;
	s11 =	smax.u32 s11, $0x1;
	s14 =	sadd.s32 $0xFE10, s16  }
0xe: {  	s18 =	sshrl.u32 s18, $0x3;
	s26 =	sadd.s32 $0x1, s4;
	p0 =	slt.s32 s4, $0x0  }
0xf: {  	s12 =	sadd.s32 $0xFFFFFFFE, s4;
	s13 =	sadd.s32 $0x522E00, s15;
	s29 =	sand.u32 $0x8000, s26  }
0x10: {  	s15 =	sadd.s32 $0x40E00, s15;
	s30 =	sand.u32 $0x1, s26;
	s10 =	sshrl.u32 s29, $0xF  }
0x11: {  	p2 =	slt.s32 s4, $0x1;
	p1 =	seq.s32 s30, $0x1;
	s5 =	sadd.s32 s10, s26  }
0x12: {  	p0 =	por !p0, !p1;
	s10 =	simm.s32 $0x1;
	s31 =	sshll.u32 s5, $0x10  }
0x13: {  	p0 =	por !p0, !p0;
	s5 =	sadd.s32 $0x19C00, s9;
	s9 =	sadd.s32 $0xFFFFFFFF, s4  }
0x14: {  	s8 =	sshra.s32 s31, $0x11;
	s10 =	simm.s32 @!p0 $0x0;
	p0 =	sgt.u32 s1, $0x9  }
.Ltmp0:
0x15: {  	s8 =	ssub.s32 s8, s10;
	s20 =	simm.s32 @!p0 $0x0;
	(pc) =	sbr.rel .LBB2_1-.Ltmp0, $4  }
0x16: {  	s10 =	sadd.s32 $0x6000, s16;
	s20 =	simm.s32 @p0 $0x1;
	p0 =	sne.s32 s17, $0x0  }
0x17: {  	s16 =	sadd.s32 $0x6010, s16;
	p3 =	slt.s32 s8, $0x1;
	s17 =	simm.s32 @!p0 $0x0  }
0x18: {  	[smem:$0x7FC] =	sst s20;
	s20 =	simm.s32 $0x13880;
	s17 =	simm.s32 @p0 $0x1  }
0x19: {  	[smem:$0x7FD] =	sst s17;
	s17 =	sor.u32 $0x1C03, s19;
	s19 =	simm.s32 $0x3  }
.LBB2_14:
0x1a: {  	s24 =	smov.u32 s14;
	s23 =	smov.u32 s13  }
.LBB2_17:
0x1b: {  	p0 =	por p1, p4;
	p1 =	por p5, !p6  }
0x1c: {  	[sflag:s26] =	ssyncset.done @!p1 $0x0;
	s25 =	simm.s32 @!p0 $0x0  }
0x1d: {  	s28 =	simm.s32 @!p0 $0x13900;
	s29 =	simm.s32 @!p0 $0x4;
	[sflag:s26] =	ssyncadd.s32 @!p1 $0xFFFFC000  }
0x1e: {  	[tilespmem:s28], [sflag:$0x4] =	stream.linear.gather @!p0 [hbm4b:s24+s25], $0x80, $0x38;
	[tilespmem:$0x1B980] =	vst v63  }
0x1f: {  	_ =	swait.ge @!p0 [sflag:s29], $0x80  }
0x20: {  	s30 =	simm.s32 @!p0 $0x17980;
	[sflag:s29] =	ssyncset.done @!p0 $0x0  }
0x21: {  	s26 =	simm.s32 @!p0 $0x80;
	s25 =	simm.s32 @!p4 $0x1;
	[sflag:s29] =	ssyncadd.s32 @!p0 $0xFFFFFF80  }
0x22: {  	[tilespmem:s30], [sflag:$0x2] =	stream.indirect.gather @!p0 [spmem:s2], $0x80, s28, s26, $0xb8;
	[tilespmem:$0x1B980] =	vst v63  }
0x23: {  	s31 =	sadd.s32 $0x1, s22;
	s29 =	simm.s32 @!p4 $0x0;
	_ =	swait.ge @!p4 [sflag:s25], $0x4000  }
0x24: {  	s26 =	simm.s32 @!p4 $0x4;
	p0 =	sge.s32 s31, s4;
	[sflag:s25] =	ssyncset.done @!p4 $0x0  }
0x25: {  	p1 =	sge.s32 @!p0 s22, s12;
	[sflag:s25] =	ssyncadd.s32 @!p4 $0xFFFFC000;
	s25 =	simm.s32 @!p4 $0x13980  }
0x26: {  	[hbm4b:s23+s29] =	stream.linear.scatter @!p4 [tilespmem:s25], [sflag:$0x4], $0x4000, $0x38;
	[tilespmem:$0x1B980] =	vst v63  }
0x27: {  	p1 =	por p1, p0;
	_ =	swait.ge @!p4 [sflag:s26], $0x4000  }
0x28: {  	s22 =	sadd.s32 @!p1 $0x10, s24;
	s24 =	simm.s32 @!p1 $0x0;
	[sflag:s26] =	ssyncset.done @!p4 $0x0  }
0x29: {  	s25 =	simm.s32 @!p1 $0x13880;
	[sflag:s26] =	ssyncadd.s32 @!p4 $0xFFFFC000;
	s26 =	simm.s32 @!p1 $0x4  }
0x2a: {  	[tilespmem:s25], [sflag:$0x4] =	stream.linear.gather @!p1 [hbm4b:s22+s24], $0x80, $0x38;
	[tilespmem:$0x1B980] =	vst v63  }
0x2b: {  	_ =	swait.ge @!p1 [sflag:s26], $0x80  }
0x2c: {  	s22 =	simm.s32 @!p1 $0x80;
	[sflag:s26] =	ssyncset.done @!p1 $0x0  }
0x2d: {  	s24 =	simm.s32 @!p1 $0x13980;
	[sflag:s26] =	ssyncadd.s32 @!p1 $0xFFFFFF80;
	s26 =	simm.s32 @!p0 $0x2  }
0x2e: {  	[tilespmem:s24], [sflag:$0x1] =	stream.indirect.gather @!p1 [spmem:s2], $0x80, s25, s22, $0xb8;
	[tilespmem:$0x1B980] =	vst v63  }
0x2f: {  	_ =	swait.ge @!p0 [sflag:s26], $0x4000  }
0x30: {  	s23 =	sadd.s32 @!p0 $0x800, s23;
	s22 =	simm.s32 @!p0 $0x17980;
	[sflag:s26] =	ssyncset.done @!p0 $0x0  }
0x31: {  	s24 =	simm.s32 @!p0 $0x0;
	s25 =	simm.s32 @!p0 $0x3;
	[sflag:s26] =	ssyncadd.s32 @!p0 $0xFFFFC000  }
0x32: {  	[hbm4b:s23+s24] =	stream.linear.scatter @!p0 [tilespmem:s22], [sflag:$0x3], $0x4000, $0x38;
	[tilespmem:$0x1B980] =	vst v63  }
0x33: {  	_ =	swait.ge @!p0 [sflag:s25], $0x4000  }
0x34: {  	[sflag:s25] =	ssyncset.done @!p0 $0x0  }
0x35: {  	[sflag:s25] =	ssyncadd.s32 @!p0 $0xFFFFC000  }
.LBB2_18:
0x36: {  	s21 =	sadd.s32 $0x1, s21  }
0x37: {  	p0 =	sne.s32 s21, s11  }
.Ltmp1:
0x38: {  	_ = 	snop;
	(pc) =	sbr.rel @!p0 .LBB2_19-.Ltmp1, $1  }
0x39: {  	_ =	sdelay $0x3  }
.LBB2_1:
0x3a: {  	s22 =	sld [smem:$0x7FC];
	_ =	sdelay $0x2  }
0x3b: {  	p0 =	seq.s32 s22, $0x1  }
.Ltmp2:
0x3c: {  	_ = 	snop;
	(pc) =	sbr.rel @p0 .LBB2_4-.Ltmp2, $1  }
0x3d: {  	_ =	sdelay $0x3  }
0x3e: {  	s22 =	sld [smem:$0x7FD];
	_ =	sdelay $0x2  }
0x3f: {  	p0 =	seq.s32 s22, $0x1  }
.Ltmp3:
0x40: {  	_ = 	snop;
	(pc) =	sbr.rel @p0 .LBB2_11-.Ltmp3, $1  }
0x41: {  	_ =	sdelay $0x3  }
0x42: {  	[spmem:s18], [sflag:s17] =	dma.local [hbm:s6], $0x3E80  }
.Ltmp4:
0x43: {  	_ =	swait.ge [sflag:s19], $0x3E80;
	(pc) =	sbr.rel .LBB2_5-.Ltmp4, $3  }
0x44: {  	[sflag:s19] =	ssyncset.done $0x0  }
0x45: {  	[sflag:s19] =	ssyncadd.s32 $0xFFFFC180  }
0x46: {  	[bflag:$0x0] =	sbarrier.arrive $0xFFFF;
	_ =	sdelay $0x1  }
.LBB2_4:
0x47: {  	[bflag:$0x0] =	sbarrier.arrive $0xFFFF  }
0x48: {  	s22 =	sld [smem:$0x7FD];
	_ =	sdelay $0x2  }
0x49: {  	p0 =	seq.s32 s22, $0x1  }
.Ltmp5:
0x4a: {  	_ = 	snop;
	(pc) =	sbr.rel @p0 .LBB2_12-.Ltmp5, $1  }
0x4b: {  	_ =	sdelay $0x3  }
.LBB2_5:
0x4c: {  	[tilespmem:s20], [sflag:$0x3] =	stream.linear.gather [hbm4b:s10+s3], $0x80, $0x38;
	[tilespmem:$0x1B980] =	vst v63  }
.Ltmp6:
0x4d: {  	_ =	swait.ge [sflag:s19], $0x80;
	(pc) =	sbr.rel @p3 .LBB2_18-.Ltmp6, $4  }
0x4e: {  	s22 =	simm.s32 @!p2 $0x80;
	[sflag:s19] =	ssyncset.done $0x0  }
0x4f: {  	s23 =	simm.s32 @!p2 $0x13880;
	s24 =	simm.s32 @!p2 $0x13980;
	[sflag:s19] =	ssyncadd.s32 $0xFFFFFF80  }
0x50: {  	[tilespmem:s24], [sflag:$0x1] =	stream.indirect.gather @!p2 [spmem:s2], $0x80, s23, s22, $0xb8;
	[tilespmem:$0x1B980] =	vst v63  }
0x51: {  	s22 =	simm.s32 $0x0  }
0x52: {  	s23 =	sadd.s32 $0xFFFFFFFF, s8  }
0x53: {  	p0 =	seq.s32 s23, $0x0  }
.Ltmp7:
0x54: {  	_ = 	snop;
	(pc) =	sbr.rel @p0 .LBB2_7-.Ltmp7, $3  }
0x55: {  	_ =	sdelay $0x1  }
0x56: {  	p4 =	sge.s32 s22, s4  }
0x57: {  	p6 =	por $0x0, $0x0;
	p1 =	sge.s32 @!p4 s22, s9  }
0x58: {  	p0 =	por p1, p4  }
0x59: {  	s24 =	simm.s32 @!p0 $0x0;
	s25 =	simm.s32 @!p0 $0x13900;
	s26 =	simm.s32 @!p0 $0x4  }
0x5a: {  	[tilespmem:s25], [sflag:$0x4] =	stream.linear.gather @!p0 [hbm4b:s16+s24], $0x80, $0x38;
	[tilespmem:$0x1B980] =	vst v63  }
0x5b: {  	_ =	swait.ge @!p0 [sflag:s26], $0x80  }
0x5c: {  	s31 =	sadd.s32 $0x1, s22;
	s28 =	simm.s32 @!p0 $0x80;
	[sflag:s26] =	ssyncset.done @!p0 $0x0  }
0x5d: {  	s29 =	simm.s32 @!p0 $0x17980;
	s24 =	simm.s32 @!p4 $0x1;
	[sflag:s26] =	ssyncadd.s32 @!p0 $0xFFFFFF80  }
0x5e: {  	[tilespmem:s29], [sflag:$0x2] =	stream.indirect.gather @!p0 [spmem:s2], $0x80, s25, s28, $0xb8;
	[tilespmem:$0x1B980] =	vst v63  }
0x5f: {  	p5 =	sge.s32 s31, s4;
	_ =	swait.ge @!p4 [sflag:s24], $0x4000  }
0x60: {  	s25 =	simm.s32 @!p4 $0x4;
	s28 =	simm.s32 @!p4 $0x0;
	[sflag:s24] =	ssyncset.done @!p4 $0x0  }
0x61: {  	p0 =	sge.s32 @!p5 s22, s12;
	[sflag:s24] =	ssyncadd.s32 @!p4 $0xFFFFC000;
	s24 =	simm.s32 @!p4 $0x13980  }
0x62: {  	[hbm4b:s15+s28] =	stream.linear.scatter @!p4 [tilespmem:s24], [sflag:$0x4], $0x4000, $0x38;
	[tilespmem:$0x1B980] =	vst v63  }
0x63: {  	p0 =	por p0, p5;
	_ =	swait.ge @!p4 [sflag:s25], $0x4000  }
0x64: {  	s26 =	simm.s32 @!p0 $0x0;
	s29 =	simm.s32 @!p0 $0x4;
	[sflag:s25] =	ssyncset.done @!p4 $0x0  }
0x65: {  	s24 =	sadd.s32 @!p0 $0x10, s16;
	s28 =	simm.s32 @!p0 $0x13880;
	[sflag:s25] =	ssyncadd.s32 @!p4 $0xFFFFC000  }
0x66: {  	[tilespmem:s28], [sflag:$0x4] =	stream.linear.gather @!p0 [hbm4b:s24+s26], $0x80, $0x38;
	[tilespmem:$0x1B980] =	vst v63  }
0x67: {  	p6 =	por $0x1, $0x1;
	_ =	swait.ge @!p0 [sflag:s29], $0x80  }
0x68: {  	s22 =	sadd.s32 $0x2, s22;
	s25 =	sadd.s32 $0xFFFFFFFF, s23;
	[sflag:s29] =	ssyncset.done @!p0 $0x0  }
0x69: {  	s23 =	simm.s32 @!p0 $0x80;
	s24 =	simm.s32 @!p0 $0x13980;
	[sflag:s29] =	ssyncadd.s32 @!p0 $0xFFFFFF80  }
0x6a: {  	[tilespmem:s24], [sflag:$0x1] =	stream.indirect.gather @!p0 [spmem:s2], $0x80, s28, s23, $0xb8;
	[tilespmem:$0x1B980] =	vst v63  }
0x6b: {  	p4 =	sge.s32 s22, s4;
	s26 =	simm.s32 @!p5 $0x2;
	p0 =	seq.s32 s25, $0x0  }
.Ltmp8:
0x6c: {  	p1 =	sge.s32 @!p4 s22, s9;
	_ =	swait.ge @!p5 [sflag:s26], $0x4000;
	(pc) =	sbr.rel @p0 .LBB2_10-.Ltmp8, $4  }
0x6d: {  	s23 =	simm.s32 @!p5 $0x17980;
	s24 =	sadd.s32 @!p5 $0x800, s15;
	[sflag:s26] =	ssyncset.done @!p5 $0x0  }
0x6e: {  	s28 =	simm.s32 @!p5 $0x0;
	[sflag:s26] =	ssyncadd.s32 @!p5 $0xFFFFC000;
	s26 =	simm.s32 @!p5 $0x3  }
0x6f: {  	[hbm4b:s24+s28] =	stream.linear.scatter @!p5 [tilespmem:s23], [sflag:$0x3], $0x4000, $0x38;
	[tilespmem:$0x1B980] =	vst v63  }
0x70: {  	s24 =	sadd.s32 $0x20, s16;
	s23 =	sadd.s32 $0x1000, s15;
	_ =	swait.ge @!p5 [sflag:s26], $0x4000  }
.LBB2_9:
0x71: {  	s25 =	sadd.s32 $0xFFFFFFFF, s25;
	p1 =	por p1, p4;
	[sflag:s26] =	ssyncset.done @!p5 $0x0  }
0x72: {  	s28 =	simm.s32 @!p1 $0x0;
	s29 =	simm.s32 @!p1 $0x13900;
	s30 =	simm.s32 @!p1 $0x4  }
0x73: {  	p0 =	seq.s32 s25, $0x0;
	[sflag:s26] =	ssyncadd.s32 @!p5 $0xFFFFC000  }
0x74: {  	[tilespmem:s29], [sflag:$0x4] =	stream.linear.gather @!p1 [hbm4b:s24+s28], $0x80, $0x38;
	[tilespmem:$0x1B980] =	vst v63  }
0x75: {  	s26 =	simm.s32 @!p4 $0x1;
	_ =	swait.ge @!p1 [sflag:s30], $0x80  }
0x76: {  	s31 =	simm.s32 @!p1 $0x17980;
	s28 =	simm.s32 @!p1 $0x80;
	[sflag:s30] =	ssyncset.done @!p1 $0x0  }
0x77: {  	[sflag:s30] =	ssyncadd.s32 @!p1 $0xFFFFFF80  }
0x78: {  	[tilespmem:s31], [sflag:$0x2] =	stream.indirect.gather @!p1 [spmem:s2], $0x80, s29, s28, $0xb8;
	[tilespmem:$0x1B980] =	vst v63  }
0x79: {  	s28 =	simm.s32 @!p4 $0x4;
	s29 =	sadd.s32 $0x1, s22;
	_ =	swait.ge @!p4 [sflag:s26], $0x4000  }
0x7a: {  	s30 =	simm.s32 @!p4 $0x0;
	p5 =	sge.s32 s29, s4;
	[sflag:s26] =	ssyncset.done @!p4 $0x0  }
0x7b: {  	p1 =	sge.s32 @!p5 s22, s12;
	[sflag:s26] =	ssyncadd.s32 @!p4 $0xFFFFC000;
	s26 =	simm.s32 @!p4 $0x13980  }
0x7c: {  	[hbm4b:s23+s30] =	stream.linear.scatter @!p4 [tilespmem:s26], [sflag:$0x4], $0x4000, $0x38;
	[tilespmem:$0x1B980] =	vst v63  }
0x7d: {  	p1 =	por p1, p5;
	_ =	swait.ge @!p4 [sflag:s28], $0x4000  }
0x7e: {  	s26 =	sadd.s32 @!p1 $0x10, s24;
	s29 =	simm.s32 @!p1 $0x0;
	[sflag:s28] =	ssyncset.done @!p4 $0x0  }
0x7f: {  	s30 =	simm.s32 @!p1 $0x4;
	[sflag:s28] =	ssyncadd.s32 @!p4 $0xFFFFC000;
	s28 =	simm.s32 @!p1 $0x13880  }
0x80: {  	[tilespmem:s28], [sflag:$0x4] =	stream.linear.gather @!p1 [hbm4b:s26+s29], $0x80, $0x38;
	[tilespmem:$0x1B980] =	vst v63  }
0x81: {  	s22 =	sadd.s32 $0x2, s22;
	_ =	swait.ge @!p1 [sflag:s30], $0x80  }
0x82: {  	s26 =	simm.s32 @!p1 $0x80;
	s29 =	simm.s32 @!p1 $0x13980;
	[sflag:s30] =	ssyncset.done @!p1 $0x0  }
0x83: {  	s24 =	sadd.s32 $0x20, s24;
	[sflag:s30] =	ssyncadd.s32 @!p1 $0xFFFFFF80;
	s30 =	simm.s32 @!p5 $0x2  }
0x84: {  	[tilespmem:s29], [sflag:$0x1] =	stream.indirect.gather @!p1 [spmem:s2], $0x80, s28, s26, $0xb8;
	[tilespmem:$0x1B980] =	vst v63  }
.Ltmp9:
0x85: {  	s28 =	simm.s32 @!p5 $0x17980;
	_ =	swait.ge @!p5 [sflag:s30], $0x4000;
	(pc) =	sbr.rel @!p0 .LBB2_9-.Ltmp9, $4  }
0x86: {  	s31 =	simm.s32 @!p5 $0x0;
	s29 =	sadd.s32 @!p5 $0x800, s23;
	[sflag:s30] =	ssyncset.done @!p5 $0x0  }
0x87: {  	p4 =	sge.s32 s22, s4;
	s26 =	simm.s32 @!p5 $0x3;
	[sflag:s30] =	ssyncadd.s32 @!p5 $0xFFFFC000  }
0x88: {  	[hbm4b:s29+s31] =	stream.linear.scatter @!p5 [tilespmem:s28], [sflag:$0x3], $0x4000, $0x38;
	[tilespmem:$0x1B980] =	vst v63  }
0x89: {  	p1 =	sge.s32 @!p4 s22, s9;
	s23 =	sadd.s32 $0x1000, s23;
	_ =	swait.ge @!p5 [sflag:s26], $0x4000  }
.LBB2_10:
0x8a: {  	p0 =	por p1, p4;
	p1 =	por p5, !p6  }
0x8b: {  	[sflag:s26] =	ssyncset.done @!p1 $0x0;
	s25 =	simm.s32 @!p0 $0x0  }
0x8c: {  	s28 =	simm.s32 @!p0 $0x13900;
	s29 =	simm.s32 @!p0 $0x4;
	[sflag:s26] =	ssyncadd.s32 @!p1 $0xFFFFC000  }
0x8d: {  	[tilespmem:s28], [sflag:$0x4] =	stream.linear.gather @!p0 [hbm4b:s24+s25], $0x80, $0x38;
	[tilespmem:$0x1B980] =	vst v63  }
0x8e: {  	_ =	swait.ge @!p0 [sflag:s29], $0x80  }
0x8f: {  	s30 =	simm.s32 @!p0 $0x17980;
	[sflag:s29] =	ssyncset.done @!p0 $0x0  }
0x90: {  	s26 =	simm.s32 @!p0 $0x80;
	s25 =	simm.s32 @!p4 $0x1;
	[sflag:s29] =	ssyncadd.s32 @!p0 $0xFFFFFF80  }
0x91: {  	[tilespmem:s30], [sflag:$0x2] =	stream.indirect.gather @!p0 [spmem:s2], $0x80, s28, s26, $0xb8;
	[tilespmem:$0x1B980] =	vst v63  }
0x92: {  	s31 =	sadd.s32 $0x1, s22;
	s29 =	simm.s32 @!p4 $0x0;
	_ =	swait.ge @!p4 [sflag:s25], $0x4000  }
0x93: {  	s26 =	simm.s32 @!p4 $0x4;
	p0 =	sge.s32 s31, s4;
	[sflag:s25] =	ssyncset.done @!p4 $0x0  }
0x94: {  	p1 =	sge.s32 @!p0 s22, s12;
	[sflag:s25] =	ssyncadd.s32 @!p4 $0xFFFFC000;
	s25 =	simm.s32 @!p4 $0x13980  }
0x95: {  	[hbm4b:s23+s29] =	stream.linear.scatter @!p4 [tilespmem:s25], [sflag:$0x4], $0x4000, $0x38;
	[tilespmem:$0x1B980] =	vst v63  }
0x96: {  	p1 =	por p1, p0;
	_ =	swait.ge @!p4 [sflag:s26], $0x4000  }
0x97: {  	s22 =	sadd.s32 @!p1 $0x10, s24;
	s24 =	simm.s32 @!p1 $0x0;
	[sflag:s26] =	ssyncset.done @!p4 $0x0  }
0x98: {  	s25 =	simm.s32 @!p1 $0x13880;
	[sflag:s26] =	ssyncadd.s32 @!p4 $0xFFFFC000;
	s26 =	simm.s32 @!p1 $0x4  }
0x99: {  	[tilespmem:s25], [sflag:$0x4] =	stream.linear.gather @!p1 [hbm4b:s22+s24], $0x80, $0x38;
	[tilespmem:$0x1B980] =	vst v63  }
0x9a: {  	_ =	swait.ge @!p1 [sflag:s26], $0x80  }
0x9b: {  	s22 =	simm.s32 @!p1 $0x80;
	[sflag:s26] =	ssyncset.done @!p1 $0x0  }
0x9c: {  	s24 =	simm.s32 @!p1 $0x13980;
	[sflag:s26] =	ssyncadd.s32 @!p1 $0xFFFFFF80;
	s26 =	simm.s32 @!p0 $0x2  }
0x9d: {  	[tilespmem:s24], [sflag:$0x1] =	stream.indirect.gather @!p1 [spmem:s2], $0x80, s25, s22, $0xb8;
	[tilespmem:$0x1B980] =	vst v63  }
0x9e: {  	s23 =	sadd.s32 @!p0 $0x800, s23;
	_ =	swait.ge @!p0 [sflag:s26], $0x4000  }
0x9f: {  	s22 =	simm.s32 @!p0 $0x17980;
	s24 =	simm.s32 @!p0 $0x0;
	[sflag:s26] =	ssyncset.done @!p0 $0x0  }
.Ltmp10:
0xa0: {  	s25 =	simm.s32 @!p0 $0x3;
	[sflag:s26] =	ssyncadd.s32 @!p0 $0xFFFFC000;
	(pc) =	sbr.rel .LBB2_18-.Ltmp10, $4  }
0xa1: {  	[hbm4b:s23+s24] =	stream.linear.scatter @!p0 [tilespmem:s22], [sflag:$0x3], $0x4000, $0x38;
	[tilespmem:$0x1B980] =	vst v63  }
0xa2: {  	_ =	swait.ge @!p0 [sflag:s25], $0x4000  }
0xa3: {  	[sflag:s25] =	ssyncset.done @!p0 $0x0  }
0xa4: {  	[sflag:s25] =	ssyncadd.s32 @!p0 $0xFFFFC000  }
.LBB2_11:
0xa5: {  	[spmem:s18], [sflag:s17] =	dma.local [hbm:s5], $0x3E80  }
0xa6: {  	_ =	swait.ge [sflag:s19], $0x3E80  }
0xa7: {  	[sflag:s19] =	ssyncset.done $0x0  }
0xa8: {  	[sflag:s19] =	ssyncadd.s32 $0xFFFFC180  }
0xa9: {  	[bflag:$0x0] =	sbarrier.arrive $0xFFFF  }
.LBB2_12:
0xaa: {  	[tilespmem:s20], [sflag:$0x3] =	stream.linear.gather [hbm4b:s7+s3], $0x80, $0x38;
	[tilespmem:$0x1B980] =	vst v63  }
.Ltmp11:
0xab: {  	_ =	swait.ge [sflag:s19], $0x80;
	(pc) =	sbr.rel @p3 .LBB2_18-.Ltmp11, $4  }
0xac: {  	s22 =	simm.s32 @!p2 $0x80;
	[sflag:s19] =	ssyncset.done $0x0  }
0xad: {  	s23 =	simm.s32 @!p2 $0x13880;
	s24 =	simm.s32 @!p2 $0x13980;
	[sflag:s19] =	ssyncadd.s32 $0xFFFFFF80  }
0xae: {  	[tilespmem:s24], [sflag:$0x1] =	stream.indirect.gather @!p2 [spmem:s2], $0x80, s23, s22, $0xb8;
	[tilespmem:$0x1B980] =	vst v63  }
0xaf: {  	s22 =	simm.s32 $0x0  }
0xb0: {  	s23 =	sadd.s32 $0xFFFFFFFF, s8  }
0xb1: {  	p0 =	sne.s32 s23, $0x0  }
.Ltmp12:
0xb2: {  	_ = 	snop;
	(pc) =	sbr.rel @!p0 .LBB2_14-.Ltmp12, $3  }
0xb3: {  	_ =	sdelay $0x1  }
0xb4: {  	p4 =	sge.s32 s22, s4  }
0xb5: {  	p6 =	por $0x0, $0x0;
	p1 =	sge.s32 @!p4 s22, s9  }
0xb6: {  	p0 =	por p1, p4  }
0xb7: {  	s24 =	simm.s32 @!p0 $0x0;
	s25 =	simm.s32 @!p0 $0x13900;
	s26 =	simm.s32 @!p0 $0x4  }
0xb8: {  	[tilespmem:s25], [sflag:$0x4] =	stream.linear.gather @!p0 [hbm4b:s14+s24], $0x80, $0x38;
	[tilespmem:$0x1B980] =	vst v63  }
0xb9: {  	_ =	swait.ge @!p0 [sflag:s26], $0x80  }
0xba: {  	s31 =	sadd.s32 $0x1, s22;
	s28 =	simm.s32 @!p0 $0x80;
	[sflag:s26] =	ssyncset.done @!p0 $0x0  }
0xbb: {  	s29 =	simm.s32 @!p0 $0x17980;
	s24 =	simm.s32 @!p4 $0x1;
	[sflag:s26] =	ssyncadd.s32 @!p0 $0xFFFFFF80  }
0xbc: {  	[tilespmem:s29], [sflag:$0x2] =	stream.indirect.gather @!p0 [spmem:s2], $0x80, s25, s28, $0xb8;
	[tilespmem:$0x1B980] =	vst v63  }
0xbd: {  	p5 =	sge.s32 s31, s4;
	_ =	swait.ge @!p4 [sflag:s24], $0x4000  }
0xbe: {  	s25 =	simm.s32 @!p4 $0x4;
	s28 =	simm.s32 @!p4 $0x0;
	[sflag:s24] =	ssyncset.done @!p4 $0x0  }
0xbf: {  	p0 =	sge.s32 @!p5 s22, s12;
	[sflag:s24] =	ssyncadd.s32 @!p4 $0xFFFFC000;
	s24 =	simm.s32 @!p4 $0x13980  }
0xc0: {  	[hbm4b:s13+s28] =	stream.linear.scatter @!p4 [tilespmem:s24], [sflag:$0x4], $0x4000, $0x38;
	[tilespmem:$0x1B980] =	vst v63  }
0xc1: {  	p0 =	por p0, p5;
	_ =	swait.ge @!p4 [sflag:s25], $0x4000  }
0xc2: {  	s26 =	simm.s32 @!p0 $0x0;
	s29 =	simm.s32 @!p0 $0x4;
	[sflag:s25] =	ssyncset.done @!p4 $0x0  }
0xc3: {  	s24 =	sadd.s32 @!p0 $0x10, s14;
	s28 =	simm.s32 @!p0 $0x13880;
	[sflag:s25] =	ssyncadd.s32 @!p4 $0xFFFFC000  }
0xc4: {  	[tilespmem:s28], [sflag:$0x4] =	stream.linear.gather @!p0 [hbm4b:s24+s26], $0x80, $0x38;
	[tilespmem:$0x1B980] =	vst v63  }
0xc5: {  	p6 =	por $0x1, $0x1;
	_ =	swait.ge @!p0 [sflag:s29], $0x80  }
0xc6: {  	s22 =	sadd.s32 $0x2, s22;
	s25 =	sadd.s32 $0xFFFFFFFF, s23;
	[sflag:s29] =	ssyncset.done @!p0 $0x0  }
0xc7: {  	s23 =	simm.s32 @!p0 $0x80;
	s24 =	simm.s32 @!p0 $0x13980;
	[sflag:s29] =	ssyncadd.s32 @!p0 $0xFFFFFF80  }
0xc8: {  	[tilespmem:s24], [sflag:$0x1] =	stream.indirect.gather @!p0 [spmem:s2], $0x80, s28, s23, $0xb8;
	[tilespmem:$0x1B980] =	vst v63  }
0xc9: {  	p4 =	sge.s32 s22, s4;
	s26 =	simm.s32 @!p5 $0x2;
	p0 =	sne.s32 s25, $0x0  }
.Ltmp13:
0xca: {  	p1 =	sge.s32 @!p4 s22, s9;
	_ =	swait.ge @!p5 [sflag:s26], $0x4000;
	(pc) =	sbr.rel @!p0 .LBB2_17-.Ltmp13, $4  }
0xcb: {  	s23 =	simm.s32 @!p5 $0x17980;
	s24 =	sadd.s32 @!p5 $0x800, s13;
	[sflag:s26] =	ssyncset.done @!p5 $0x0  }
0xcc: {  	s28 =	simm.s32 @!p5 $0x0;
	[sflag:s26] =	ssyncadd.s32 @!p5 $0xFFFFC000;
	s26 =	simm.s32 @!p5 $0x3  }
0xcd: {  	[hbm4b:s24+s28] =	stream.linear.scatter @!p5 [tilespmem:s23], [sflag:$0x3], $0x4000, $0x38;
	[tilespmem:$0x1B980] =	vst v63  }
0xce: {  	s24 =	sadd.s32 $0x20, s14;
	s23 =	sadd.s32 $0x1000, s13;
	_ =	swait.ge @!p5 [sflag:s26], $0x4000  }
.LBB2_16:
0xcf: {  	s25 =	sadd.s32 $0xFFFFFFFF, s25;
	p1 =	por p1, p4;
	[sflag:s26] =	ssyncset.done @!p5 $0x0  }
0xd0: {  	s28 =	simm.s32 @!p1 $0x0;
	s29 =	simm.s32 @!p1 $0x13900;
	s30 =	simm.s32 @!p1 $0x4  }
0xd1: {  	p0 =	sne.s32 s25, $0x0;
	[sflag:s26] =	ssyncadd.s32 @!p5 $0xFFFFC000  }
0xd2: {  	[tilespmem:s29], [sflag:$0x4] =	stream.linear.gather @!p1 [hbm4b:s24+s28], $0x80, $0x38;
	[tilespmem:$0x1B980] =	vst v63  }
0xd3: {  	s26 =	simm.s32 @!p4 $0x1;
	_ =	swait.ge @!p1 [sflag:s30], $0x80  }
0xd4: {  	s31 =	simm.s32 @!p1 $0x17980;
	s28 =	simm.s32 @!p1 $0x80;
	[sflag:s30] =	ssyncset.done @!p1 $0x0  }
0xd5: {  	[sflag:s30] =	ssyncadd.s32 @!p1 $0xFFFFFF80  }
0xd6: {  	[tilespmem:s31], [sflag:$0x2] =	stream.indirect.gather @!p1 [spmem:s2], $0x80, s29, s28, $0xb8;
	[tilespmem:$0x1B980] =	vst v63  }
0xd7: {  	s28 =	simm.s32 @!p4 $0x4;
	s29 =	sadd.s32 $0x1, s22;
	_ =	swait.ge @!p4 [sflag:s26], $0x4000  }
0xd8: {  	s30 =	simm.s32 @!p4 $0x0;
	p5 =	sge.s32 s29, s4;
	[sflag:s26] =	ssyncset.done @!p4 $0x0  }
0xd9: {  	p1 =	sge.s32 @!p5 s22, s12;
	[sflag:s26] =	ssyncadd.s32 @!p4 $0xFFFFC000;
	s26 =	simm.s32 @!p4 $0x13980  }
0xda: {  	[hbm4b:s23+s30] =	stream.linear.scatter @!p4 [tilespmem:s26], [sflag:$0x4], $0x4000, $0x38;
	[tilespmem:$0x1B980] =	vst v63  }
0xdb: {  	p1 =	por p1, p5;
	_ =	swait.ge @!p4 [sflag:s28], $0x4000  }
0xdc: {  	s26 =	sadd.s32 @!p1 $0x10, s24;
	s29 =	simm.s32 @!p1 $0x0;
	[sflag:s28] =	ssyncset.done @!p4 $0x0  }
0xdd: {  	s30 =	simm.s32 @!p1 $0x4;
	[sflag:s28] =	ssyncadd.s32 @!p4 $0xFFFFC000;
	s28 =	simm.s32 @!p1 $0x13880  }
0xde: {  	[tilespmem:s28], [sflag:$0x4] =	stream.linear.gather @!p1 [hbm4b:s26+s29], $0x80, $0x38;
	[tilespmem:$0x1B980] =	vst v63  }
0xdf: {  	s22 =	sadd.s32 $0x2, s22;
	_ =	swait.ge @!p1 [sflag:s30], $0x80  }
0xe0: {  	s26 =	simm.s32 @!p1 $0x80;
	s29 =	simm.s32 @!p1 $0x13980;
	[sflag:s30] =	ssyncset.done @!p1 $0x0  }
0xe1: {  	s24 =	sadd.s32 $0x20, s24;
	[sflag:s30] =	ssyncadd.s32 @!p1 $0xFFFFFF80;
	s30 =	simm.s32 @!p5 $0x2  }
0xe2: {  	[tilespmem:s29], [sflag:$0x1] =	stream.indirect.gather @!p1 [spmem:s2], $0x80, s28, s26, $0xb8;
	[tilespmem:$0x1B980] =	vst v63  }
.Ltmp14:
0xe3: {  	s28 =	simm.s32 @!p5 $0x17980;
	_ =	swait.ge @!p5 [sflag:s30], $0x4000;
	(pc) =	sbr.rel @p0 .LBB2_16-.Ltmp14, $4  }
0xe4: {  	s31 =	simm.s32 @!p5 $0x0;
	s29 =	sadd.s32 @!p5 $0x800, s23;
	[sflag:s30] =	ssyncset.done @!p5 $0x0  }
0xe5: {  	p4 =	sge.s32 s22, s4;
	s26 =	simm.s32 @!p5 $0x3;
	[sflag:s30] =	ssyncadd.s32 @!p5 $0xFFFFC000  }
0xe6: {  	[hbm4b:s29+s31] =	stream.linear.scatter @!p5 [tilespmem:s28], [sflag:$0x3], $0x4000, $0x38;
	[tilespmem:$0x1B980] =	vst v63  }
0xe7: {  	p1 =	sge.s32 @!p4 s22, s9;
	s23 =	sadd.s32 $0x1000, s23;
	_ =	swait.ge @!p5 [sflag:s26], $0x4000  }
.Ltmp15:
0xe8: {  	_ = 	snop;
	(pc) =	sbr.rel .LBB2_17-.Ltmp15, $1  }
0xe9: {  	_ =	sdelay $0x3  }
.LBB2_7:
.Ltmp16:
0xea: {  	(pc) =	sbr.rel .LBB2_10-.Ltmp16, $2  }
0xeb: {  	_ =	sdelay $0x2  }
0xec: {  	s24 =	smov.u32 s16;
	s23 =	smov.u32 s15  }
.LBB2_19:
0xed: {  	_ =	sfence.sel $0x180000  }
0xee: {  	[bflag:$0x0] =	sbarrier.arrive $0xFFFF  }
0xef: {  	p0 =	sne.s32 s1, $0x0;
	_ =	strace $0x9000004A  }
0xf0: {  	s0 =	sadd.s32 @!p0 $0x100000, s0;
	[bflag:$0x2] =	sbarrier.arrive $0xFFFF  }
0xf1: {  	[sflag:s0] =	ssyncadd.tile.s32 @!p0 $0x1;
	_ =	shalt  }
.Lfunc_end2:
_tile_overlayer_lowered:
.L_overlay_start_2:
0xf2: {  	(tag) =	ssettag $0x2  }
0xf3: {  	s0 =	rddreg [dreg:$0x0];
	s2 =	stileid.u32  }
0xf4: {  	s1 =	rddreg [dreg:$0x1];
	p0 =	sne.s32 s2, $0x0  }
0xf5: {  	s3 =	rddreg [dreg:$0x2];
	[bflag:$0x3] =	sbarrier.arrive $0xFFFF;
	s2 =	simm.s32 @!p0 $0x1C03  }
0xf6: {  	[timem:s3], [sflag:s2] =	dma.local @!p0 [hbm:s0], s1  }
0xf7: {  	s0 =	simm.s32 @!p0 $0x3  }
0xf8: {  	_ =	swait.ge @!p0 [sflag:s0], s1  }
0xf9: {  	s1 =	ssub.s32 @!p0 $0x0, s1;
	[sflag:s0] =	ssyncset.done @!p0 $0x0  }
0xfa: {  	[sflag:s0] =	ssyncadd.s32 @!p0 s1  }
0xfb: {  	[bflag:$0x3] =	sbarrier.arrive $0xFFFF  }
0xfc: {  	_ =	shalt  }

// kernel: kernel.15.cloned.1.call-start
scs
__scs_entry_jumppad:
0x0: {  	(pc) =	sbr.rel $0x88, $3  }
0x1: {  	(tag) =	ssettag $0x0;
	lr =	simm.s32 $0x1  }
0x2: {  	[smem:$0x3F87] =	sst lr;
	_ =	strace $0xD0000000  }
0x3: {  	_ = 	snop  }
0x4: {  	_ = 	snop  }
0x5: {  	_ = 	snop  }
0x6: {  	_ = 	snop  }
0x7: {  	_ = 	snop  }
__scs_overlays_trampoline_lowered:
0x8: {  	[smem:$0x3F96] =	sst s0  }
0x9: {  	[smem:$0x3F97] =	sst s1  }
0xa: {  	[smem:$0x3F98] =	sst s2  }
0xb: {  	[smem:$0x3F99] =	sst s3  }
0xc: {  	[smem:$0x3F9A] =	sst s4  }
0xd: {  	[smem:$0x3F9B] =	sst s5  }
0xe: {  	[smem:$0x3F9C] =	sst s6  }
0xf: {  	[smem:$0x3F9D] =	sst s7  }
0x10: {  	[smem:$0x3F9E] =	sst s8  }
0x11: {  	[smem:$0x3F9F] =	sst s9;
	s0 =	simm.s32 @!p0 $0x0  }
0x12: {  	s1 =	sld [smem:$0x3F85];
	s0 =	simm.s32 @p0 $0x1  }
0x13: {  	[smem:$0x3FA0] =	sst s0;
	s0 =	simm.s32 @!p1 $0x0  }
0x14: {  	s2 =	sld [smem:$0x3F84];
	s0 =	simm.s32 @p1 $0x1  }
0x15: {  	[smem:$0x3FA1] =	sst s0;
	s0 =	simm.s32 @!p2 $0x0  }
0x16: {  	s3 =	sld [smem:$0x3FDB];
	s0 =	simm.s32 @p2 $0x1  }
0x17: {  	s4 =	simm.s32 $0x1BF5;
	[smem:$0x3FA3] =	sst s0  }
0x18: {  	s0 =	sld [smem:$0x3F86];
	_ =	swait.ge [sflag:s4], $0x0  }
0x19: {  	s7 =	sld [smem:$0x3F87]  }
0x1a: {  	s8 =	sadd.s32 $0xFFFFE003, lr  }
0x1b: {  	s9 =	sadd.s32 $0xFFFFFEF7, lr;
	s5 =	simm.s32 $0xFFFFFFFF;
	p2 =	slt.u32 s8, $0xFFFFF086  }
0x1c: {  	p1 =	slt.u32 s9, $0xF7A;
	s5 =	simm.s32 @!p2 $0x0  }
0x1d: {  	s5 =	simm.s32 @p1 $0x1;
	p0 =	seq.s32 s7, s2  }
0x1e: {  	s7 =	smul.u32 @!p0 $0xF7A, s2;
	p2 =	seq.s32 @!p0 s5, $0x0  }
0x1f: {  	s9 =	smul.u32 $0xF7A, s1;
	s8 =	simm.s32 @!p0 $0x1BF5;
	p2 =	por !p2, p0  }
0x20: {  	[sflag:s8] =	ssyncset.s32 @!p0 $0xFFFFF086;
	s6 =	sadd.s32 @!p0 s3, s7;
	s7 =	simm.s32 @!p0 $0x108  }
0x21: {  	s3 =	sadd.s32 s3, s9;
	s6 =	sadd.s32 @!p0 $0x88, s6;
	s7 =	simm.s32 @p2 $0x1082  }
0x22: {  	[simem:s7], [sflag:s8] =	dma.local @!p0 [hbm:s6], $0xF7A  }
0x23: {  	s9 =	sor.u32 $0xD0000000, s2;
	s6 =	simm.s32 $0x108;
	_ =	swait.ge @!p0 [sflag:s8], $0x0  }
0x24: {  	s3 =	sadd.s32 $0x88, s3;
	s6 =	simm.s32 @!p1 $0x1082;
	[sflag:s4] =	ssyncset.s32 $0xFFFFF086  }
0x25: {  	[simem:s6], [sflag:s4] =	dma.local [hbm:s3], $0xF7A  }
0x26: {  	[smem:$0x3F87] =	sst s1;
	(tag) =	ssettag s2;
	_ =	strace s9  }
0x27: {  	s1 =	sld [smem:$0x3F97]  }
0x28: {  	s2 =	sld [smem:$0x3F98]  }
0x29: {  	s4 =	sld [smem:$0x3F9A]  }
0x2a: {  	p0 =	seq.s32 s5, $0x0;
	s5 =	sld [smem:$0x3F9B]  }
0x2b: {  	s6 =	sld [smem:$0x3F9C]  }
0x2c: {  	s7 =	sld [smem:$0x3F9D]  }
0x2d: {  	s3 =	simm.s32 $0x108;
	s8 =	sld [smem:$0x3F9E]  }
0x2e: {  	s3 =	simm.s32 @!p0 $0x1082;
	s9 =	sld [smem:$0x3F9F]  }
0x2f: {  	lr =	sadd.s32 s0, s3;
	s0 =	sld [smem:$0x3F96]  }
0x30: {  	s3 =	sld [smem:$0x3F99]  }
0x31: {  	[smem:$0x3FA2] =	sst s10  }
0x32: {  	s10 =	sld [smem:$0x3FA0];
	_ =	sdelay $0x3  }
0x33: {  	p0 =	seq.s32 s10, $0x1;
	s10 =	sld [smem:$0x3FA2];
	_ =	sdelay $0x3  }
0x34: {  	[smem:$0x3FA2] =	sst s10  }
0x35: {  	s10 =	sld [smem:$0x3FA1];
	_ =	sdelay $0x3  }
0x36: {  	p1 =	seq.s32 s10, $0x1;
	s10 =	sld [smem:$0x3FA2];
	_ =	sdelay $0x3  }
0x37: {  	[smem:$0x3FA2] =	sst s10  }
0x38: {  	s10 =	sld [smem:$0x3FA3]  }
0x39: {  	_ = 	snop;
	(pc) =	sbr.ind lr, $3  }
0x3a: {  	_ = 	snop  }
0x3b: {  	_ = 	snop  }
0x3c: {  	p2 =	seq.s32 s10, $0x1;
	s10 =	sld [smem:$0x3FA2]  }
0x3d: {  	_ =	shalt  }
0x3e: {  	_ =	shalt  }
0x3f: {  	_ =	shalt  }
0x40: {  	_ =	shalt  }
0x41: {  	_ =	shalt  }
0x42: {  	_ =	shalt  }
0x43: {  	_ =	shalt  }
0x44: {  	_ =	shalt  }
0x45: {  	_ =	shalt  }
0x46: {  	_ =	shalt  }
0x47: {  	_ =	shalt  }
0x48: {  	_ =	shalt  }
0x49: {  	_ =	shalt  }
0x4a: {  	_ =	shalt  }
0x4b: {  	_ =	shalt  }
0x4c: {  	_ =	shalt  }
0x4d: {  	_ =	shalt  }
0x4e: {  	_ =	shalt  }
0x4f: {  	_ =	shalt  }
0x50: {  	_ =	shalt  }
0x51: {  	_ =	shalt  }
0x52: {  	_ =	shalt  }
0x53: {  	_ =	shalt  }
0x54: {  	_ =	shalt  }
0x55: {  	_ =	shalt  }
0x56: {  	_ =	shalt  }
0x57: {  	_ =	shalt  }
0x58: {  	_ =	shalt  }
0x59: {  	_ =	shalt  }
0x5a: {  	_ =	shalt  }
0x5b: {  	_ =	shalt  }
0x5c: {  	_ =	shalt  }
0x5d: {  	_ =	shalt  }
0x5e: {  	_ =	shalt  }
0x5f: {  	_ =	shalt  }
0x60: {  	_ =	shalt  }
0x61: {  	_ =	shalt  }
0x62: {  	_ =	shalt  }
0x63: {  	_ =	shalt  }
0x64: {  	_ =	shalt  }
0x65: {  	_ =	shalt  }
0x66: {  	_ =	shalt  }
0x67: {  	_ =	shalt  }
0x68: {  	_ =	shalt  }
0x69: {  	_ =	shalt  }
0x6a: {  	_ =	shalt  }
0x6b: {  	_ =	shalt  }
0x6c: {  	_ =	shalt  }
0x6d: {  	_ =	shalt  }
0x6e: {  	_ =	shalt  }
0x6f: {  	_ =	shalt  }
0x70: {  	_ =	shalt  }
0x71: {  	_ =	shalt  }
0x72: {  	_ =	shalt  }
0x73: {  	_ =	shalt  }
0x74: {  	_ =	shalt  }
0x75: {  	_ =	shalt  }
0x76: {  	_ =	shalt  }
0x77: {  	_ =	shalt  }
0x78: {  	_ =	shalt  }
0x79: {  	_ =	shalt  }
0x7a: {  	_ =	shalt  }
0x7b: {  	_ =	shalt  }
0x7c: {  	_ =	shalt  }
0x7d: {  	_ =	shalt  }
0x7e: {  	_ =	shalt  }
0x7f: {  	_ =	shalt  }
0x80: {  	_ =	shalt  }
0x81: {  	_ =	shalt  }
0x82: {  	_ =	shalt  }
0x83: {  	_ =	shalt  }
0x84: {  	_ =	shalt  }
0x85: {  	_ =	shalt  }
0x86: {  	_ =	shalt  }
0x87: {  	_ =	shalt  }
.Lfunc_end0:
.L_simem_size_0:
called_computation.2_lowered:
.L_overlay_start_0:
0x88: {  	s2 =	sld [smem:$0x3FD9]  }
0x89: {  	s3 =	sld [smem:$0x3FFE];
	_ =	sdelay $0x1  }
0x8a: {  	s1 =	srdreg.scid  }
0x8b: {  	s0 =	sand.u32 $0x1, s1  }
0x8c: {  	s14 =	sshll.u32 s0, $0xA;
	s2 =	sadd.s32 s3, s2  }
0x8d: {  	s2 =	sadd.s32 s2, s14  }
0x8e: {  	[smem:$0x3FAE] =	sst s2  }
0x8f: {  	_ = 	snop  }
0x90: {  	s2 =	sld [smem:$0x3FD0];
	_ =	sdelay $0x2  }
0x91: {  	s15 =	simm.s32 $0xA;
	s4 =	simm.s32 $0x10  }
0x92: {  	[smem:s4], [sflag:s15] =	dma.local [hbm:s2], $0x1  }
0x93: {  	_ =	swait.eq [sflag:s15], $0x1  }
0x94: {  	[sflag:s15] =	ssyncset.done $0x0  }
0x95: {  	s16 =	sld [smem:$0x10];
	[sflag:s15] =	ssyncadd.s32 $0xFFFFFFFF  }
0x96: {  	s17 =	sld [smem:$0x11];
	(tm) =	ssettm $0x1  }
0x97: {  	s18 =	sld [smem:$0x3FFB];
	_ =	sdelay $0x3  }
0x98: {  	_ =	strace s18  }
0x99: {  	s4 =	sld [smem:$0x3FFC];
	_ =	sdelay $0x3  }
0x9a: {  	_ =	strace s4  }
0x9b: {  	s4 =	sld [smem:$0x3FFD];
	_ =	sdelay $0x3  }
0x9c: {  	_ =	strace s4  }
0x9d: {  	_ =	strace $0x8FFFFFFF  }
0x9e: {  	s19 =	sld [smem:$0x3FDB];
	_ =	sdelay $0x1  }
0x9f: {  	s5 =	simm.s32 $_scs_section_size  }
0xa0: {  	s6 =	simm.s32 $_size__tile_overlayer_lowered;
	s7 =	simm.s32 $_tile_overlayer_lowered  }
0xa1: {  	s22 =	simm.s32 $0x1BFF;
	s21 =	sshll.u32 s7, $0x1;
	s4 =	sadd.s32 s5, s19  }
0xa2: {  	s8 =	simm.s32 $0x0;
	s20 =	sshll.u32 s6, $0x1;
	s6 =	sadd.s32 s21, s4  }
0xa3: {  	[timem:s8], [sflag:s22] =	dma.local [hbm:s6], s20  }
0xa4: {  	_ =	swait.ge [sflag:s22], s20  }
0xa5: {  	s5 =	ssub.s32 $0x0, s20;
	[sflag:s22] =	ssyncset.done $0x0  }
0xa6: {  	[sflag:s22] =	ssyncadd.s32 s5;
	_ =	sdelay $0x1  }
0xa7: {  	s23 =	simm.s32 $0x1B8B  }
0xa8: {  	_ =	swait.ge [sflag:s23], $0x1  }
0xa9: {  	[sflag:s23] =	ssyncset.done $0x0  }
0xaa: {  	s25 =	simm.s32 $0x1B8E;
	s24 =	sld [smem:$0x3FFE];
	[sflag:s23] =	ssyncadd.s32 $0xFFFFFFFF  }
0xab: {  	s26 =	simm.s32 $execute0_lowered;
	[smem:$0x3FD2] =	sst s25  }
0xac: {  	s6 =	sshll.u32 s26, $0x1;
	_ =	strace $0x8000004C;
	[dreg:$0x1] =	wrdreg $0xFFFFFFFF  }
0xad: {  	s28 =	simm.s32 $_size_execute0_lowered;
	s4 =	sadd.s32 s4, s6;
	[dreg:$0x0] =	wrdreg $0x0  }
0xae: {  	s6 =	sshll.u32 s28, $0x1;
	[dreg:$0x2] =	wrdreg s4  }
0xaf: {  	[dreg:$0x3] =	wrdreg s6  }
0xb0: {  	[dreg:$0x4] =	wrdreg $0xC0  }
0xb1: {  	_ =	task [dreg:s8], $0x5FFFF  }
0xb2: {  	[dreg:$0x1] =	wrdreg $0xFFFFFFFF  }
0xb3: {  	[dreg:$0x0] =	wrdreg $0x60  }
0xb4: {  	[dreg:$0x2] =	wrdreg s17  }
0xb5: {  	[dreg:$0x3] =	wrdreg s24  }
0xb6: {  	[dreg:$0x4] =	wrdreg s16  }
0xb7: {  	[dreg:$0x5] =	wrdreg $0x0  }
0xb8: {  	[dreg:$0x6] =	wrdreg $0x9  }
0xb9: {  	_ =	task.clear_ibuf [dreg:s8], $0x7FFFF;
	_ =	strace $0x9000004C  }
0xba: {  	s29 =	simm.s32 $0x9;
	_ =	strace $0x8000004E  }
0xbb: {  	_ =	swait.ge [sflag:s29], $0x1  }
0xbc: {  	[sflag:s29] =	ssyncadd.s32 $0xFFFFFFFF  }
0xbd: {  	_ =	strace $0x9000004E  }
0xbe: {  	_ =	sfence  }
0xbf: {  	s30 =	sld [smem:$0x0];
	_ =	sdelay $0x2  }
0xc0: {  	s31 =	sshll.u32 s1, $0xD;
	s1 =	sshrl.u32 s1, $0x2  }
0xc1: {  	s3 =	sand.u32 $0x4000, s31;
	s1 =	sadd.s32 s1, s30  }
0xc2: {  	s0 =	sor.u32 s3, s0;
	s1 =	sshll.u32 s1, $0x11  }
0xc3: {  	s0 =	sor.u32 s1, s0  }
0xc4: {  	s0 =	sadd.s32 $0x8F2B, s0  }
0xc5: {  	[sflag:s0] =	ssyncadd.remote.s32 $0x1  }
0xc6: {  	_ =	sfence.sel $0xFFFF  }
0xc7: {  	[dreg:$0x0] =	wrdreg $0xFFFFFFFF;
	(pc) =	sbr.abs _section_cstart, $3  }
0xc8: {  	[dreg:$0x1] =	wrdreg $0xFFFFFFFF  }
0xc9: {  	_ =	task.clear_ibuf [dreg:s8], $0x2FFFF;
	_ =	strace $0x9FFFFFFF  }
0xca: {  	(tm) =	ssettm $0x7FFFFFFF  }
0xcb: {  	_ =	shalt  }
tec
execute0_lowered:
.L_overlay_start_1:
0x0: {  	(tag) =	ssettag $0x1  }
0x1: {  	s13 =	rddreg [dreg:$0x0];
	s1 =	stileid.u32  }
0x2: {  	s11 =	rddreg [dreg:$0x1];
	s7 =	smul.u32 $0x7D000, s1  }
0x3: {  	s4 =	srdreg.scid;
	s9 =	smul.u32 $0x4E2, s1  }
0x4: {  	s6 =	rddreg [dreg:$0x2];
	s12 =	sand.u32 $0x1, s4;
	s15 =	smul.u32 $0x3E80, s1  }
0x5: {  	s2 =	rddreg [dreg:$0x3];
	s3 =	simm.s32 $0x0;
	s20 =	smul.u32 $0x4E2, s12  }
0x6: {  	[smem:$0x7FF] =	sst s3;
	s4 =	sadd.s32 $0xFE00, s11;
	s29 =	smul.u32 $0x271000, s12  }
0x7: {  	s5 =	ssub.s32 $0x2, s12;
	_ =	strace $0x8000004D;
	s19 =	smul.u32 $0x27100, s12  }
0x8: {  	s8 =	sshrl.u32 s5, $0x1;
	s7 =	sshrl.u32 s7, $0x2;
	s14 =	sshrl.u32 s9, $0x4  }
0x9: {  	s21 =	sadd.s32 $0x4E2, s9;
	s6 =	sadd.s32 s6, s15;
	s10 =	ssub.s32 s5, s8  }
0xa: {  	s22 =	sadd.s32 s20, s14;
	s23 =	sshrl.u32 s21, $0x4;
	s17 =	sadd.s32 s7, s2  }
0xb: {  	s30 =	sshll.u32 s14, $0x7;
	s20 =	simm.s32 $0x0;
	s5 =	ssub.s32 s23, s14  }
0xc: {  	s24 =	sshll.u32 s22, $0x4;
	s25 =	sshll.u32 s22, $0xB;
	s10 =	smax.u32 s10, $0x1  }
0xd: {  	s14 =	sshll.u32 s14, $0xB;
	s7 =	sadd.s32 s4, s24;
	s16 =	sadd.s32 $0x1, s5  }
0xe: {  	p0 =	slt.s32 s5, $0x0;
	s8 =	sadd.s32 s13, s25;
	s28 =	sadd.s32 $0xFFFFFFFF, s5  }
0xf: {  	s13 =	sadd.s32 s29, s13;
	s26 =	sand.u32 $0x8000, s16;
	s18 =	sand.u32 $0x1, s16  }
0x10: {  	[dreg:$0x5] =	wrdreg s28;
	s13 =	sadd.s32 s14, s13;
	s9 =	sshrl.u32 s26, $0xF  }
0x11: {  	p1 =	seq.s32 s18, $0x1;
	s18 =	simm.s32 $0x19C00;
	s13 =	sadd.s32 $0x800, s13  }
0x12: {  	s9 =	sadd.s32 s9, s16;
	p0 =	por !p0, !p1;
	s16 =	simm.s32 $0x1  }
0x13: {  	p1 =	slt.s32 s5, $0x1;
	s9 =	sshll.u32 s9, $0x10;
	p0 =	por !p0, !p0  }
0x14: {  	s9 =	sshra.s32 s9, $0x11;
	s16 =	simm.s32 @!p0 $0x0;
	p0 =	seq.s32 s12, $0x0  }
0x15: {  	s9 =	ssub.s32 s9, s16;
	s18 =	simm.s32 @!p0 $0x40E00;
	p0 =	sgt.u32 s1, $0x9  }
0x16: {  	s18 =	sadd.s32 s18, s11;
	s11 =	sadd.s32 $0xFFFFFFFE, s5;
	s16 =	sshll.u32 @!p0 s1, $0x6  }
.Ltmp0:
0x17: {  	s17 =	sshrl.u32 @!p0 s17, $0x3;
	p2 =	slt.s32 s9, $0x1;
	(pc) =	sbr.rel .LBB2_1-.Ltmp0, $4  }
0x18: {  	s12 =	sadd.s32 s18, s15;
	s15 =	sadd.s32 s30, s19;
	s16 =	sor.u32 @!p0 $0x1C03, s16  }
0x19: {  	s18 =	simm.s32 $0x13880;
	s0 =	simm.s32 @!p2 $0x0;
	s31 =	sadd.s32 $0x80, s15  }
0x1a: {  	s19 =	simm.s32 $0x3;
	s0 =	simm.s32 @p2 $0x1;
	s14 =	sshrl.u32 s31, $0x3  }
0x1b: {  	s15 =	sadd.s32 $0x100, s15;
	[smem:$0x7FD] =	sst s0;
	s14 =	sadd.s32 s14, s4  }
.LBB2_5:
0x1c: {  	s0 =	rddreg [dreg:$0x5];
	p2 =	por p4, !p3;
	p4 =	sge.s32 s24, s5  }
0x1d: {  	[sflag:s28] =	ssyncset.done @!p2 $0x0;
	p3 =	sge.s32 @!p4 s24, s0  }
0x1e: {  	[sflag:s28] =	ssyncadd.s32 @!p2 $0xFFFFC000;
	p2 =	por p3, p4  }
0x1f: {  	s0 =	simm.s32 @!p2 $0x0;
	s26 =	simm.s32 @!p2 $0x13900;
	s28 =	simm.s32 @!p2 $0x4  }
0x20: {  	[tilespmem:s26], [sflag:$0x4] =	stream.linear.gather @!p2 [hbm4b:s25+s0], $0x80, $0x38;
	[tilespmem:$0x1B980] =	vst v63  }
0x21: {  	s29 =	sadd.s32 $0x1, s24;
	_ =	swait.ge @!p2 [sflag:s28], $0x80  }
0x22: {  	p3 =	sge.s32 s29, s5;
	[sflag:s28] =	ssyncset.done @!p2 $0x0  }
0x23: {  	s25 =	simm.s32 @!p2 $0x17980;
	s26 =	simm.s32 @!p4 $0x1;
	[sflag:s28] =	ssyncadd.s32 @!p2 $0xFFFFFF80  }
0x24: {  	[tilespmem:s25], [sflag:$0x2] =	stream.linear.gather @!p2 [hbm4b:s22+s0], $0x4000, $0x38;
	[tilespmem:$0x1B980] =	vst v63  }
0x25: {  	s28 =	simm.s32 @!p4 $0x13880;
	s0 =	simm.s32 @!p4 $0x13980;
	_ =	swait.ge @!p4 [sflag:s26], $0x4000  }
0x26: {  	s25 =	simm.s32 @!p4 $0x4;
	p2 =	sge.s32 @!p3 s24, s11;
	[sflag:s26] =	ssyncset.done @!p4 $0x0  }
0x27: {  	p2 =	por p2, p3;
	[sflag:s26] =	ssyncadd.s32 @!p4 $0xFFFFC000;
	s26 =	simm.s32 @!p4 $0x80  }
0x28: {  	[spmem:s2] =	stream.indirect.scatter.add.f32 @!p4 [tilespmem:s0], [sflag:$0x4], $0x80, s28, s26, $0xb8;
	[tilespmem:$0x1B980] =	vst v63  }
0x29: {  	s24 =	simm.s32 @!p2 $0x0;
	_ =	swait.ge @!p4 [sflag:s25], $0x4000  }
0x2a: {  	s0 =	sshrl.u32 @!p2 s23, $0x3;
	s23 =	simm.s32 @!p2 $0x13880;
	[sflag:s25] =	ssyncset.done @!p4 $0x0  }
0x2b: {  	s0 =	sadd.s32 @!p2 s4, s0;
	[sflag:s25] =	ssyncadd.s32 @!p4 $0xFFFFC000;
	s25 =	simm.s32 @!p2 $0x4  }
0x2c: {  	[tilespmem:s23], [sflag:$0x4] =	stream.linear.gather @!p2 [hbm4b:s0+s24], $0x80, $0x38;
	[tilespmem:$0x1B980] =	vst v63  }
0x2d: {  	_ =	swait.ge @!p2 [sflag:s25], $0x80  }
0x2e: {  	s0 =	sadd.s32 @!p2 $0x800, s22;
	[sflag:s25] =	ssyncset.done @!p2 $0x0  }
0x2f: {  	s22 =	simm.s32 @!p2 $0x13980;
	s23 =	simm.s32 @!p3 $0x2;
	[sflag:s25] =	ssyncadd.s32 @!p2 $0xFFFFFF80  }
0x30: {  	[tilespmem:s22], [sflag:$0x1] =	stream.linear.gather @!p2 [hbm4b:s0+s24], $0x4000, $0x38;
	[tilespmem:$0x1B980] =	vst v63  }
0x31: {  	_ =	swait.ge @!p3 [sflag:s23], $0x4000  }
0x32: {  	s0 =	simm.s32 @!p3 $0x17980;
	s22 =	simm.s32 @!p3 $0x80;
	[sflag:s23] =	ssyncset.done @!p3 $0x0  }
0x33: {  	s24 =	simm.s32 @!p3 $0x13900;
	[sflag:s23] =	ssyncadd.s32 @!p3 $0xFFFFC000;
	s23 =	simm.s32 @!p3 $0x3  }
0x34: {  	[spmem:s2] =	stream.indirect.scatter.add.f32 @!p3 [tilespmem:s0], [sflag:$0x3], $0x80, s24, s22, $0xb8;
	[tilespmem:$0x1B980] =	vst v63  }
0x35: {  	_ =	swait.ge @!p3 [sflag:s23], $0x4000  }
0x36: {  	[sflag:s23] =	ssyncset.done @!p3 $0x0  }
0x37: {  	[sflag:s23] =	ssyncadd.s32 @!p3 $0xFFFFC000  }
.LBB2_6:
0x38: {  	s20 =	sadd.s32 $0x1, s20  }
0x39: {  	p2 =	sne.s32 s20, s10  }
.Ltmp1:
0x3a: {  	[bflag:$0x0] =	sbarrier.arrive $0xFFFF;
	(pc) =	sbr.rel @!p2 .LBB2_7-.Ltmp1, $4  }
0x3b: {  	[hbm:s12], [sflag:s16] =	dma.local @!p0 [spmem:s17], $0x3E80  }
0x3c: {  	_ =	swait.ge @!p0 [sflag:s21], $0x3E80  }
0x3d: {  	[sflag:s21] =	ssyncset.done @!p0 $0x0  }
0x3e: {  	[sflag:s21] =	ssyncadd.s32 @!p0 $0xFFFFC180  }
.LBB2_1:
0x3f: {  	[spmem:s17], [sflag:s16] =	dma.local @!p0 [hbm:s6], $0x3E80  }
0x40: {  	s21 =	simm.s32 @!p0 $0x3  }
0x41: {  	_ =	swait.ge @!p0 [sflag:s21], $0x3E80  }
0x42: {  	[sflag:s21] =	ssyncset.done @!p0 $0x0  }
0x43: {  	[sflag:s21] =	ssyncadd.s32 @!p0 $0xFFFFC180  }
0x44: {  	[bflag:$0x0] =	sbarrier.arrive $0xFFFF  }
0x45: {  	[tilespmem:s18], [sflag:$0x3] =	stream.linear.gather [hbm4b:s7+s3], $0x80, $0x38;
	[tilespmem:$0x1B980] =	vst v63  }
0x46: {  	_ =	swait.ge [sflag:s19], $0x80  }
0x47: {  	s0 =	sld [smem:$0x7FD];
	_ =	sdelay $0x2  }
0x48: {  	p2 =	seq.s32 s0, $0x1  }
.Ltmp2:
0x49: {  	_ = 	snop;
	(pc) =	sbr.rel @p2 .LBB2_6-.Ltmp2, $4  }
0x4a: {  	_ = 	snop  }
0x4b: {  	[sflag:s19] =	ssyncset.done $0x0  }
0x4c: {  	s22 =	simm.s32 @!p1 $0x0;
	s23 =	simm.s32 @!p1 $0x13980;
	[sflag:s19] =	ssyncadd.s32 $0xFFFFFF80  }
0x4d: {  	[tilespmem:s23], [sflag:$0x1] =	stream.linear.gather @!p1 [hbm4b:s8+s22], $0x4000, $0x38;
	[tilespmem:$0x1B980] =	vst v63  }
0x4e: {  	s26 =	sadd.s32 $0xFFFFFFFF, s9  }
0x4f: {  	p2 =	sne.s32 s26, $0x0  }
.Ltmp3:
0x50: {  	_ = 	snop;
	(pc) =	sbr.rel @!p2 .LBB2_5-.Ltmp3, $3  }
0x51: {  	_ =	sdelay $0x1  }
0x52: {  	p3 =	por $0x0, $0x0;
	s24 =	simm.s32 $0x0  }
0x53: {  	s25 =	smov.u32 s14;
	s22 =	smov.u32 s13;
	s23 =	smov.u32 s15  }
0x54: {  	s22 =	rddreg [dreg:$0x5];
	p3 =	sge.s32 s3, s5  }
0x55: {  	p2 =	sge.s32 @!p3 s3, s22  }
0x56: {  	p2 =	por p2, p3  }
0x57: {  	s22 =	simm.s32 @!p2 $0x0;
	s23 =	simm.s32 @!p2 $0x13900;
	s24 =	simm.s32 @!p2 $0x4  }
0x58: {  	[tilespmem:s23], [sflag:$0x4] =	stream.linear.gather @!p2 [hbm4b:s14+s22], $0x80, $0x38;
	[tilespmem:$0x1B980] =	vst v63  }
0x59: {  	_ =	swait.ge @!p2 [sflag:s24], $0x80  }
0x5a: {  	s28 =	sadd.s32 $0x1, s3;
	s25 =	simm.s32 @!p3 $0x13880;
	[sflag:s24] =	ssyncset.done @!p2 $0x0  }
0x5b: {  	s23 =	simm.s32 @!p2 $0x17980;
	[sflag:s24] =	ssyncadd.s32 @!p2 $0xFFFFFF80;
	s24 =	simm.s32 @!p3 $0x1  }
0x5c: {  	[tilespmem:s23], [sflag:$0x2] =	stream.linear.gather @!p2 [hbm4b:s13+s22], $0x4000, $0x38;
	[tilespmem:$0x1B980] =	vst v63  }
0x5d: {  	p4 =	sge.s32 s28, s5;
	s22 =	simm.s32 @!p3 $0x13980;
	_ =	swait.ge @!p3 [sflag:s24], $0x4000  }
0x5e: {  	s23 =	simm.s32 @!p3 $0x4;
	p2 =	sge.s32 @!p4 s3, s11;
	[sflag:s24] =	ssyncset.done @!p3 $0x0  }
0x5f: {  	p2 =	por p2, p4;
	[sflag:s24] =	ssyncadd.s32 @!p3 $0xFFFFC000;
	s24 =	simm.s32 @!p3 $0x80  }
0x60: {  	[spmem:s2] =	stream.indirect.scatter.add.f32 @!p3 [tilespmem:s22], [sflag:$0x4], $0x80, s25, s24, $0xb8;
	[tilespmem:$0x1B980] =	vst v63  }
0x61: {  	s22 =	sshrl.u32 @!p2 s15, $0x3;
	_ =	swait.ge @!p3 [sflag:s23], $0x4000  }
0x62: {  	s24 =	simm.s32 @!p2 $0x0;
	s25 =	simm.s32 @!p2 $0x4;
	[sflag:s23] =	ssyncset.done @!p3 $0x0  }
0x63: {  	s22 =	sadd.s32 @!p2 s4, s22;
	[sflag:s23] =	ssyncadd.s32 @!p3 $0xFFFFC000;
	s23 =	simm.s32 @!p2 $0x13880  }
0x64: {  	[tilespmem:s23], [sflag:$0x4] =	stream.linear.gather @!p2 [hbm4b:s22+s24], $0x80, $0x38;
	[tilespmem:$0x1B980] =	vst v63  }
0x65: {  	_ =	swait.ge @!p2 [sflag:s25], $0x80  }
0x66: {  	s26 =	sadd.s32 $0xFFFFFFFF, s26;
	s22 =	sadd.s32 @!p2 $0x800, s13;
	[sflag:s25] =	ssyncset.done @!p2 $0x0  }
0x67: {  	s23 =	simm.s32 @!p2 $0x13980;
	[sflag:s25] =	ssyncadd.s32 @!p2 $0xFFFFFF80;
	s25 =	simm.s32 @!p4 $0x2  }
0x68: {  	[tilespmem:s23], [sflag:$0x1] =	stream.linear.gather @!p2 [hbm4b:s22+s24], $0x4000, $0x38;
	[tilespmem:$0x1B980] =	vst v63  }
0x69: {  	s28 =	simm.s32 @!p4 $0x3;
	p2 =	sne.s32 s26, $0x0;
	_ =	swait.ge @!p4 [sflag:s25], $0x4000  }
.Ltmp4:
0x6a: {  	s22 =	simm.s32 @!p4 $0x17980;
	[sflag:s25] =	ssyncset.done @!p4 $0x0;
	(pc) =	sbr.rel @!p2 .LBB2_5-.Ltmp4, $4  }
0x6b: {  	s23 =	simm.s32 @!p4 $0x80;
	s24 =	simm.s32 @!p4 $0x13900;
	[sflag:s25] =	ssyncadd.s32 @!p4 $0xFFFFC000  }
0x6c: {  	[spmem:s2] =	stream.indirect.scatter.add.f32 @!p4 [tilespmem:s22], [sflag:$0x3], $0x80, s24, s23, $0xb8;
	[tilespmem:$0x1B980] =	vst v63  }
0x6d: {  	p3 =	por $0x1, $0x1;
	s25 =	sadd.s32 $0x20, s14;
	s23 =	sadd.s32 $0x100, s15  }
0x6e: {  	s24 =	sadd.s32 $0x2, s3;
	s22 =	sadd.s32 $0x1000, s13;
	_ =	swait.ge @!p4 [sflag:s28], $0x4000  }
.LBB2_4:
0x6f: {  	s29 =	rddreg [dreg:$0x5];
	p6 =	sge.s32 s24, s5  }
0x70: {  	[sflag:s28] =	ssyncset.done @!p4 $0x0;
	p2 =	sge.s32 @!p6 s24, s29  }
0x71: {  	[sflag:s28] =	ssyncadd.s32 @!p4 $0xFFFFC000;
	p2 =	por p2, p6  }
0x72: {  	s28 =	simm.s32 @!p2 $0x0;
	s29 =	simm.s32 @!p2 $0x13900;
	s30 =	simm.s32 @!p2 $0x4  }
0x73: {  	[tilespmem:s29], [sflag:$0x4] =	stream.linear.gather @!p2 [hbm4b:s25+s28], $0x80, $0x38;
	[tilespmem:$0x1B980] =	vst v63  }
0x74: {  	_ =	swait.ge @!p2 [sflag:s30], $0x80  }
0x75: {  	s0 =	sadd.s32 $0x1, s24;
	s31 =	simm.s32 @!p6 $0x13880;
	[sflag:s30] =	ssyncset.done @!p2 $0x0  }
0x76: {  	s29 =	simm.s32 @!p2 $0x17980;
	[sflag:s30] =	ssyncadd.s32 @!p2 $0xFFFFFF80;
	s30 =	simm.s32 @!p6 $0x1  }
0x77: {  	[tilespmem:s29], [sflag:$0x2] =	stream.linear.gather @!p2 [hbm4b:s22+s28], $0x4000, $0x38;
	[tilespmem:$0x1B980] =	vst v63  }
0x78: {  	p4 =	sge.s32 s0, s5;
	s28 =	simm.s32 @!p6 $0x13980;
	_ =	swait.ge @!p6 [sflag:s30], $0x4000  }
0x79: {  	s29 =	simm.s32 @!p6 $0x4;
	p2 =	sge.s32 @!p4 s24, s11;
	[sflag:s30] =	ssyncset.done @!p6 $0x0  }
0x7a: {  	p2 =	por p2, p4;
	[sflag:s30] =	ssyncadd.s32 @!p6 $0xFFFFC000;
	s30 =	simm.s32 @!p6 $0x80  }
0x7b: {  	[spmem:s2] =	stream.indirect.scatter.add.f32 @!p6 [tilespmem:s28], [sflag:$0x4], $0x80, s31, s30, $0xb8;
	[tilespmem:$0x1B980] =	vst v63  }
0x7c: {  	s26 =	sadd.s32 $0xFFFFFFFF, s26;
	s0 =	sshrl.u32 @!p2 s23, $0x3;
	_ =	swait.ge @!p6 [sflag:s29], $0x4000  }
0x7d: {  	s0 =	sadd.s32 @!p2 s4, s0;
	s28 =	simm.s32 @!p2 $0x13880;
	[sflag:s29] =	ssyncset.done @!p6 $0x0  }
0x7e: {  	s30 =	simm.s32 @!p2 $0x4;
	[sflag:s29] =	ssyncadd.s32 @!p6 $0xFFFFC000;
	s29 =	simm.s32 @!p2 $0x0  }
0x7f: {  	[tilespmem:s28], [sflag:$0x4] =	stream.linear.gather @!p2 [hbm4b:s0+s29], $0x80, $0x38;
	[tilespmem:$0x1B980] =	vst v63  }
0x80: {  	p5 =	sne.s32 s26, $0x0;
	_ =	swait.ge @!p2 [sflag:s30], $0x80  }
0x81: {  	s25 =	sadd.s32 $0x20, s25;
	s0 =	sadd.s32 @!p2 $0x800, s22;
	[sflag:s30] =	ssyncset.done @!p2 $0x0  }
0x82: {  	s28 =	simm.s32 @!p2 $0x13980;
	[sflag:s30] =	ssyncadd.s32 @!p2 $0xFFFFFF80;
	s30 =	simm.s32 @!p4 $0x2  }
0x83: {  	[tilespmem:s28], [sflag:$0x1] =	stream.linear.gather @!p2 [hbm4b:s0+s29], $0x4000, $0x38;
	[tilespmem:$0x1B980] =	vst v63  }
.Ltmp5:
0x84: {  	s24 =	sadd.s32 $0x2, s24;
	_ =	swait.ge @!p4 [sflag:s30], $0x4000;
	(pc) =	sbr.rel @p5 .LBB2_4-.Ltmp5, $4  }
0x85: {  	s31 =	simm.s32 @!p4 $0x13900;
	s0 =	simm.s32 @!p4 $0x17980;
	[sflag:s30] =	ssyncset.done @!p4 $0x0  }
0x86: {  	s29 =	simm.s32 @!p4 $0x80;
	s28 =	simm.s32 @!p4 $0x3;
	[sflag:s30] =	ssyncadd.s32 @!p4 $0xFFFFC000  }
0x87: {  	[spmem:s2] =	stream.indirect.scatter.add.f32 @!p4 [tilespmem:s0], [sflag:$0x3], $0x80, s31, s29, $0xb8;
	[tilespmem:$0x1B980] =	vst v63  }
0x88: {  	s23 =	sadd.s32 $0x100, s23;
	s22 =	sadd.s32 $0x1000, s22;
	_ =	swait.ge @!p4 [sflag:s28], $0x4000  }
.Ltmp6:
0x89: {  	_ = 	snop;
	(pc) =	sbr.rel .LBB2_5-.Ltmp6, $1  }
0x8a: {  	_ =	sdelay $0x3  }
.LBB2_7:
0x8b: {  	_ =	sfence.sel $0x180000  }
0x8c: {  	[bflag:$0x0] =	sbarrier.arrive $0xFFFF  }
0x8d: {  	_ =	strace $0x9000004D  }
0x8e: {  	[bflag:$0x2] =	sbarrier.arrive $0xFFFF  }
0x8f: {  	p0 =	sne.s32 s1, $0x0;
	s0 =	rddreg [dreg:$0x4]  }
0x90: {  	s0 =	sadd.s32 @!p0 $0x100000, s0  }
0x91: {  	[sflag:s0] =	ssyncadd.tile.s32 @!p0 $0x1;
	_ =	shalt  }
.Lfunc_end2:
_tile_overlayer_lowered:
.L_overlay_start_2:
0x92: {  	(tag) =	ssettag $0x2  }
0x93: {  	s0 =	rddreg [dreg:$0x0];
	s2 =	stileid.u32  }
0x94: {  	s1 =	rddreg [dreg:$0x1];
	p0 =	sne.s32 s2, $0x0  }
0x95: {  	s3 =	rddreg [dreg:$0x2];
	[bflag:$0x3] =	sbarrier.arrive $0xFFFF;
	s2 =	simm.s32 @!p0 $0x1C03  }
0x96: {  	[timem:s3], [sflag:s2] =	dma.local @!p0 [hbm:s0], s1  }
0x97: {  	s0 =	simm.s32 @!p0 $0x3  }
0x98: {  	_ =	swait.ge @!p0 [sflag:s0], s1  }
0x99: {  	s1 =	ssub.s32 @!p0 $0x0, s1;
	[sflag:s0] =	ssyncset.done @!p0 $0x0  }
0x9a: {  	[sflag:s0] =	ssyncadd.s32 @!p0 s1  }
0x9b: {  	[bflag:$0x3] =	sbarrier.arrive $0xFFFF  }
0x9c: {  	_ =	shalt  }

// kernel: kernel.9.cloned.1.call-start
scs
__scs_entry_jumppad:
0x0: {  	(pc) =	sbr.rel $0x88, $3  }
0x1: {  	(tag) =	ssettag $0x0;
	lr =	simm.s32 $0x1  }
0x2: {  	[smem:$0x3F87] =	sst lr;
	_ =	strace $0xD0000000  }
0x3: {  	_ = 	snop  }
0x4: {  	_ = 	snop  }
0x5: {  	_ = 	snop  }
0x6: {  	_ = 	snop  }
0x7: {  	_ = 	snop  }
__scs_overlays_trampoline_lowered:
0x8: {  	[smem:$0x3F96] =	sst s0  }
0x9: {  	[smem:$0x3F97] =	sst s1  }
0xa: {  	[smem:$0x3F98] =	sst s2  }
0xb: {  	[smem:$0x3F99] =	sst s3  }
0xc: {  	[smem:$0x3F9A] =	sst s4  }
0xd: {  	[smem:$0x3F9B] =	sst s5  }
0xe: {  	[smem:$0x3F9C] =	sst s6  }
0xf: {  	[smem:$0x3F9D] =	sst s7  }
0x10: {  	[smem:$0x3F9E] =	sst s8  }
0x11: {  	[smem:$0x3F9F] =	sst s9;
	s0 =	simm.s32 @!p0 $0x0  }
0x12: {  	s1 =	sld [smem:$0x3F85];
	s0 =	simm.s32 @p0 $0x1  }
0x13: {  	[smem:$0x3FA0] =	sst s0;
	s0 =	simm.s32 @!p1 $0x0  }
0x14: {  	s2 =	sld [smem:$0x3F84];
	s0 =	simm.s32 @p1 $0x1  }
0x15: {  	[smem:$0x3FA1] =	sst s0;
	s0 =	simm.s32 @!p2 $0x0  }
0x16: {  	s3 =	sld [smem:$0x3FDB];
	s0 =	simm.s32 @p2 $0x1  }
0x17: {  	s4 =	simm.s32 $0x1BF5;
	[smem:$0x3FA3] =	sst s0  }
0x18: {  	s0 =	sld [smem:$0x3F86];
	_ =	swait.ge [sflag:s4], $0x0  }
0x19: {  	s7 =	sld [smem:$0x3F87]  }
0x1a: {  	s8 =	sadd.s32 $0xFFFFE003, lr  }
0x1b: {  	s9 =	sadd.s32 $0xFFFFFEF7, lr;
	s5 =	simm.s32 $0xFFFFFFFF;
	p2 =	slt.u32 s8, $0xFFFFF086  }
0x1c: {  	p1 =	slt.u32 s9, $0xF7A;
	s5 =	simm.s32 @!p2 $0x0  }
0x1d: {  	s5 =	simm.s32 @p1 $0x1;
	p0 =	seq.s32 s7, s2  }
0x1e: {  	s7 =	smul.u32 @!p0 $0xF7A, s2;
	p2 =	seq.s32 @!p0 s5, $0x0  }
0x1f: {  	s9 =	smul.u32 $0xF7A, s1;
	s8 =	simm.s32 @!p0 $0x1BF5;
	p2 =	por !p2, p0  }
0x20: {  	[sflag:s8] =	ssyncset.s32 @!p0 $0xFFFFF086;
	s6 =	sadd.s32 @!p0 s3, s7;
	s7 =	simm.s32 @!p0 $0x108  }
0x21: {  	s3 =	sadd.s32 s3, s9;
	s6 =	sadd.s32 @!p0 $0x88, s6;
	s7 =	simm.s32 @p2 $0x1082  }
0x22: {  	[simem:s7], [sflag:s8] =	dma.local @!p0 [hbm:s6], $0xF7A  }
0x23: {  	s9 =	sor.u32 $0xD0000000, s2;
	s6 =	simm.s32 $0x108;
	_ =	swait.ge @!p0 [sflag:s8], $0x0  }
0x24: {  	s3 =	sadd.s32 $0x88, s3;
	s6 =	simm.s32 @!p1 $0x1082;
	[sflag:s4] =	ssyncset.s32 $0xFFFFF086  }
0x25: {  	[simem:s6], [sflag:s4] =	dma.local [hbm:s3], $0xF7A  }
0x26: {  	[smem:$0x3F87] =	sst s1;
	(tag) =	ssettag s2;
	_ =	strace s9  }
0x27: {  	s1 =	sld [smem:$0x3F97]  }
0x28: {  	s2 =	sld [smem:$0x3F98]  }
0x29: {  	s4 =	sld [smem:$0x3F9A]  }
0x2a: {  	p0 =	seq.s32 s5, $0x0;
	s5 =	sld [smem:$0x3F9B]  }
0x2b: {  	s6 =	sld [smem:$0x3F9C]  }
0x2c: {  	s7 =	sld [smem:$0x3F9D]  }
0x2d: {  	s3 =	simm.s32 $0x108;
	s8 =	sld [smem:$0x3F9E]  }
0x2e: {  	s3 =	simm.s32 @!p0 $0x1082;
	s9 =	sld [smem:$0x3F9F]  }
0x2f: {  	lr =	sadd.s32 s0, s3;
	s0 =	sld [smem:$0x3F96]  }
0x30: {  	s3 =	sld [smem:$0x3F99]  }
0x31: {  	[smem:$0x3FA2] =	sst s10  }
0x32: {  	s10 =	sld [smem:$0x3FA0];
	_ =	sdelay $0x3  }
0x33: {  	p0 =	seq.s32 s10, $0x1;
	s10 =	sld [smem:$0x3FA2];
	_ =	sdelay $0x3  }
0x34: {  	[smem:$0x3FA2] =	sst s10  }
0x35: {  	s10 =	sld [smem:$0x3FA1];
	_ =	sdelay $0x3  }
0x36: {  	p1 =	seq.s32 s10, $0x1;
	s10 =	sld [smem:$0x3FA2];
	_ =	sdelay $0x3  }
0x37: {  	[smem:$0x3FA2] =	sst s10  }
0x38: {  	s10 =	sld [smem:$0x3FA3]  }
0x39: {  	_ = 	snop;
	(pc) =	sbr.ind lr, $3  }
0x3a: {  	_ = 	snop  }
0x3b: {  	_ = 	snop  }
0x3c: {  	p2 =	seq.s32 s10, $0x1;
	s10 =	sld [smem:$0x3FA2]  }
0x3d: {  	_ =	shalt  }
0x3e: {  	_ =	shalt  }
0x3f: {  	_ =	shalt  }
0x40: {  	_ =	shalt  }
0x41: {  	_ =	shalt  }
0x42: {  	_ =	shalt  }
0x43: {  	_ =	shalt  }
0x44: {  	_ =	shalt  }
0x45: {  	_ =	shalt  }
0x46: {  	_ =	shalt  }
0x47: {  	_ =	shalt  }
0x48: {  	_ =	shalt  }
0x49: {  	_ =	shalt  }
0x4a: {  	_ =	shalt  }
0x4b: {  	_ =	shalt  }
0x4c: {  	_ =	shalt  }
0x4d: {  	_ =	shalt  }
0x4e: {  	_ =	shalt  }
0x4f: {  	_ =	shalt  }
0x50: {  	_ =	shalt  }
0x51: {  	_ =	shalt  }
0x52: {  	_ =	shalt  }
0x53: {  	_ =	shalt  }
0x54: {  	_ =	shalt  }
0x55: {  	_ =	shalt  }
0x56: {  	_ =	shalt  }
0x57: {  	_ =	shalt  }
0x58: {  	_ =	shalt  }
0x59: {  	_ =	shalt  }
0x5a: {  	_ =	shalt  }
0x5b: {  	_ =	shalt  }
0x5c: {  	_ =	shalt  }
0x5d: {  	_ =	shalt  }
0x5e: {  	_ =	shalt  }
0x5f: {  	_ =	shalt  }
0x60: {  	_ =	shalt  }
0x61: {  	_ =	shalt  }
0x62: {  	_ =	shalt  }
0x63: {  	_ =	shalt  }
0x64: {  	_ =	shalt  }
0x65: {  	_ =	shalt  }
0x66: {  	_ =	shalt  }
0x67: {  	_ =	shalt  }
0x68: {  	_ =	shalt  }
0x69: {  	_ =	shalt  }
0x6a: {  	_ =	shalt  }
0x6b: {  	_ =	shalt  }
0x6c: {  	_ =	shalt  }
0x6d: {  	_ =	shalt  }
0x6e: {  	_ =	shalt  }
0x6f: {  	_ =	shalt  }
0x70: {  	_ =	shalt  }
0x71: {  	_ =	shalt  }
0x72: {  	_ =	shalt  }
0x73: {  	_ =	shalt  }
0x74: {  	_ =	shalt  }
0x75: {  	_ =	shalt  }
0x76: {  	_ =	shalt  }
0x77: {  	_ =	shalt  }
0x78: {  	_ =	shalt  }
0x79: {  	_ =	shalt  }
0x7a: {  	_ =	shalt  }
0x7b: {  	_ =	shalt  }
0x7c: {  	_ =	shalt  }
0x7d: {  	_ =	shalt  }
0x7e: {  	_ =	shalt  }
0x7f: {  	_ =	shalt  }
0x80: {  	_ =	shalt  }
0x81: {  	_ =	shalt  }
0x82: {  	_ =	shalt  }
0x83: {  	_ =	shalt  }
0x84: {  	_ =	shalt  }
0x85: {  	_ =	shalt  }
0x86: {  	_ =	shalt  }
0x87: {  	_ =	shalt  }
.Lfunc_end0:
.L_simem_size_0:
called_computation_lowered:
.L_overlay_start_0:
0x88: {  	s2 =	sld [smem:$0x3FD9]  }
0x89: {  	s3 =	sld [smem:$0x3FFE];
	_ =	sdelay $0x1  }
0x8a: {  	s1 =	srdreg.scid  }
0x8b: {  	s0 =	sand.u32 $0x1, s1  }
0x8c: {  	s14 =	sshll.u32 s0, $0xA;
	s2 =	sadd.s32 s3, s2  }
0x8d: {  	s2 =	sadd.s32 s2, s14  }
0x8e: {  	[smem:$0x3FAE] =	sst s2  }
0x8f: {  	_ = 	snop  }
0x90: {  	s2 =	sld [smem:$0x3FD0];
	_ =	sdelay $0x2  }
0x91: {  	s15 =	simm.s32 $0xA;
	s4 =	simm.s32 $0x10  }
0x92: {  	[smem:s4], [sflag:s15] =	dma.local [hbm:s2], $0x1  }
0x93: {  	_ =	swait.eq [sflag:s15], $0x1  }
0x94: {  	[sflag:s15] =	ssyncset.done $0x0  }
0x95: {  	[sflag:s15] =	ssyncadd.s32 $0xFFFFFFFF  }
0x96: {  	s16 =	sld [smem:$0x10];
	(tm) =	ssettm $0x1  }
0x97: {  	s17 =	sld [smem:$0x3FFB];
	_ =	sdelay $0x3  }
0x98: {  	_ =	strace s17  }
0x99: {  	s3 =	sld [smem:$0x3FFC];
	_ =	sdelay $0x3  }
0x9a: {  	_ =	strace s3  }
0x9b: {  	s3 =	sld [smem:$0x3FFD];
	_ =	sdelay $0x3  }
0x9c: {  	_ =	strace s3  }
0x9d: {  	_ =	strace $0x8FFFFFFF  }
0x9e: {  	s18 =	sld [smem:$0x3FDB];
	_ =	sdelay $0x1  }
0x9f: {  	s19 =	simm.s32 $_scs_section_size  }
0xa0: {  	s5 =	simm.s32 $_size__tile_overlayer_lowered;
	s6 =	simm.s32 $_tile_overlayer_lowered  }
0xa1: {  	s22 =	simm.s32 $0x1BFF;
	s21 =	sshll.u32 s6, $0x1;
	s3 =	sadd.s32 s19, s18  }
0xa2: {  	s7 =	simm.s32 $0x0;
	s20 =	sshll.u32 s5, $0x1;
	s5 =	sadd.s32 s21, s3  }
0xa3: {  	[timem:s7], [sflag:s22] =	dma.local [hbm:s5], s20  }
0xa4: {  	_ =	swait.ge [sflag:s22], s20  }
0xa5: {  	s4 =	ssub.s32 $0x0, s20;
	[sflag:s22] =	ssyncset.done $0x0  }
0xa6: {  	[sflag:s22] =	ssyncadd.s32 s4;
	_ =	sdelay $0x1  }
0xa7: {  	s23 =	simm.s32 $0x1B8B  }
0xa8: {  	_ =	swait.ge [sflag:s23], $0x1  }
0xa9: {  	[sflag:s23] =	ssyncset.done $0x0  }
0xaa: {  	s25 =	simm.s32 $0x1B8E;
	s24 =	sld [smem:$0x3FFE];
	[sflag:s23] =	ssyncadd.s32 $0xFFFFFFFF  }
0xab: {  	s26 =	simm.s32 $execute0_lowered;
	[smem:$0x3FD2] =	sst s25  }
0xac: {  	s5 =	sshll.u32 s26, $0x1;
	_ =	strace $0x80000046;
	[dreg:$0x1] =	wrdreg $0xFFFFFFFF  }
0xad: {  	s28 =	simm.s32 $_size_execute0_lowered;
	s3 =	sadd.s32 s3, s5;
	[dreg:$0x0] =	wrdreg $0x0  }
0xae: {  	s5 =	sshll.u32 s28, $0x1;
	[dreg:$0x2] =	wrdreg s3  }
0xaf: {  	[dreg:$0x3] =	wrdreg s5  }
0xb0: {  	[dreg:$0x4] =	wrdreg $0xC0  }
0xb1: {  	_ =	task [dreg:s7], $0x5FFFF  }
0xb2: {  	[dreg:$0x1] =	wrdreg $0xFFFFFFFF  }
0xb3: {  	[dreg:$0x0] =	wrdreg $0x60  }
0xb4: {  	[dreg:$0x2] =	wrdreg s24  }
0xb5: {  	[dreg:$0x3] =	wrdreg s16  }
0xb6: {  	[dreg:$0x4] =	wrdreg $0x9  }
0xb7: {  	_ =	task.clear_ibuf [dreg:s7], $0x5FFFF;
	_ =	strace $0x90000046  }
0xb8: {  	s29 =	simm.s32 $0x9;
	_ =	strace $0x80000048  }
0xb9: {  	_ =	swait.ge [sflag:s29], $0x1  }
0xba: {  	[sflag:s29] =	ssyncadd.s32 $0xFFFFFFFF  }
0xbb: {  	_ =	strace $0x90000048  }
0xbc: {  	_ =	sfence  }
0xbd: {  	s30 =	sld [smem:$0x0];
	_ =	sdelay $0x2  }
0xbe: {  	s31 =	sshll.u32 s1, $0xD;
	s1 =	sshrl.u32 s1, $0x2  }
0xbf: {  	s3 =	sand.u32 $0x4000, s31;
	s1 =	sadd.s32 s1, s30  }
0xc0: {  	s0 =	sor.u32 s3, s0;
	s1 =	sshll.u32 s1, $0x11  }
0xc1: {  	s0 =	sor.u32 s1, s0  }
0xc2: {  	s0 =	sadd.s32 $0x8F2B, s0  }
0xc3: {  	[sflag:s0] =	ssyncadd.remote.s32 $0x1  }
0xc4: {  	_ =	sfence.sel $0xFFFF  }
0xc5: {  	[dreg:$0x0] =	wrdreg $0xFFFFFFFF;
	(pc) =	sbr.abs _section_cstart, $3  }
0xc6: {  	[dreg:$0x1] =	wrdreg $0xFFFFFFFF  }
0xc7: {  	_ =	task.clear_ibuf [dreg:s7], $0x2FFFF;
	_ =	strace $0x9FFFFFFF  }
0xc8: {  	(tm) =	ssettm $0x7FFFFFFF  }
0xc9: {  	_ =	shalt  }
tec
execute0_lowered:
.L_overlay_start_1:
0x0: {  	(tag) =	ssettag $0x1  }
0x1: {  	s1 =	srdreg.scid;
	s4 =	rddreg [dreg:$0x0]  }
0x2: {  	s0 =	stileid.u32;
	s5 =	rddreg [dreg:$0x1];
	s2 =	simm.s32 $0x0  }
0x3: {  	s9 =	simm.s32 $0x2780;
	s3 =	sand.u32 $0x1, s1;
	s30 =	sshll.u32 s0, $0x1  }
0x4: {  	s10 =	simm.s32 $0x4F00;
	s11 =	simm.s32 $0x7680;
	s1 =	sor.u32 s3, s30  }
0x5: {  	[smem:$0x7FF] =	sst s2;
	s3 =	ssub.s32 $0x2, s3;
	s6 =	smul.u32 $0x4E2, s1  }
0x6: {  	s12 =	simm.s32 $0x0;
	s1 =	rddreg [dreg:$0x2];
	s31 =	sshrl.u32 s3, $0x1  }
0x7: {  	_ =	strace $0x80000047;
	s8 =	ssub.s32 s3, s31;
	s7 =	sadd.s32 s6, s4  }
0x8: {  	s5 =	sadd.s32 s5, s6;
	s3 =	sadd.s32 $0x6000, s7;
	s4 =	sadd.s32 $0xFE00, s7  }
0x9: {  	v0 =	vimm.f32 $0.0e+00;
	v1 =	vimm.f32 $1.000000000e+00;
	s6 =	sadd.s32 $0x19C00, s7;
	s7 =	smax.u32 s8, $0x1;
	s8 =	simm.s32 $0x1  }
.LBB2_1:
0xa: {  	[tilespmem:s2], [sflag:$0x1] =	stream.linear.gather [hbm4b:s3+s2], $0x2710, $0x38;
	[tilespmem:$0x9E00] =	vst v63  }
0xb: {  	_ =	swait.ge [sflag:s8], $0x2710  }
0xc: {  	[sflag:s8] =	ssyncset.done $0x0  }
0xd: {  	[sflag:s8] =	ssyncadd.s32 $0xFFFFD8F0  }
0xe: {  	[tilespmem:s9], [sflag:$0x1] =	stream.linear.gather [hbm4b:s4+s2], $0x2710, $0x38;
	[tilespmem:$0x9E00] =	vst v63  }
0xf: {  	_ =	swait.ge [sflag:s8], $0x2710  }
0x10: {  	[sflag:s8] =	ssyncset.done $0x0  }
0x11: {  	s13 =	simm.s32 $0x0;
	[sflag:s8] =	ssyncadd.s32 $0xFFFFD8F0  }
.LBB2_2:
0x12: {  	p0 =	sne.s32 s13, $0x9C00  }
.Ltmp0:
0x13: {  	_ = 	snop;
	(pc) =	sbr.rel @p0 .LBB2_2-.Ltmp0, $4  }
0x14: {  	_ = 	snop  }
0x15: {  	s14 =	sshra.s32 s13, $0x2  }
0x16: {  	[tilespmem:s14+$0x4F00] =	vst v0  }
0x17: {  	s13 =	sadd.s32 $0x40, s13;
	[tilespmem:s14+$0x7680] =	vst v0  }
0x18: {  	s14 =	simm.s32 $0x0;
	s13 =	simm.s32 $0x40  }
.LBB2_4:
0x19: {  	p0 =	sne.s32 s13, $0x9C00;
	v2 =	vld [tilespmem:s14+$0x0];
	_ =	sdelay $0x7  }
0x1a: {  	[tilespmem:v2+s10+$0x0] =	vst.idx.add.f32.msk $0xffff, v1  }
0x1b: {  	v2 =	vld [tilespmem:s14+$0x2780];
	_ =	sdelay $0x3  }
.Ltmp1:
0x1c: {  	(pc) =	sbr.rel @p0 .LBB2_4-.Ltmp1, $2  }
0x1d: {  	_ =	sdelay $0x2  }
0x1e: {  	s14 =	sshra.s32 s13, $0x2;
	s13 =	sadd.s32 $0x40, s13;
	[tilespmem:v2+s11+$0x0] =	vst.idx.add.f32.msk $0xffff, v1  }
0x1f: {  	v2 =	vld [tilespmem:s14+$0x0];
	_ =	sdelay $0x7  }
0x20: {  	[tilespmem:v2+s10+$0x0] =	vst.idx.add.f32.msk $0xffff, v1  }
0x21: {  	v2 =	vld [tilespmem:s14+$0x2780];
	_ =	sdelay $0x7  }
0x22: {  	[tilespmem:v2+s11+$0x0] =	vst.idx.add.f32.msk $0xffff, v1  }
0x23: {  	[hbm4b:s5+s2] =	stream.linear.scatter [tilespmem:s10], [sflag:$0x1], $0x2710, $0x38;
	[tilespmem:$0x9E00] =	vst v63  }
0x24: {  	s12 =	sadd.s32 $0x1, s12;
	_ =	swait.ge [sflag:s8], $0x2710  }
0x25: {  	p0 =	sne.s32 s12, s7;
	[sflag:s8] =	ssyncset.done $0x0  }
.Ltmp2:
0x26: {  	[sflag:s8] =	ssyncadd.s32 $0xFFFFD8F0;
	(pc) =	sbr.rel @p0 .LBB2_1-.Ltmp2, $4  }
0x27: {  	[hbm4b:s6+s2] =	stream.linear.scatter [tilespmem:s11], [sflag:$0x1], $0x2710, $0x38;
	[tilespmem:$0x9E00] =	vst v63  }
0x28: {  	_ =	swait.ge [sflag:s8], $0x2710  }
0x29: {  	[sflag:s8] =	ssyncset.done $0x0  }
0x2a: {  	[sflag:s8] =	ssyncadd.s32 $0xFFFFD8F0  }
0x2b: {  	_ =	sfence.sel $0x180000  }
0x2c: {  	[bflag:$0x0] =	sbarrier.arrive $0xFFFF  }
0x2d: {  	p0 =	sne.s32 s0, $0x0;
	_ =	strace $0x90000047  }
0x2e: {  	s0 =	sadd.s32 @!p0 $0x100000, s1;
	[bflag:$0x2] =	sbarrier.arrive $0xFFFF  }
0x2f: {  	[sflag:s0] =	ssyncadd.tile.s32 @!p0 $0x1;
	_ =	shalt  }
.Lfunc_end2:
_tile_overlayer_lowered:
.L_overlay_start_2:
0x30: {  	(tag) =	ssettag $0x2  }
0x31: {  	s0 =	rddreg [dreg:$0x0];
	s2 =	stileid.u32  }
0x32: {  	s1 =	rddreg [dreg:$0x1];
	p0 =	sne.s32 s2, $0x0  }
0x33: {  	s3 =	rddreg [dreg:$0x2];
	[bflag:$0x3] =	sbarrier.arrive $0xFFFF;
	s2 =	simm.s32 @!p0 $0x1C01  }
0x34: {  	[timem:s3], [sflag:s2] =	dma.local @!p0 [hbm:s0], s1  }
0x35: {  	s0 =	simm.s32 @!p0 $0x1  }
0x36: {  	_ =	swait.ge @!p0 [sflag:s0], s1  }
0x37: {  	s1 =	ssub.s32 @!p0 $0x0, s1;
	[sflag:s0] =	ssyncset.done @!p0 $0x0  }
0x38: {  	[sflag:s0] =	ssyncadd.s32 @!p0 s1  }
0x39: {  	[bflag:$0x3] =	sbarrier.arrive $0xFFFF  }
0x3a: {  	_ =	shalt  }

</sc_bundles>
